<compile_context>
chip_gen: v7x
topology: tpu7x:2x2x1
jax: 0.10.2.dev20260603
libtpu: 0.0.44.dev20260713+nightly
codegen_flags: <defaults>
</compile_context>

<pallas_src>
import functools

import jax
import jax.numpy as jnp
from jax import lax
from jax.experimental import pallas as pl
from jax.experimental.pallas import tpu as pltpu
from jax.experimental.pallas import tpu_sc as plsc

NC = 2
NS = 16
NW = NC * NS

CH = 80
WB = 624
ZR = 208
PBITS = 14
TRASH = 8


def _unpack(pidx, i, sid, did):
    def lane(j, _):
        v = pidx[i, pl.ds(j * 16, 16)]
        sid[0, pl.ds(j * 16, 16)] = jnp.bitwise_and(v, (1 << PBITS) - 1)
        did[0, pl.ds(j * 16, 16)] = jnp.right_shift(v, PBITS)
        return 0
    lax.fori_loop(0, CH // 16, lane, 0)


def _unpack_hi(pidx, i, did):
    def lane(j, _):
        v = pidx[i, pl.ds(j * 16, 16)]
        did[0, pl.ds(j * 16, 16)] = jnp.right_shift(v, PBITS)
        return 0
    lax.fori_loop(0, CH // 16, lane, 0)


def _zero_acc(z_hbm, acc, s, n):
    tail = n - NS * WB

    def zero(j, _):
        pltpu.sync_copy(z_hbm, acc.at[pl.ds(s * WB + j * ZR, ZR)])
        return 0

    lax.fori_loop(0, WB // ZR, zero, 0)

    @pl.when(s == NS - 1)
    def _():
        pltpu.sync_copy(z_hbm.at[pl.ds(0, tail)], acc.at[pl.ds(NS * WB, tail)])


def _writeback(acc, out_hbm, c, s, n):
    tail = n - NS * WB
    pltpu.sync_copy(acc.at[pl.ds(s * WB, WB)],
                    out_hbm.at[c, pl.ds(s * WB, WB)])

    @pl.when(s == NS - 1)
    def _():
        pltpu.sync_copy(acc.at[pl.ds(NS * WB, tail)],
                        out_hbm.at[c, pl.ds(NS * WB, tail)])


def _sc_degree(pk3, z_hbm, n):
    _, n_ch, _ = pk3.shape
    h = z_hbm.shape[1]
    mesh = plsc.VectorSubcoreMesh(core_axis_name="c", subcore_axis_name="s")

    @functools.partial(
        pl.kernel,
        out_type=jax.ShapeDtypeStruct((NC, n, h), jnp.float32),
        mesh=mesh,
        scratch_types=[
            pltpu.VMEM((n_ch, CH), jnp.int32),
            pltpu.VMEM((1, CH), jnp.int32),
            pltpu.VMEM((1, CH), jnp.int32),
            pltpu.VMEM((CH, h), jnp.float32),
            pltpu.VMEM_SHARED((n + TRASH, h), jnp.float32),
            pltpu.SemaphoreType.DMA,
            pltpu.SemaphoreType.DMA,
        ],
    )
    def deg_kernel(pk_hbm, zz_hbm, out_hbm, pidx, did0, did1, ones_v, acc,
                   sem0, sem1):
        c = lax.axis_index("c")
        s = lax.axis_index("s")
        w = c * NS + s

        pltpu.sync_copy(pk_hbm.at[w], pidx)

        def fill_ones(i, _):
            def fill_lane(j, _):
                ones_v[i, pl.ds(j * 16, 16)] = jnp.ones((16,), jnp.float32)
                return 0
            lax.fori_loop(0, h // 16, fill_lane, 0)
            return 0

        lax.fori_loop(0, CH, fill_ones, 0)
        _zero_acc(zz_hbm, acc, s, n)
        plsc.subcore_barrier()

        _unpack_hi(pidx, 0, did0)
        pltpu.async_copy(ones_v, acc.at[did0.at[0]], sem0, add=True)

        def step2(g, _):
            i1 = 2 * g + 1
            _unpack_hi(pidx, i1, did1)
            pltpu.async_copy(ones_v, acc.at[did1.at[0]], sem1, add=True)
            pltpu.make_async_copy(ones_v, acc.at[did0.at[0]], sem0).wait()

            @pl.when(i1 + 1 < n_ch)
            def _():
                _unpack_hi(pidx, i1 + 1, did0)
                pltpu.async_copy(ones_v, acc.at[did0.at[0]], sem0, add=True)

            pltpu.make_async_copy(ones_v, acc.at[did1.at[0]], sem1).wait()
            return 0

        lax.fori_loop(0, n_ch // 2, step2, 0)
        if n_ch % 2 == 1:
            pltpu.make_async_copy(ones_v, acc.at[did0.at[0]], sem0).wait()
        plsc.subcore_barrier()
        _writeback(acc, out_hbm, c, s, n)

    return deg_kernel(pk3, z_hbm)


def _sc_agg(hp, pk3, z_hbm):
    n, h = hp.shape
    _, n_ch, _ = pk3.shape
    mesh = plsc.VectorSubcoreMesh(core_axis_name="c", subcore_axis_name="s")

    @functools.partial(
        pl.kernel,
        out_type=jax.ShapeDtypeStruct((NC, n, h), jnp.float32),
        mesh=mesh,
        scratch_types=[
            pltpu.VMEM((n_ch, CH), jnp.int32),
            pltpu.VMEM((1, CH), jnp.int32),
            pltpu.VMEM((1, CH), jnp.int32),
            pltpu.VMEM((1, CH), jnp.int32),
            pltpu.VMEM((1, CH), jnp.int32),
            pltpu.VMEM((CH, h), jnp.float32),
            pltpu.VMEM((CH, h), jnp.float32),
            pltpu.VMEM_SHARED((n + TRASH, h), jnp.float32),
            pltpu.SemaphoreType.DMA,
            pltpu.SemaphoreType.DMA,
        ],
    )
    def agg_kernel(hp_hbm, pk_hbm, zz_hbm, out_hbm, pidx, sid0, did0, sid1,
                   did1, rows0, rows1, acc, gs0, gs1):
        c = lax.axis_index("c")
        s = lax.axis_index("s")
        w = c * NS + s

        pltpu.sync_copy(pk_hbm.at[w], pidx)
        _unpack(pidx, 0, sid0, did0)
        pltpu.async_copy(hp_hbm.at[sid0.at[0]], rows0, gs0)
        _zero_acc(zz_hbm, acc, s, n)
        plsc.subcore_barrier()

        def step2(g, _):
            i1 = 2 * g + 1
            _unpack(pidx, i1, sid1, did1)
            pltpu.make_async_copy(hp_hbm.at[sid0.at[0]], rows0, gs0).wait()
            pltpu.async_copy(hp_hbm.at[sid1.at[0]], rows1, gs1)
            pltpu.sync_copy(rows0, acc.at[did0.at[0]], add=True)

            @pl.when(i1 + 1 < n_ch)
            def _():
                _unpack(pidx, i1 + 1, sid0, did0)

            pltpu.make_async_copy(hp_hbm.at[sid1.at[0]], rows1, gs1).wait()

            @pl.when(i1 + 1 < n_ch)
            def _():
                pltpu.async_copy(hp_hbm.at[sid0.at[0]], rows0, gs0)

            pltpu.sync_copy(rows1, acc.at[did1.at[0]], add=True)
            return 0

        lax.fori_loop(0, n_ch // 2, step2, 0)
        if n_ch % 2 == 1:
            pltpu.make_async_copy(hp_hbm.at[sid0.at[0]], rows0, gs0).wait()
            pltpu.sync_copy(rows0, acc.at[did0.at[0]], add=True)
        plsc.subcore_barrier()
        _writeback(acc, out_hbm, c, s, n)

    return agg_kernel(hp, pk3, z_hbm)


_BLK = 1000
DW = 128


def _tc_pre(x, w1, degp):
    n, d = x.shape
    h = w1.shape[1]
    grid = n // _BLK

    def body(x_ref, w_ref, deg_ref, hp_ref, dinv_ref):
        deg = deg_ref[0] + deg_ref[1] + 1.0
        dinv = lax.rsqrt(deg)[:, 0:1]
        hmat = jnp.dot(x_ref[...], w_ref[...], preferred_element_type=jnp.float32)
        hp_ref[...] = hmat * dinv
        dinv_ref[...] = dinv

    return pl.pallas_call(
        body,
        grid=(grid,),
        in_specs=[
            pl.BlockSpec((_BLK, d), lambda i: (i, 0)),
            pl.BlockSpec((d, h), lambda i: (0, 0)),
            pl.BlockSpec((NC, _BLK, DW), lambda i: (0, i, 0)),
        ],
        out_specs=[
            pl.BlockSpec((_BLK, h), lambda i: (i, 0)),
            pl.BlockSpec((_BLK, 1), lambda i: (i, 0)),
        ],
        out_shape=[
            jax.ShapeDtypeStruct((n, h), jnp.float32),
            jax.ShapeDtypeStruct((n, 1), jnp.float32),
        ],
    )(x, w1, degp)


def _tc_layer(agg, hp_prev, b_prev, dinv, w):
    n, h = hp_prev.shape
    hout = w.shape[1]
    grid = n // _BLK

    def body(agg_ref, hp_ref, b_ref, dinv_ref, w_ref, out_ref):
        xl = jnp.maximum(
            dinv_ref[...] * (agg_ref[0] + agg_ref[1] + hp_ref[...]) + b_ref[...],
            0.0)
        hmat = jnp.dot(xl, w_ref[...], preferred_element_type=jnp.float32)
        out_ref[...] = hmat * dinv_ref[...]

    return pl.pallas_call(
        body,
        grid=(grid,),
        in_specs=[
            pl.BlockSpec((NC, _BLK, h), lambda i: (0, i, 0)),
            pl.BlockSpec((_BLK, h), lambda i: (i, 0)),
            pl.BlockSpec((1, h), lambda i: (0, 0)),
            pl.BlockSpec((_BLK, 1), lambda i: (i, 0)),
            pl.BlockSpec((h, hout), lambda i: (0, 0)),
        ],
        out_specs=pl.BlockSpec((_BLK, hout), lambda i: (i, 0)),
        out_shape=jax.ShapeDtypeStruct((n, hout), jnp.float32),
    )(agg, hp_prev, b_prev.reshape(1, h), dinv, w)


def _tc_final(agg, hp3, b3, dinv, wc1, bc1, wc2, bc2):
    n, h = hp3.shape
    h1 = wc1.shape[1]
    grid = n // _BLK

    def body(agg_ref, hp_ref, b_ref, dinv_ref, wc1_ref, bc1_ref, wc2_ref,
             bc2_ref, out_ref, acc_ref):
        i = pl.program_id(0)

        @pl.when(i == 0)
        def _():
            acc_ref[...] = jnp.zeros_like(acc_ref)

        h3 = jnp.maximum(
            dinv_ref[...] * (agg_ref[0] + agg_ref[1] + hp_ref[...]) + b_ref[...],
            0.0)
        acc_ref[...] += jnp.sum(h3, axis=0, keepdims=True)

        @pl.when(i == grid - 1)
        def _():
            g = acc_ref[...] * (1.0 / n)
            z1 = jnp.maximum(
                jnp.dot(g, wc1_ref[...], preferred_element_type=jnp.float32)
                + bc1_ref[...], 0.0)
            z2 = (jnp.dot(z1, wc2_ref[...], preferred_element_type=jnp.float32)
                  + bc2_ref[...])
            m = jnp.max(z2, axis=1, keepdims=True)
            ez = jnp.exp(z2 - m)
            out_ref[...] = ez / jnp.sum(ez, axis=1, keepdims=True)

    return pl.pallas_call(
        body,
        grid=(grid,),
        in_specs=[
            pl.BlockSpec((NC, _BLK, h), lambda i: (0, i, 0)),
            pl.BlockSpec((_BLK, h), lambda i: (i, 0)),
            pl.BlockSpec((1, h), lambda i: (0, 0)),
            pl.BlockSpec((_BLK, 1), lambda i: (i, 0)),
            pl.BlockSpec(wc1.shape, lambda i: (0, 0)),
            pl.BlockSpec((1, h1), lambda i: (0, 0)),
            pl.BlockSpec(wc2.shape, lambda i: (0, 0)),
            pl.BlockSpec((1, 2), lambda i: (0, 0)),
        ],
        out_specs=pl.BlockSpec((1, 2), lambda i: (0, 0)),
        out_shape=jax.ShapeDtypeStruct((1, 2), jnp.float32),
        scratch_shapes=[pltpu.VMEM((1, h), jnp.float32)],
    )(agg, hp3, b3.reshape(1, h), dinv, wc1, bc1.reshape(1, h1), wc2,
      bc2.reshape(1, 2))


def kernel(x, edge_index, W1, b1, W2, b2, W3, b3, Wc1, bc1, Wc2, bc2):
    n = x.shape[0]
    e = edge_index.shape[1]
    per_w = e // NW
    n_ch = -(-per_w // CH)
    packed = jnp.bitwise_or(edge_index[0],
                            jnp.left_shift(edge_index[1], PBITS))
    pk2 = packed.reshape(NW, per_w)
    pk2 = jnp.pad(pk2, ((0, 0), (0, n_ch * CH - per_w)),
                  constant_values=n << PBITS)
    pk3 = pk2.reshape(NW, n_ch, CH)
    zeros = jnp.zeros((ZR, 128), jnp.float32)

    w3p = jnp.pad(W3, ((0, 0), (0, 128 - W3.shape[1])))
    b3p = jnp.pad(b3, (0, 128 - b3.shape[0]))
    wc1p = jnp.pad(Wc1, ((0, 128 - Wc1.shape[0]), (0, 0)))

    degp = _sc_degree(pk3, zeros, n)
    hp1, dinv = _tc_pre(x, W1, degp)
    agg1 = _sc_agg(hp1, pk3, zeros)
    hp2 = _tc_layer(agg1, hp1, b1, dinv, W2)
    agg2 = _sc_agg(hp2, pk3, zeros)
    hp3 = _tc_layer(agg2, hp2, b2, dinv, w3p)
    agg3 = _sc_agg(hp3, pk3, zeros)
    return _tc_final(agg3, hp3, b3p, dinv, wc1p, bc1, Wc2, bc2)

# --- scband reference (transcript-rebuilt; emitter-appended) ---
"""Pipeline reference for scband-graph-sagemodel-82712480186688 (READ-ONLY COPY).

The authoritative reference and input builder live on the scoring server;
editing this copy changes nothing except your own understanding.
"""

import jax, jax.numpy as jnp
import numpy as np

N = 10000
E = 320000
D = 128
H = 128

def setup_inputs(seed: int = 0) -> dict:
    key = jax.random.key(seed)
    ks = jax.random.split(key, 12)
    x = jax.random.normal(ks[0], (N, D), dtype=jnp.float32)
    edge_index = jax.random.randint(ks[1], (2, E), 0, N, dtype=jnp.int32)
    s = 0.05
    W1 = jax.random.normal(ks[2], (D, H), dtype=jnp.float32) * s
    b1 = jnp.zeros((H,), dtype=jnp.float32)
    W2 = jax.random.normal(ks[3], (H, H), dtype=jnp.float32) * s
    b2 = jnp.zeros((H,), dtype=jnp.float32)
    W3 = jax.random.normal(ks[4], (H, H // 2), dtype=jnp.float32) * s
    b3 = jnp.zeros((H // 2,), dtype=jnp.float32)
    Wc1 = jax.random.normal(ks[5], (H // 2, H // 4), dtype=jnp.float32) * s
    bc1 = jnp.zeros((H // 4,), dtype=jnp.float32)
    Wc2 = jax.random.normal(ks[6], (H // 4, 2), dtype=jnp.float32) * s
    bc2 = jnp.zeros((2,), dtype=jnp.float32)
    return {"x": x, "edge_index": edge_index, "W1": W1, "b1": b1, "W2": W2, "b2": b2, "W3": W3, "b3": b3, "Wc1": Wc1, "bc1": bc1, "Wc2": Wc2, "bc2": bc2}

def gcn_conv(x, edge_index, W, b):
    n = x.shape[0]
    loop = jnp.arange(n, dtype=edge_index.dtype)
    src = jnp.concatenate([edge_index[0], loop])
    dst = jnp.concatenate([edge_index[1], loop])
    h = x @ W
    deg = jnp.zeros((n,), dtype=h.dtype).at[dst].add(1.0)
    dinv = jnp.where(deg > 0, jax.lax.rsqrt(deg), 0.0)
    norm = dinv[src] * dinv[dst]
    msg = h[src] * norm[:, None]
    out = jnp.zeros((n, h.shape[1]), dtype=h.dtype).at[dst].add(msg)
    return out + b

def reference(x, edge_index, W1, b1, W2, b2, W3, b3, Wc1, bc1, Wc2, bc2):
    # dropout layers are identity in eval mode
    h1 = jax.nn.relu(gcn_conv(x, edge_index, W1, b1))
    h2 = jax.nn.relu(gcn_conv(h1, edge_index, W2, b2))
    h3 = jax.nn.relu(gcn_conv(h2, edge_index, W3, b3))
    g = jnp.mean(h3, axis=0, keepdims=True)
    out = jax.nn.relu(g @ Wc1 + bc1) @ Wc2 + bc2
    return jax.nn.softmax(out, axis=1)

if __name__ == "__main__":
    import jax
    _d = setup_inputs()
    print(jax.jit(kernel)(*tuple(_d.values())))

</pallas_src>

<mosaic_0001>
#map = affine_map<(d0, d1) -> (0, 0)>
#map1 = affine_map<(d0, d1) -> (0, 0, 0)>
module attributes {stable_mosaic.version = 14 : i64} {
  func.func @agg_kernel(%arg0: i32, %arg1: i32, %arg2: memref<10000x128xf32, #tpu.memory_space<hbm>>, %arg3: memref<32x125x80xi32, #tpu.memory_space<hbm>>, %arg4: memref<208x128xf32, #tpu.memory_space<hbm>>, %arg5: memref<2x10000x128xf32, #tpu.memory_space<hbm>>, %arg6: memref<125x80xi32, #tpu.memory_space<vmem>>, %arg7: memref<1x80xi32, #tpu.memory_space<vmem>>, %arg8: memref<1x80xi32, #tpu.memory_space<vmem>>, %arg9: memref<1x80xi32, #tpu.memory_space<vmem>>, %arg10: memref<1x80xi32, #tpu.memory_space<vmem>>, %arg11: memref<80x128xf32, #tpu.memory_space<vmem>>, %arg12: memref<80x128xf32, #tpu.memory_space<vmem>>, %arg13: memref<10008x128xf32, #tpu.memory_space<vmem_shared>>, %arg14: memref<!tpu.dma_semaphore, #tpu.memory_space<semaphore_mem>>, %arg15: memref<!tpu.dma_semaphore, #tpu.memory_space<semaphore_mem>>) attributes {dimension_semantics = [#tpu.dimension_semantics<core_parallel>, #tpu.dimension_semantics<subcore_parallel>], iteration_bounds = array<i64: 2, 16>, scalar_prefetch = 0 : i64, scratch_operands = 10 : i64, tpu.core_type = #tpu.core_type<sc_vector_subcore>, window_params = [{transform_indices = #map}, {transform_indices = #map1}, {transform_indices = #map}, {transform_indices = #map1}]} {
    %mul3A = arith.constant 16 : i32
    %mul3A_0 = arith.muli %arg0, %mul3A : i32
    %add3A = arith.addi %mul3A_0, %arg1 : i32
    "tpu.region"() ({
      %run_scoped3A_45 = tpu.sem_alloc : memref<!tpu.dma_semaphore, #tpu.memory_space<semaphore_mem>>
      %dma_start3A_46 = arith.constant 0 : i32
      %dma_start3A_47 = arith.constant 0 : i32
      %dma_start3A_48 = tpu.memref_slice %arg3[%add3A, %dma_start3A_46, %dma_start3A_47] : memref<32x125x80xi32, #tpu.memory_space<hbm>> -> memref<1x125x80xi32, #tpu.memory_space<hbm>>
      %dma_start3A_49 = tpu.memref_squeeze %dma_start3A_48 : memref<1x125x80xi32, #tpu.memory_space<hbm>> -> memref<125x80xi32, #tpu.memory_space<hbm>>
      %dma_start3A_50 = arith.constant 0 : i32
      %dma_start3A_51 = arith.constant 0 : i32
      %dma_start3A_52 = tpu.memref_slice %arg3[%add3A, %dma_start3A_50, %dma_start3A_51] : memref<32x125x80xi32, #tpu.memory_space<hbm>> -> memref<1x125x80xi32, #tpu.memory_space<hbm>>
      %dma_start3A_53 = tpu.memref_squeeze %dma_start3A_52 : memref<1x125x80xi32, #tpu.memory_space<hbm>> -> memref<125x80xi32, #tpu.memory_space<hbm>>
      tpu.enqueue_dma source(%dma_start3A_53 : memref<125x80xi32, #tpu.memory_space<hbm>>) target(%arg6 : memref<125x80xi32, #tpu.memory_space<vmem>>) target_semaphore(%run_scoped3A_45 : memref<!tpu.dma_semaphore, #tpu.memory_space<semaphore_mem>>)
      %dma_wait3A_54 = arith.constant 0 : i32
      %dma_wait3A_55 = arith.constant 0 : i32
      %dma_wait3A_56 = tpu.memref_slice %arg3[%add3A, %dma_wait3A_54, %dma_wait3A_55] : memref<32x125x80xi32, #tpu.memory_space<hbm>> -> memref<1x125x80xi32, #tpu.memory_space<hbm>>
      %dma_wait3A_57 = tpu.memref_squeeze %dma_wait3A_56 : memref<1x125x80xi32, #tpu.memory_space<hbm>> -> memref<125x80xi32, #tpu.memory_space<hbm>>
      %dma_wait3A_58 = arith.constant 0 : i32
      %dma_wait3A_59 = arith.constant 0 : i32
      %dma_wait3A_60 = tpu.memref_slice %arg3[%add3A, %dma_wait3A_58, %dma_wait3A_59] : memref<32x125x80xi32, #tpu.memory_space<hbm>> -> memref<1x125x80xi32, #tpu.memory_space<hbm>>
      %dma_wait3A_61 = tpu.memref_squeeze %dma_wait3A_60 : memref<1x125x80xi32, #tpu.memory_space<hbm>> -> memref<125x80xi32, #tpu.memory_space<hbm>>
      tpu.wait_dma2 semaphore(%run_scoped3A_45 : memref<!tpu.dma_semaphore, #tpu.memory_space<semaphore_mem>>) src(%dma_wait3A_61 : memref<125x80xi32, #tpu.memory_space<hbm>>) dst(%arg6 : memref<125x80xi32, #tpu.memory_space<vmem>>)
      tpu.yield
    }) : () -> ()
    %scan3A = arith.constant 0 : i32
    %scan3A_1 = arith.constant 0 : i32
    %scan3A_2 = arith.constant 5 : i32
    %scan3A_3 = arith.addi %scan3A_1, %scan3A_2 : i32
    %scan3A_4 = arith.constant 1 : i32
    %scan3A_5 = scf.for %scan3A_45 = %scan3A_1 to %scan3A_3 step %scan3A_4 iter_args(%scan3A_46 = %scan3A) -> (i32)  : i32 {
      %mul3A_47 = arith.constant 16 : i32
      %mul3A_48 = arith.muli %scan3A_45, %mul3A_47 : i32
      %get3A = arith.constant 0 : i32
      %get3A_49 = arith.index_cast %get3A : i32 to index
      %get3A_50 = arith.index_cast %mul3A_48 : i32 to index
      %get3A_51 = tpu.vector_load %arg6[%get3A_49, %get3A_50] {strides = array<i32>} : memref<125x80xi32, #tpu.memory_space<vmem>>, vector<1x16xi32>,
      %get3A_52 = vector.shape_cast %get3A_51 : vector<1x16xi32> to vector<16xi32>
      %and3A = arith.constant 16383 : i32
      %and3A_53 = vector.broadcast %and3A : i32 to vector<16xi32>
      %and3A_54 = arith.andi %get3A_52, %and3A_53 : vector<16xi32>
      %mul3A_55 = arith.constant 16 : i32
      %mul3A_56 = arith.muli %scan3A_45, %mul3A_55 : i32
      %swap3A = arith.constant 0 : i32
      %swap3A_57 = arith.index_cast %swap3A : i32 to index
      %swap3A_58 = arith.index_cast %mul3A_56 : i32 to index
      %swap3A_59 = tpu.vector_load %arg7[%swap3A_57, %swap3A_58] {strides = array<i32>} : memref<1x80xi32, #tpu.memory_space<vmem>>, vector<1x16xi32>,
      %swap3A_60 = vector.shape_cast %swap3A_59 : vector<1x16xi32> to vector<16xi32>
      %swap3A_61 = vector.shape_cast %and3A_54 : vector<16xi32> to vector<1x16xi32>
      tpu.vector_store %arg7[%swap3A_57, %swap3A_58], %swap3A_61 {strides = array<i32>} : memref<1x80xi32, #tpu.memory_space<vmem>>, vector<1x16xi32>,
      %shift_right_arithmetic3A = arith.constant 14 : i32
      %shift_right_arithmetic3A_62 = vector.broadcast %shift_right_arithmetic3A : i32 to vector<16xi32>
      %shift_right_arithmetic3A_63 = arith.shrsi %get3A_52, %shift_right_arithmetic3A_62 : vector<16xi32>
      %mul3A_64 = arith.constant 16 : i32
      %mul3A_65 = arith.muli %scan3A_45, %mul3A_64 : i32
      %swap3A_66 = arith.constant 0 : i32
      %swap3A_67 = arith.index_cast %swap3A_66 : i32 to index
      %swap3A_68 = arith.index_cast %mul3A_65 : i32 to index
      %swap3A_69 = tpu.vector_load %arg8[%swap3A_67, %swap3A_68] {strides = array<i32>} : memref<1x80xi32, #tpu.memory_space<vmem>>, vector<1x16xi32>,
      %swap3A_70 = vector.shape_cast %swap3A_69 : vector<1x16xi32> to vector<16xi32>
      %swap3A_71 = vector.shape_cast %shift_right_arithmetic3A_63 : vector<16xi32> to vector<1x16xi32>
      tpu.vector_store %arg8[%swap3A_67, %swap3A_68], %swap3A_71 {strides = array<i32>} : memref<1x80xi32, #tpu.memory_space<vmem>>, vector<1x16xi32>,
      %scan3A_72 = arith.constant 0 : i32
      scf.yield %scan3A_72 : i32
    }
    %scan3A_6 = arith.constant 5 : i32
    %dma_start3A = arith.constant 0 : i32
    %dma_start3A_7 = arith.constant 0 : i32
    %dma_start3A_8 = tpu.memref_slice %arg7[%dma_start3A, %dma_start3A_7] : memref<1x80xi32, #tpu.memory_space<vmem>> -> memref<1x80xi32, #tpu.memory_space<vmem>>
    %dma_start3A_9 = tpu.memref_squeeze %dma_start3A_8 : memref<1x80xi32, #tpu.memory_space<vmem>> -> memref<80xi32, #tpu.memory_space<vmem>>
    %dma_start3A_10 = arith.constant 0 : i32
    %dma_start3A_11 = arith.constant 0 : i32
    %dma_start3A_12 = tpu.memref_slice %arg2[%dma_start3A_10, %dma_start3A_11] : memref<10000x128xf32, #tpu.memory_space<hbm>> -> memref<10000x128xf32, #tpu.memory_space<hbm>>
    tpu.enqueue_indirect_dma source(%dma_start3A_12 : memref<10000x128xf32, #tpu.memory_space<hbm>>) target(%arg11 : memref<80x128xf32, #tpu.memory_space<vmem>>) offsets(%dma_start3A_9 : memref<80xi32, #tpu.memory_space<vmem>>) semaphore(%arg14 : memref<!tpu.dma_semaphore, #tpu.memory_space<semaphore_mem>>)
    %scan3A_13 = arith.constant 0 : i32
    %scan3A_14 = arith.constant 0 : i32
    %scan3A_15 = arith.constant 3 : i32
    %scan3A_16 = arith.addi %scan3A_14, %scan3A_15 : i32
    %scan3A_17 = arith.constant 1 : i32
    %scan3A_18 = scf.for %scan3A_45 = %scan3A_14 to %scan3A_16 step %scan3A_17 iter_args(%scan3A_46 = %scan3A_13) -> (i32)  : i32 {
      %mul3A_47 = arith.constant 624 : i32
      %mul3A_48 = arith.muli %arg1, %mul3A_47 : i32
      %mul3A_49 = arith.constant 208 : i32
      %mul3A_50 = arith.muli %scan3A_45, %mul3A_49 : i32
      %add3A_51 = arith.addi %mul3A_48, %mul3A_50 : i32
      "tpu.region"() ({
        %run_scoped3A_53 = tpu.sem_alloc : memref<!tpu.dma_semaphore, #tpu.memory_space<semaphore_mem>>
        %dma_start3A_54 = arith.constant 0 : i32
        %dma_start3A_55 = tpu.memref_slice %arg13[%add3A_51, %dma_start3A_54] : memref<10008x128xf32, #tpu.memory_space<vmem_shared>> -> memref<208x128xf32, #tpu.memory_space<vmem_shared>>
        tpu.enqueue_dma source(%arg4 : memref<208x128xf32, #tpu.memory_space<hbm>>) target(%dma_start3A_55 : memref<208x128xf32, #tpu.memory_space<vmem_shared>>) target_semaphore(%run_scoped3A_53 : memref<!tpu.dma_semaphore, #tpu.memory_space<semaphore_mem>>)
        %dma_wait3A_56 = arith.constant 0 : i32
        %dma_wait3A_57 = tpu.memref_slice %arg13[%add3A_51, %dma_wait3A_56] : memref<10008x128xf32, #tpu.memory_space<vmem_shared>> -> memref<208x128xf32, #tpu.memory_space<vmem_shared>>
        tpu.wait_dma2 semaphore(%run_scoped3A_53 : memref<!tpu.dma_semaphore, #tpu.memory_space<semaphore_mem>>) src(%arg4 : memref<208x128xf32, #tpu.memory_space<hbm>>) dst(%dma_wait3A_57 : memref<208x128xf32, #tpu.memory_space<vmem_shared>>)
        tpu.yield
      }) : () -> ()
      %scan3A_52 = arith.constant 0 : i32
      scf.yield %scan3A_52 : i32
    }
    %scan3A_19 = arith.constant 3 : i32
    %eq3A = arith.constant 15 : i32
    %eq3A_20 = arith.cmpi eq, %arg1, %eq3A : i32
    %convert_element_type3A = arith.extui %eq3A_20 : i1 to i32
    %cond3A = arith.constant 0 : i32
    %cond3A_21 = arith.cmpi ne, %convert_element_type3A, %cond3A : i32
    scf.if %cond3A_21 {
      "tpu.region"() ({
        %run_scoped3A_45 = tpu.sem_alloc : memref<!tpu.dma_semaphore, #tpu.memory_space<semaphore_mem>>
        %dma_start3A_46 = arith.constant 9984 : i32
        %dma_start3A_47 = arith.constant 0 : i32
        %dma_start3A_48 = tpu.memref_slice %arg13[%dma_start3A_46, %dma_start3A_47] : memref<10008x128xf32, #tpu.memory_space<vmem_shared>> -> memref<16x128xf32, #tpu.memory_space<vmem_shared>>
        %dma_start3A_49 = arith.constant 0 : i32
        %dma_start3A_50 = arith.constant 0 : i32
        %dma_start3A_51 = tpu.memref_slice %arg4[%dma_start3A_49, %dma_start3A_50] : memref<208x128xf32, #tpu.memory_space<hbm>> -> memref<16x128xf32, #tpu.memory_space<hbm>>
        tpu.enqueue_dma source(%dma_start3A_51 : memref<16x128xf32, #tpu.memory_space<hbm>>) target(%dma_start3A_48 : memref<16x128xf32, #tpu.memory_space<vmem_shared>>) target_semaphore(%run_scoped3A_45 : memref<!tpu.dma_semaphore, #tpu.memory_space<semaphore_mem>>)
        %dma_wait3A_52 = arith.constant 9984 : i32
        %dma_wait3A_53 = arith.constant 0 : i32
        %dma_wait3A_54 = tpu.memref_slice %arg13[%dma_wait3A_52, %dma_wait3A_53] : memref<10008x128xf32, #tpu.memory_space<vmem_shared>> -> memref<16x128xf32, #tpu.memory_space<vmem_shared>>
        %dma_wait3A_55 = arith.constant 0 : i32
        %dma_wait3A_56 = arith.constant 0 : i32
        %dma_wait3A_57 = tpu.memref_slice %arg4[%dma_wait3A_55, %dma_wait3A_56] : memref<208x128xf32, #tpu.memory_space<hbm>> -> memref<16x128xf32, #tpu.memory_space<hbm>>
        tpu.wait_dma2 semaphore(%run_scoped3A_45 : memref<!tpu.dma_semaphore, #tpu.memory_space<semaphore_mem>>) src(%dma_wait3A_57 : memref<16x128xf32, #tpu.memory_space<hbm>>) dst(%dma_wait3A_54 : memref<16x128xf32, #tpu.memory_space<vmem_shared>>)
        tpu.yield
      }) : () -> ()
    } else {
    }
    %barrier3A = arith.constant 0 : index
    tpu.barrier barrier_id(%barrier3A)
    %scan3A_22 = arith.constant 0 : i32
    %scan3A_23 = arith.constant 0 : i32
    %scan3A_24 = arith.constant 62 : i32
    %scan3A_25 = arith.addi %scan3A_23, %scan3A_24 : i32
    %scan3A_26 = arith.constant 1 : i32
    %scan3A_27 = scf.for %scan3A_45 = %scan3A_23 to %scan3A_25 step %scan3A_26 iter_args(%scan3A_46 = %scan3A_22) -> (i32)  : i32 {
      %mul3A_47 = arith.constant 2 : i32
      %mul3A_48 = arith.muli %mul3A_47, %scan3A_45 : i32
      %add3A_49 = arith.constant 1 : i32
      %add3A_50 = arith.addi %mul3A_48, %add3A_49 : i32
      %scan3A_51 = arith.constant 0 : i32
      %scan3A_52 = arith.constant 0 : i32
      %scan3A_53 = arith.constant 5 : i32
      %scan3A_54 = arith.addi %scan3A_52, %scan3A_53 : i32
      %scan3A_55 = arith.constant 1 : i32
      %scan3A_56 = scf.for %scan3A_95 = %scan3A_52 to %scan3A_54 step %scan3A_55 iter_args(%scan3A_96 = %scan3A_51) -> (i32)  : i32 {
        %mul3A_97 = arith.constant 16 : i32
        %mul3A_98 = arith.muli %scan3A_95, %mul3A_97 : i32
        %get3A = arith.index_cast %add3A_50 : i32 to index
        %get3A_99 = arith.index_cast %mul3A_98 : i32 to index
        %get3A_100 = tpu.vector_load %arg6[%get3A, %get3A_99] {strides = array<i32>} : memref<125x80xi32, #tpu.memory_space<vmem>>, vector<1x16xi32>,
        %get3A_101 = vector.shape_cast %get3A_100 : vector<1x16xi32> to vector<16xi32>
        %and3A = arith.constant 16383 : i32
        %and3A_102 = vector.broadcast %and3A : i32 to vector<16xi32>
        %and3A_103 = arith.andi %get3A_101, %and3A_102 : vector<16xi32>
        %mul3A_104 = arith.constant 16 : i32
        %mul3A_105 = arith.muli %scan3A_95, %mul3A_104 : i32
        %swap3A = arith.constant 0 : i32
        %swap3A_106 = arith.index_cast %swap3A : i32 to index
        %swap3A_107 = arith.index_cast %mul3A_105 : i32 to index
        %swap3A_108 = tpu.vector_load %arg9[%swap3A_106, %swap3A_107] {strides = array<i32>} : memref<1x80xi32, #tpu.memory_space<vmem>>, vector<1x16xi32>,
        %swap3A_109 = vector.shape_cast %swap3A_108 : vector<1x16xi32> to vector<16xi32>
        %swap3A_110 = vector.shape_cast %and3A_103 : vector<16xi32> to vector<1x16xi32>
        tpu.vector_store %arg9[%swap3A_106, %swap3A_107], %swap3A_110 {strides = array<i32>} : memref<1x80xi32, #tpu.memory_space<vmem>>, vector<1x16xi32>,
        %shift_right_arithmetic3A = arith.constant 14 : i32
        %shift_right_arithmetic3A_111 = vector.broadcast %shift_right_arithmetic3A : i32 to vector<16xi32>
        %shift_right_arithmetic3A_112 = arith.shrsi %get3A_101, %shift_right_arithmetic3A_111 : vector<16xi32>
        %mul3A_113 = arith.constant 16 : i32
        %mul3A_114 = arith.muli %scan3A_95, %mul3A_113 : i32
        %swap3A_115 = arith.constant 0 : i32
        %swap3A_116 = arith.index_cast %swap3A_115 : i32 to index
        %swap3A_117 = arith.index_cast %mul3A_114 : i32 to index
        %swap3A_118 = tpu.vector_load %arg10[%swap3A_116, %swap3A_117] {strides = array<i32>} : memref<1x80xi32, #tpu.memory_space<vmem>>, vector<1x16xi32>,
        %swap3A_119 = vector.shape_cast %swap3A_118 : vector<1x16xi32> to vector<16xi32>
        %swap3A_120 = vector.shape_cast %shift_right_arithmetic3A_112 : vector<16xi32> to vector<1x16xi32>
        tpu.vector_store %arg10[%swap3A_116, %swap3A_117], %swap3A_120 {strides = array<i32>} : memref<1x80xi32, #tpu.memory_space<vmem>>, vector<1x16xi32>,
        %scan3A_121 = arith.constant 0 : i32
        scf.yield %scan3A_121 : i32
      }
      %scan3A_57 = arith.constant 5 : i32
      %dma_wait3A_58 = arith.constant 0 : i32
      %dma_wait3A_59 = arith.constant 0 : i32
      %dma_wait3A_60 = tpu.memref_slice %arg7[%dma_wait3A_58, %dma_wait3A_59] : memref<1x80xi32, #tpu.memory_space<vmem>> -> memref<1x80xi32, #tpu.memory_space<vmem>>
      %dma_wait3A_61 = tpu.memref_squeeze %dma_wait3A_60 : memref<1x80xi32, #tpu.memory_space<vmem>> -> memref<80xi32, #tpu.memory_space<vmem>>
      %dma_wait3A_62 = arith.constant 0 : i32
      %dma_wait3A_63 = arith.constant 0 : i32
      %dma_wait3A_64 = tpu.memref_slice %arg2[%dma_wait3A_62, %dma_wait3A_63] : memref<10000x128xf32, #tpu.memory_space<hbm>> -> memref<10000x128xf32, #tpu.memory_space<hbm>>
      tpu.wait_indirect_dma semaphore(%arg14 : memref<!tpu.dma_semaphore, #tpu.memory_space<semaphore_mem>>) src(%dma_wait3A_64 : memref<10000x128xf32, #tpu.memory_space<hbm>>) dst(%arg11 : memref<80x128xf32, #tpu.memory_space<vmem>>)
      %dma_start3A_65 = arith.constant 0 : i32
      %dma_start3A_66 = arith.constant 0 : i32
      %dma_start3A_67 = tpu.memref_slice %arg9[%dma_start3A_65, %dma_start3A_66] : memref<1x80xi32, #tpu.memory_space<vmem>> -> memref<1x80xi32, #tpu.memory_space<vmem>>
      %dma_start3A_68 = tpu.memref_squeeze %dma_start3A_67 : memref<1x80xi32, #tpu.memory_space<vmem>> -> memref<80xi32, #tpu.memory_space<vmem>>
      %dma_start3A_69 = arith.constant 0 : i32
      %dma_start3A_70 = arith.constant 0 : i32
      %dma_start3A_71 = tpu.memref_slice %arg2[%dma_start3A_69, %dma_start3A_70] : memref<10000x128xf32, #tpu.memory_space<hbm>> -> memref<10000x128xf32, #tpu.memory_space<hbm>>
      tpu.enqueue_indirect_dma source(%dma_start3A_71 : memref<10000x128xf32, #tpu.memory_space<hbm>>) target(%arg12 : memref<80x128xf32, #tpu.memory_space<vmem>>) offsets(%dma_start3A_68 : memref<80xi32, #tpu.memory_space<vmem>>) semaphore(%arg15 : memref<!tpu.dma_semaphore, #tpu.memory_space<semaphore_mem>>)
      %run_scoped3A_72 = arith.constant 0 : i32
      "tpu.region"() ({
        %run_scoped3A_95 = tpu.sem_alloc : memref<!tpu.dma_semaphore, #tpu.memory_space<semaphore_mem>>
        %dma_start3A_96 = arith.constant 0 : i32
        %dma_start3A_97 = tpu.memref_slice %arg8[%run_scoped3A_72, %dma_start3A_96] : memref<1x80xi32, #tpu.memory_space<vmem>> -> memref<1x80xi32, #tpu.memory_space<vmem>>
        %dma_start3A_98 = tpu.memref_squeeze %dma_start3A_97 : memref<1x80xi32, #tpu.memory_space<vmem>> -> memref<80xi32, #tpu.memory_space<vmem>>
        %dma_start3A_99 = arith.constant 0 : i32
        %dma_start3A_100 = arith.constant 0 : i32
        %dma_start3A_101 = tpu.memref_slice %arg13[%dma_start3A_99, %dma_start3A_100] : memref<10008x128xf32, #tpu.memory_space<vmem_shared>> -> memref<10008x128xf32, #tpu.memory_space<vmem_shared>>
        tpu.enqueue_indirect_dma source(%arg11 : memref<80x128xf32, #tpu.memory_space<vmem>>) target(%dma_start3A_101 : memref<10008x128xf32, #tpu.memory_space<vmem_shared>>) offsets(%dma_start3A_98 : memref<80xi32, #tpu.memory_space<vmem>>) semaphore(%run_scoped3A_95 : memref<!tpu.dma_semaphore, #tpu.memory_space<semaphore_mem>>) {add = true}
        %dma_wait3A_102 = arith.constant 0 : i32
        %dma_wait3A_103 = tpu.memref_slice %arg8[%run_scoped3A_72, %dma_wait3A_102] : memref<1x80xi32, #tpu.memory_space<vmem>> -> memref<1x80xi32, #tpu.memory_space<vmem>>
        %dma_wait3A_104 = tpu.memref_squeeze %dma_wait3A_103 : memref<1x80xi32, #tpu.memory_space<vmem>> -> memref<80xi32, #tpu.memory_space<vmem>>
        %dma_wait3A_105 = arith.constant 0 : i32
        %dma_wait3A_106 = arith.constant 0 : i32
        %dma_wait3A_107 = tpu.memref_slice %arg13[%dma_wait3A_105, %dma_wait3A_106] : memref<10008x128xf32, #tpu.memory_space<vmem_shared>> -> memref<10008x128xf32, #tpu.memory_space<vmem_shared>>
        tpu.wait_indirect_dma semaphore(%run_scoped3A_95 : memref<!tpu.dma_semaphore, #tpu.memory_space<semaphore_mem>>) src(%arg11 : memref<80x128xf32, #tpu.memory_space<vmem>>) dst(%dma_wait3A_107 : memref<10008x128xf32, #tpu.memory_space<vmem_shared>>)
        tpu.yield
      }) : () -> ()
      %add3A_73 = arith.constant 1 : i32
      %add3A_74 = arith.addi %add3A_50, %add3A_73 : i32
      %lt3A = arith.constant 125 : i32
      %lt3A_75 = arith.cmpi slt, %add3A_74, %lt3A : i32
      %convert_element_type3A_76 = arith.extui %lt3A_75 : i1 to i32
      %cond3A_77 = arith.constant 0 : i32
      %cond3A_78 = arith.cmpi ne, %convert_element_type3A_76, %cond3A_77 : i32
      scf.if %cond3A_78 {
        %add3A_95 = arith.constant 1 : i32
        %add3A_96 = arith.addi %add3A_50, %add3A_95 : i32
        %scan3A_97 = arith.constant 0 : i32
        %scan3A_98 = arith.constant 0 : i32
        %scan3A_99 = arith.constant 5 : i32
        %scan3A_100 = arith.addi %scan3A_98, %scan3A_99 : i32
        %scan3A_101 = arith.constant 1 : i32
        %scan3A_102 = scf.for %scan3A_104 = %scan3A_98 to %scan3A_100 step %scan3A_101 iter_args(%scan3A_105 = %scan3A_97) -> (i32)  : i32 {
          %mul3A_106 = arith.constant 16 : i32
          %mul3A_107 = arith.muli %scan3A_104, %mul3A_106 : i32
          %get3A = arith.index_cast %add3A_96 : i32 to index
          %get3A_108 = arith.index_cast %mul3A_107 : i32 to index
          %get3A_109 = tpu.vector_load %arg6[%get3A, %get3A_108] {strides = array<i32>} : memref<125x80xi32, #tpu.memory_space<vmem>>, vector<1x16xi32>,
          %get3A_110 = vector.shape_cast %get3A_109 : vector<1x16xi32> to vector<16xi32>
          %and3A = arith.constant 16383 : i32
          %and3A_111 = vector.broadcast %and3A : i32 to vector<16xi32>
          %and3A_112 = arith.andi %get3A_110, %and3A_111 : vector<16xi32>
          %mul3A_113 = arith.constant 16 : i32
          %mul3A_114 = arith.muli %scan3A_104, %mul3A_113 : i32
          %swap3A = arith.constant 0 : i32
          %swap3A_115 = arith.index_cast %swap3A : i32 to index
          %swap3A_116 = arith.index_cast %mul3A_114 : i32 to index
          %swap3A_117 = tpu.vector_load %arg7[%swap3A_115, %swap3A_116] {strides = array<i32>} : memref<1x80xi32, #tpu.memory_space<vmem>>, vector<1x16xi32>,
          %swap3A_118 = vector.shape_cast %swap3A_117 : vector<1x16xi32> to vector<16xi32>
          %swap3A_119 = vector.shape_cast %and3A_112 : vector<16xi32> to vector<1x16xi32>
          tpu.vector_store %arg7[%swap3A_115, %swap3A_116], %swap3A_119 {strides = array<i32>} : memref<1x80xi32, #tpu.memory_space<vmem>>, vector<1x16xi32>,
          %shift_right_arithmetic3A = arith.constant 14 : i32
          %shift_right_arithmetic3A_120 = vector.broadcast %shift_right_arithmetic3A : i32 to vector<16xi32>
          %shift_right_arithmetic3A_121 = arith.shrsi %get3A_110, %shift_right_arithmetic3A_120 : vector<16xi32>
          %mul3A_122 = arith.constant 16 : i32
          %mul3A_123 = arith.muli %scan3A_104, %mul3A_122 : i32
          %swap3A_124 = arith.constant 0 : i32
          %swap3A_125 = arith.index_cast %swap3A_124 : i32 to index
          %swap3A_126 = arith.index_cast %mul3A_123 : i32 to index
          %swap3A_127 = tpu.vector_load %arg8[%swap3A_125, %swap3A_126] {strides = array<i32>} : memref<1x80xi32, #tpu.memory_space<vmem>>, vector<1x16xi32>,
          %swap3A_128 = vector.shape_cast %swap3A_127 : vector<1x16xi32> to vector<16xi32>
          %swap3A_129 = vector.shape_cast %shift_right_arithmetic3A_121 : vector<16xi32> to vector<1x16xi32>
          tpu.vector_store %arg8[%swap3A_125, %swap3A_126], %swap3A_129 {strides = array<i32>} : memref<1x80xi32, #tpu.memory_space<vmem>>, vector<1x16xi32>,
          %scan3A_130 = arith.constant 0 : i32
          scf.yield %scan3A_130 : i32
        }
        %scan3A_103 = arith.constant 5 : i32
      } else {
      }
      %dma_wait3A_79 = arith.constant 0 : i32
      %dma_wait3A_80 = arith.constant 0 : i32
      %dma_wait3A_81 = tpu.memref_slice %arg9[%dma_wait3A_79, %dma_wait3A_80] : memref<1x80xi32, #tpu.memory_space<vmem>> -> memref<1x80xi32, #tpu.memory_space<vmem>>
      %dma_wait3A_82 = tpu.memref_squeeze %dma_wait3A_81 : memref<1x80xi32, #tpu.memory_space<vmem>> -> memref<80xi32, #tpu.memory_space<vmem>>
      %dma_wait3A_83 = arith.constant 0 : i32
      %dma_wait3A_84 = arith.constant 0 : i32
      %dma_wait3A_85 = tpu.memref_slice %arg2[%dma_wait3A_83, %dma_wait3A_84] : memref<10000x128xf32, #tpu.memory_space<hbm>> -> memref<10000x128xf32, #tpu.memory_space<hbm>>
      tpu.wait_indirect_dma semaphore(%arg15 : memref<!tpu.dma_semaphore, #tpu.memory_space<semaphore_mem>>) src(%dma_wait3A_85 : memref<10000x128xf32, #tpu.memory_space<hbm>>) dst(%arg12 : memref<80x128xf32, #tpu.memory_space<vmem>>)
      %add3A_86 = arith.constant 1 : i32
      %add3A_87 = arith.addi %add3A_50, %add3A_86 : i32
      %lt3A_88 = arith.constant 125 : i32
      %lt3A_89 = arith.cmpi slt, %add3A_87, %lt3A_88 : i32
      %convert_element_type3A_90 = arith.extui %lt3A_89 : i1 to i32
      %cond3A_91 = arith.constant 0 : i32
      %cond3A_92 = arith.cmpi ne, %convert_element_type3A_90, %cond3A_91 : i32
      scf.if %cond3A_92 {
        %dma_start3A_95 = arith.constant 0 : i32
        %dma_start3A_96 = arith.constant 0 : i32
        %dma_start3A_97 = tpu.memref_slice %arg7[%dma_start3A_95, %dma_start3A_96] : memref<1x80xi32, #tpu.memory_space<vmem>> -> memref<1x80xi32, #tpu.memory_space<vmem>>
        %dma_start3A_98 = tpu.memref_squeeze %dma_start3A_97 : memref<1x80xi32, #tpu.memory_space<vmem>> -> memref<80xi32, #tpu.memory_space<vmem>>
        %dma_start3A_99 = arith.constant 0 : i32
        %dma_start3A_100 = arith.constant 0 : i32
        %dma_start3A_101 = tpu.memref_slice %arg2[%dma_start3A_99, %dma_start3A_100] : memref<10000x128xf32, #tpu.memory_space<hbm>> -> memref<10000x128xf32, #tpu.memory_space<hbm>>
        tpu.enqueue_indirect_dma source(%dma_start3A_101 : memref<10000x128xf32, #tpu.memory_space<hbm>>) target(%arg11 : memref<80x128xf32, #tpu.memory_space<vmem>>) offsets(%dma_start3A_98 : memref<80xi32, #tpu.memory_space<vmem>>) semaphore(%arg14 : memref<!tpu.dma_semaphore, #tpu.memory_space<semaphore_mem>>)
      } else {
      }
      %run_scoped3A_93 = arith.constant 0 : i32
      "tpu.region"() ({
        %run_scoped3A_95 = tpu.sem_alloc : memref<!tpu.dma_semaphore, #tpu.memory_space<semaphore_mem>>
        %dma_start3A_96 = arith.constant 0 : i32
        %dma_start3A_97 = tpu.memref_slice %arg10[%run_scoped3A_93, %dma_start3A_96] : memref<1x80xi32, #tpu.memory_space<vmem>> -> memref<1x80xi32, #tpu.memory_space<vmem>>
        %dma_start3A_98 = tpu.memref_squeeze %dma_start3A_97 : memref<1x80xi32, #tpu.memory_space<vmem>> -> memref<80xi32, #tpu.memory_space<vmem>>
        %dma_start3A_99 = arith.constant 0 : i32
        %dma_start3A_100 = arith.constant 0 : i32
        %dma_start3A_101 = tpu.memref_slice %arg13[%dma_start3A_99, %dma_start3A_100] : memref<10008x128xf32, #tpu.memory_space<vmem_shared>> -> memref<10008x128xf32, #tpu.memory_space<vmem_shared>>
        tpu.enqueue_indirect_dma source(%arg12 : memref<80x128xf32, #tpu.memory_space<vmem>>) target(%dma_start3A_101 : memref<10008x128xf32, #tpu.memory_space<vmem_shared>>) offsets(%dma_start3A_98 : memref<80xi32, #tpu.memory_space<vmem>>) semaphore(%run_scoped3A_95 : memref<!tpu.dma_semaphore, #tpu.memory_space<semaphore_mem>>) {add = true}
        %dma_wait3A_102 = arith.constant 0 : i32
        %dma_wait3A_103 = tpu.memref_slice %arg10[%run_scoped3A_93, %dma_wait3A_102] : memref<1x80xi32, #tpu.memory_space<vmem>> -> memref<1x80xi32, #tpu.memory_space<vmem>>
        %dma_wait3A_104 = tpu.memref_squeeze %dma_wait3A_103 : memref<1x80xi32, #tpu.memory_space<vmem>> -> memref<80xi32, #tpu.memory_space<vmem>>
        %dma_wait3A_105 = arith.constant 0 : i32
        %dma_wait3A_106 = arith.constant 0 : i32
        %dma_wait3A_107 = tpu.memref_slice %arg13[%dma_wait3A_105, %dma_wait3A_106] : memref<10008x128xf32, #tpu.memory_space<vmem_shared>> -> memref<10008x128xf32, #tpu.memory_space<vmem_shared>>
        tpu.wait_indirect_dma semaphore(%run_scoped3A_95 : memref<!tpu.dma_semaphore, #tpu.memory_space<semaphore_mem>>) src(%arg12 : memref<80x128xf32, #tpu.memory_space<vmem>>) dst(%dma_wait3A_107 : memref<10008x128xf32, #tpu.memory_space<vmem_shared>>)
        tpu.yield
      }) : () -> ()
      %scan3A_94 = arith.constant 0 : i32
      scf.yield %scan3A_94 : i32
    }
    %scan3A_28 = arith.constant 62 : i32
    %dma_wait3A = arith.constant 0 : i32
    %dma_wait3A_29 = arith.constant 0 : i32
    %dma_wait3A_30 = tpu.memref_slice %arg7[%dma_wait3A, %dma_wait3A_29] : memref<1x80xi32, #tpu.memory_space<vmem>> -> memref<1x80xi32, #tpu.memory_space<vmem>>
    %dma_wait3A_31 = tpu.memref_squeeze %dma_wait3A_30 : memref<1x80xi32, #tpu.memory_space<vmem>> -> memref<80xi32, #tpu.memory_space<vmem>>
    %dma_wait3A_32 = arith.constant 0 : i32
    %dma_wait3A_33 = arith.constant 0 : i32
    %dma_wait3A_34 = tpu.memref_slice %arg2[%dma_wait3A_32, %dma_wait3A_33] : memref<10000x128xf32, #tpu.memory_space<hbm>> -> memref<10000x128xf32, #tpu.memory_space<hbm>>
    tpu.wait_indirect_dma semaphore(%arg14 : memref<!tpu.dma_semaphore, #tpu.memory_space<semaphore_mem>>) src(%dma_wait3A_34 : memref<10000x128xf32, #tpu.memory_space<hbm>>) dst(%arg11 : memref<80x128xf32, #tpu.memory_space<vmem>>)
    %run_scoped3A = arith.constant 0 : i32
    "tpu.region"() ({
      %run_scoped3A_45 = tpu.sem_alloc : memref<!tpu.dma_semaphore, #tpu.memory_space<semaphore_mem>>
      %dma_start3A_46 = arith.constant 0 : i32
      %dma_start3A_47 = tpu.memref_slice %arg8[%run_scoped3A, %dma_start3A_46] : memref<1x80xi32, #tpu.memory_space<vmem>> -> memref<1x80xi32, #tpu.memory_space<vmem>>
      %dma_start3A_48 = tpu.memref_squeeze %dma_start3A_47 : memref<1x80xi32, #tpu.memory_space<vmem>> -> memref<80xi32, #tpu.memory_space<vmem>>
      %dma_start3A_49 = arith.constant 0 : i32
      %dma_start3A_50 = arith.constant 0 : i32
      %dma_start3A_51 = tpu.memref_slice %arg13[%dma_start3A_49, %dma_start3A_50] : memref<10008x128xf32, #tpu.memory_space<vmem_shared>> -> memref<10008x128xf32, #tpu.memory_space<vmem_shared>>
      tpu.enqueue_indirect_dma source(%arg11 : memref<80x128xf32, #tpu.memory_space<vmem>>) target(%dma_start3A_51 : memref<10008x128xf32, #tpu.memory_space<vmem_shared>>) offsets(%dma_start3A_48 : memref<80xi32, #tpu.memory_space<vmem>>) semaphore(%run_scoped3A_45 : memref<!tpu.dma_semaphore, #tpu.memory_space<semaphore_mem>>) {add = true}
      %dma_wait3A_52 = arith.constant 0 : i32
      %dma_wait3A_53 = tpu.memref_slice %arg8[%run_scoped3A, %dma_wait3A_52] : memref<1x80xi32, #tpu.memory_space<vmem>> -> memref<1x80xi32, #tpu.memory_space<vmem>>
      %dma_wait3A_54 = tpu.memref_squeeze %dma_wait3A_53 : memref<1x80xi32, #tpu.memory_space<vmem>> -> memref<80xi32, #tpu.memory_space<vmem>>
      %dma_wait3A_55 = arith.constant 0 : i32
      %dma_wait3A_56 = arith.constant 0 : i32
      %dma_wait3A_57 = tpu.memref_slice %arg13[%dma_wait3A_55, %dma_wait3A_56] : memref<10008x128xf32, #tpu.memory_space<vmem_shared>> -> memref<10008x128xf32, #tpu.memory_space<vmem_shared>>
      tpu.wait_indirect_dma semaphore(%run_scoped3A_45 : memref<!tpu.dma_semaphore, #tpu.memory_space<semaphore_mem>>) src(%arg11 : memref<80x128xf32, #tpu.memory_space<vmem>>) dst(%dma_wait3A_57 : memref<10008x128xf32, #tpu.memory_space<vmem_shared>>)
      tpu.yield
    }) : () -> ()
    %barrier3A_35 = arith.constant 0 : index
    tpu.barrier barrier_id(%barrier3A_35)
    %mul3A_36 = arith.constant 624 : i32
    %mul3A_37 = arith.muli %arg1, %mul3A_36 : i32
    %mul3A_38 = arith.constant 624 : i32
    %mul3A_39 = arith.muli %arg1, %mul3A_38 : i32
    "tpu.region"() ({
      %run_scoped3A_45 = tpu.sem_alloc : memref<!tpu.dma_semaphore, #tpu.memory_space<semaphore_mem>>
      %dma_start3A_46 = arith.constant 0 : i32
      %dma_start3A_47 = tpu.memref_slice %arg5[%arg0, %mul3A_39, %dma_start3A_46] : memref<2x10000x128xf32, #tpu.memory_space<hbm>> -> memref<1x624x128xf32, #tpu.memory_space<hbm>>
      %dma_start3A_48 = tpu.memref_squeeze %dma_start3A_47 : memref<1x624x128xf32, #tpu.memory_space<hbm>> -> memref<624x128xf32, #tpu.memory_space<hbm>>
      %dma_start3A_49 = arith.constant 0 : i32
      %dma_start3A_50 = tpu.memref_slice %arg13[%mul3A_37, %dma_start3A_49] : memref<10008x128xf32, #tpu.memory_space<vmem_shared>> -> memref<624x128xf32, #tpu.memory_space<vmem_shared>>
      tpu.enqueue_dma source(%dma_start3A_50 : memref<624x128xf32, #tpu.memory_space<vmem_shared>>) target(%dma_start3A_48 : memref<624x128xf32, #tpu.memory_space<hbm>>) target_semaphore(%run_scoped3A_45 : memref<!tpu.dma_semaphore, #tpu.memory_space<semaphore_mem>>)
      %dma_wait3A_51 = arith.constant 0 : i32
      %dma_wait3A_52 = tpu.memref_slice %arg5[%arg0, %mul3A_39, %dma_wait3A_51] : memref<2x10000x128xf32, #tpu.memory_space<hbm>> -> memref<1x624x128xf32, #tpu.memory_space<hbm>>
      %dma_wait3A_53 = tpu.memref_squeeze %dma_wait3A_52 : memref<1x624x128xf32, #tpu.memory_space<hbm>> -> memref<624x128xf32, #tpu.memory_space<hbm>>
      %dma_wait3A_54 = arith.constant 0 : i32
      %dma_wait3A_55 = tpu.memref_slice %arg13[%mul3A_37, %dma_wait3A_54] : memref<10008x128xf32, #tpu.memory_space<vmem_shared>> -> memref<624x128xf32, #tpu.memory_space<vmem_shared>>
      tpu.wait_dma2 semaphore(%run_scoped3A_45 : memref<!tpu.dma_semaphore, #tpu.memory_space<semaphore_mem>>) src(%dma_wait3A_55 : memref<624x128xf32, #tpu.memory_space<vmem_shared>>) dst(%dma_wait3A_53 : memref<624x128xf32, #tpu.memory_space<hbm>>)
      tpu.yield
    }) : () -> ()
    %eq3A_40 = arith.constant 15 : i32
    %eq3A_41 = arith.cmpi eq, %arg1, %eq3A_40 : i32
    %convert_element_type3A_42 = arith.extui %eq3A_41 : i1 to i32
    %cond3A_43 = arith.constant 0 : i32
    %cond3A_44 = arith.cmpi ne, %convert_element_type3A_42, %cond3A_43 : i32
    scf.if %cond3A_44 {
      "tpu.region"() ({
        %run_scoped3A_45 = tpu.sem_alloc : memref<!tpu.dma_semaphore, #tpu.memory_space<semaphore_mem>>
        %dma_start3A_46 = arith.constant 9984 : i32
        %dma_start3A_47 = arith.constant 0 : i32
        %dma_start3A_48 = tpu.memref_slice %arg5[%arg0, %dma_start3A_46, %dma_start3A_47] : memref<2x10000x128xf32, #tpu.memory_space<hbm>> -> memref<1x16x128xf32, #tpu.memory_space<hbm>>
        %dma_start3A_49 = tpu.memref_squeeze %dma_start3A_48 : memref<1x16x128xf32, #tpu.memory_space<hbm>> -> memref<16x128xf32, #tpu.memory_space<hbm>>
        %dma_start3A_50 = arith.constant 9984 : i32
        %dma_start3A_51 = arith.constant 0 : i32
        %dma_start3A_52 = tpu.memref_slice %arg13[%dma_start3A_50, %dma_start3A_51] : memref<10008x128xf32, #tpu.memory_space<vmem_shared>> -> memref<16x128xf32, #tpu.memory_space<vmem_shared>>
        tpu.enqueue_dma source(%dma_start3A_52 : memref<16x128xf32, #tpu.memory_space<vmem_shared>>) target(%dma_start3A_49 : memref<16x128xf32, #tpu.memory_space<hbm>>) target_semaphore(%run_scoped3A_45 : memref<!tpu.dma_semaphore, #tpu.memory_space<semaphore_mem>>)
        %dma_wait3A_53 = arith.constant 9984 : i32
        %dma_wait3A_54 = arith.constant 0 : i32
        %dma_wait3A_55 = tpu.memref_slice %arg5[%arg0, %dma_wait3A_53, %dma_wait3A_54] : memref<2x10000x128xf32, #tpu.memory_space<hbm>> -> memref<1x16x128xf32, #tpu.memory_space<hbm>>
        %dma_wait3A_56 = tpu.memref_squeeze %dma_wait3A_55 : memref<1x16x128xf32, #tpu.memory_space<hbm>> -> memref<16x128xf32, #tpu.memory_space<hbm>>
        %dma_wait3A_57 = arith.constant 9984 : i32
        %dma_wait3A_58 = arith.constant 0 : i32
        %dma_wait3A_59 = tpu.memref_slice %arg13[%dma_wait3A_57, %dma_wait3A_58] : memref<10008x128xf32, #tpu.memory_space<vmem_shared>> -> memref<16x128xf32, #tpu.memory_space<vmem_shared>>
        tpu.wait_dma2 semaphore(%run_scoped3A_45 : memref<!tpu.dma_semaphore, #tpu.memory_space<semaphore_mem>>) src(%dma_wait3A_59 : memref<16x128xf32, #tpu.memory_space<vmem_shared>>) dst(%dma_wait3A_56 : memref<16x128xf32, #tpu.memory_space<hbm>>)
        tpu.yield
      }) : () -> ()
    } else {
    }
    return
  }
}

#map = affine_map<(d0, d1) -> (0, 0, 0)>
#map1 = affine_map<(d0, d1) -> (0, 0)>
module attributes {stable_mosaic.version = 14 : i64} {
  func.func @deg_kernel(%arg0: i32, %arg1: i32, %arg2: memref<32x125x80xi32, #tpu.memory_space<hbm>>, %arg3: memref<208x128xf32, #tpu.memory_space<hbm>>, %arg4: memref<2x10000x128xf32, #tpu.memory_space<hbm>>, %arg5: memref<125x80xi32, #tpu.memory_space<vmem>>, %arg6: memref<1x80xi32, #tpu.memory_space<vmem>>, %arg7: memref<1x80xi32, #tpu.memory_space<vmem>>, %arg8: memref<80x128xf32, #tpu.memory_space<vmem>>, %arg9: memref<10008x128xf32, #tpu.memory_space<vmem_shared>>, %arg10: memref<!tpu.dma_semaphore, #tpu.memory_space<semaphore_mem>>, %arg11: memref<!tpu.dma_semaphore, #tpu.memory_space<semaphore_mem>>) attributes {dimension_semantics = [#tpu.dimension_semantics<core_parallel>, #tpu.dimension_semantics<subcore_parallel>], iteration_bounds = array<i64: 2, 16>, scalar_prefetch = 0 : i64, scratch_operands = 7 : i64, tpu.core_type = #tpu.core_type<sc_vector_subcore>, window_params = [{transform_indices = #map}, {transform_indices = #map1}, {transform_indices = #map}]} {
    %mul3A = arith.constant 16 : i32
    %mul3A_0 = arith.muli %arg0, %mul3A : i32
    %add3A = arith.addi %mul3A_0, %arg1 : i32
    "tpu.region"() ({
      %run_scoped3A = tpu.sem_alloc : memref<!tpu.dma_semaphore, #tpu.memory_space<semaphore_mem>>
      %dma_start3A_52 = arith.constant 0 : i32
      %dma_start3A_53 = arith.constant 0 : i32
      %dma_start3A_54 = tpu.memref_slice %arg2[%add3A, %dma_start3A_52, %dma_start3A_53] : memref<32x125x80xi32, #tpu.memory_space<hbm>> -> memref<1x125x80xi32, #tpu.memory_space<hbm>>
      %dma_start3A_55 = tpu.memref_squeeze %dma_start3A_54 : memref<1x125x80xi32, #tpu.memory_space<hbm>> -> memref<125x80xi32, #tpu.memory_space<hbm>>
      %dma_start3A_56 = arith.constant 0 : i32
      %dma_start3A_57 = arith.constant 0 : i32
      %dma_start3A_58 = tpu.memref_slice %arg2[%add3A, %dma_start3A_56, %dma_start3A_57] : memref<32x125x80xi32, #tpu.memory_space<hbm>> -> memref<1x125x80xi32, #tpu.memory_space<hbm>>
      %dma_start3A_59 = tpu.memref_squeeze %dma_start3A_58 : memref<1x125x80xi32, #tpu.memory_space<hbm>> -> memref<125x80xi32, #tpu.memory_space<hbm>>
      tpu.enqueue_dma source(%dma_start3A_59 : memref<125x80xi32, #tpu.memory_space<hbm>>) target(%arg5 : memref<125x80xi32, #tpu.memory_space<vmem>>) target_semaphore(%run_scoped3A : memref<!tpu.dma_semaphore, #tpu.memory_space<semaphore_mem>>)
      %dma_wait3A_60 = arith.constant 0 : i32
      %dma_wait3A_61 = arith.constant 0 : i32
      %dma_wait3A_62 = tpu.memref_slice %arg2[%add3A, %dma_wait3A_60, %dma_wait3A_61] : memref<32x125x80xi32, #tpu.memory_space<hbm>> -> memref<1x125x80xi32, #tpu.memory_space<hbm>>
      %dma_wait3A_63 = tpu.memref_squeeze %dma_wait3A_62 : memref<1x125x80xi32, #tpu.memory_space<hbm>> -> memref<125x80xi32, #tpu.memory_space<hbm>>
      %dma_wait3A_64 = arith.constant 0 : i32
      %dma_wait3A_65 = arith.constant 0 : i32
      %dma_wait3A_66 = tpu.memref_slice %arg2[%add3A, %dma_wait3A_64, %dma_wait3A_65] : memref<32x125x80xi32, #tpu.memory_space<hbm>> -> memref<1x125x80xi32, #tpu.memory_space<hbm>>
      %dma_wait3A_67 = tpu.memref_squeeze %dma_wait3A_66 : memref<1x125x80xi32, #tpu.memory_space<hbm>> -> memref<125x80xi32, #tpu.memory_space<hbm>>
      tpu.wait_dma2 semaphore(%run_scoped3A : memref<!tpu.dma_semaphore, #tpu.memory_space<semaphore_mem>>) src(%dma_wait3A_67 : memref<125x80xi32, #tpu.memory_space<hbm>>) dst(%arg5 : memref<125x80xi32, #tpu.memory_space<vmem>>)
      tpu.yield
    }) : () -> ()
    %scan3A = arith.constant 0 : i32
    %scan3A_1 = arith.constant 0 : i32
    %scan3A_2 = arith.constant 80 : i32
    %scan3A_3 = arith.addi %scan3A_1, %scan3A_2 : i32
    %scan3A_4 = arith.constant 1 : i32
    %scan3A_5 = scf.for %scan3A_52 = %scan3A_1 to %scan3A_3 step %scan3A_4 iter_args(%scan3A_53 = %scan3A) -> (i32)  : i32 {
      %scan3A_54 = arith.constant 0 : i32
      %scan3A_55 = arith.constant 0 : i32
      %scan3A_56 = arith.constant 8 : i32
      %scan3A_57 = arith.addi %scan3A_55, %scan3A_56 : i32
      %scan3A_58 = arith.constant 1 : i32
      %scan3A_59 = scf.for %scan3A_62 = %scan3A_55 to %scan3A_57 step %scan3A_58 iter_args(%scan3A_63 = %scan3A_54) -> (i32)  : i32 {
        %broadcast_in_dim3A = arith.constant 1.000000e+00 : f32
        %broadcast_in_dim3A_64 = vector.broadcast %broadcast_in_dim3A : f32 to vector<16xf32>
        %mul3A_65 = arith.constant 16 : i32
        %mul3A_66 = arith.muli %scan3A_62, %mul3A_65 : i32
        %swap3A = arith.index_cast %scan3A_52 : i32 to index
        %swap3A_67 = arith.index_cast %mul3A_66 : i32 to index
        %swap3A_68 = tpu.vector_load %arg8[%swap3A, %swap3A_67] {strides = array<i32>} : memref<80x128xf32, #tpu.memory_space<vmem>>, vector<1x16xf32>,
        %swap3A_69 = vector.shape_cast %swap3A_68 : vector<1x16xf32> to vector<16xf32>
        %swap3A_70 = vector.shape_cast %broadcast_in_dim3A_64 : vector<16xf32> to vector<1x16xf32>
        tpu.vector_store %arg8[%swap3A, %swap3A_67], %swap3A_70 {strides = array<i32>} : memref<80x128xf32, #tpu.memory_space<vmem>>, vector<1x16xf32>,
        %scan3A_71 = arith.constant 0 : i32
        scf.yield %scan3A_71 : i32
      }
      %scan3A_60 = arith.constant 8 : i32
      %scan3A_61 = arith.constant 0 : i32
      scf.yield %scan3A_61 : i32
    }
    %scan3A_6 = arith.constant 80 : i32
    %scan3A_7 = arith.constant 0 : i32
    %scan3A_8 = arith.constant 0 : i32
    %scan3A_9 = arith.constant 3 : i32
    %scan3A_10 = arith.addi %scan3A_8, %scan3A_9 : i32
    %scan3A_11 = arith.constant 1 : i32
    %scan3A_12 = scf.for %scan3A_52 = %scan3A_8 to %scan3A_10 step %scan3A_11 iter_args(%scan3A_53 = %scan3A_7) -> (i32)  : i32 {
      %mul3A_54 = arith.constant 624 : i32
      %mul3A_55 = arith.muli %arg1, %mul3A_54 : i32
      %mul3A_56 = arith.constant 208 : i32
      %mul3A_57 = arith.muli %scan3A_52, %mul3A_56 : i32
      %add3A_58 = arith.addi %mul3A_55, %mul3A_57 : i32
      "tpu.region"() ({
        %run_scoped3A = tpu.sem_alloc : memref<!tpu.dma_semaphore, #tpu.memory_space<semaphore_mem>>
        %dma_start3A_60 = arith.constant 0 : i32
        %dma_start3A_61 = tpu.memref_slice %arg9[%add3A_58, %dma_start3A_60] : memref<10008x128xf32, #tpu.memory_space<vmem_shared>> -> memref<208x128xf32, #tpu.memory_space<vmem_shared>>
        tpu.enqueue_dma source(%arg3 : memref<208x128xf32, #tpu.memory_space<hbm>>) target(%dma_start3A_61 : memref<208x128xf32, #tpu.memory_space<vmem_shared>>) target_semaphore(%run_scoped3A : memref<!tpu.dma_semaphore, #tpu.memory_space<semaphore_mem>>)
        %dma_wait3A_62 = arith.constant 0 : i32
        %dma_wait3A_63 = tpu.memref_slice %arg9[%add3A_58, %dma_wait3A_62] : memref<10008x128xf32, #tpu.memory_space<vmem_shared>> -> memref<208x128xf32, #tpu.memory_space<vmem_shared>>
        tpu.wait_dma2 semaphore(%run_scoped3A : memref<!tpu.dma_semaphore, #tpu.memory_space<semaphore_mem>>) src(%arg3 : memref<208x128xf32, #tpu.memory_space<hbm>>) dst(%dma_wait3A_63 : memref<208x128xf32, #tpu.memory_space<vmem_shared>>)
        tpu.yield
      }) : () -> ()
      %scan3A_59 = arith.constant 0 : i32
      scf.yield %scan3A_59 : i32
    }
    %scan3A_13 = arith.constant 3 : i32
    %eq3A = arith.constant 15 : i32
    %eq3A_14 = arith.cmpi eq, %arg1, %eq3A : i32
    %convert_element_type3A = arith.extui %eq3A_14 : i1 to i32
    %cond3A = arith.constant 0 : i32
    %cond3A_15 = arith.cmpi ne, %convert_element_type3A, %cond3A : i32
    scf.if %cond3A_15 {
      "tpu.region"() ({
        %run_scoped3A = tpu.sem_alloc : memref<!tpu.dma_semaphore, #tpu.memory_space<semaphore_mem>>
        %dma_start3A_52 = arith.constant 9984 : i32
        %dma_start3A_53 = arith.constant 0 : i32
        %dma_start3A_54 = tpu.memref_slice %arg9[%dma_start3A_52, %dma_start3A_53] : memref<10008x128xf32, #tpu.memory_space<vmem_shared>> -> memref<16x128xf32, #tpu.memory_space<vmem_shared>>
        %dma_start3A_55 = arith.constant 0 : i32
        %dma_start3A_56 = arith.constant 0 : i32
        %dma_start3A_57 = tpu.memref_slice %arg3[%dma_start3A_55, %dma_start3A_56] : memref<208x128xf32, #tpu.memory_space<hbm>> -> memref<16x128xf32, #tpu.memory_space<hbm>>
        tpu.enqueue_dma source(%dma_start3A_57 : memref<16x128xf32, #tpu.memory_space<hbm>>) target(%dma_start3A_54 : memref<16x128xf32, #tpu.memory_space<vmem_shared>>) target_semaphore(%run_scoped3A : memref<!tpu.dma_semaphore, #tpu.memory_space<semaphore_mem>>)
        %dma_wait3A_58 = arith.constant 9984 : i32
        %dma_wait3A_59 = arith.constant 0 : i32
        %dma_wait3A_60 = tpu.memref_slice %arg9[%dma_wait3A_58, %dma_wait3A_59] : memref<10008x128xf32, #tpu.memory_space<vmem_shared>> -> memref<16x128xf32, #tpu.memory_space<vmem_shared>>
        %dma_wait3A_61 = arith.constant 0 : i32
        %dma_wait3A_62 = arith.constant 0 : i32
        %dma_wait3A_63 = tpu.memref_slice %arg3[%dma_wait3A_61, %dma_wait3A_62] : memref<208x128xf32, #tpu.memory_space<hbm>> -> memref<16x128xf32, #tpu.memory_space<hbm>>
        tpu.wait_dma2 semaphore(%run_scoped3A : memref<!tpu.dma_semaphore, #tpu.memory_space<semaphore_mem>>) src(%dma_wait3A_63 : memref<16x128xf32, #tpu.memory_space<hbm>>) dst(%dma_wait3A_60 : memref<16x128xf32, #tpu.memory_space<vmem_shared>>)
        tpu.yield
      }) : () -> ()
    } else {
    }
    %barrier3A = arith.constant 0 : index
    tpu.barrier barrier_id(%barrier3A)
    %scan3A_16 = arith.constant 0 : i32
    %scan3A_17 = arith.constant 0 : i32
    %scan3A_18 = arith.constant 5 : i32
    %scan3A_19 = arith.addi %scan3A_17, %scan3A_18 : i32
    %scan3A_20 = arith.constant 1 : i32
    %scan3A_21 = scf.for %scan3A_52 = %scan3A_17 to %scan3A_19 step %scan3A_20 iter_args(%scan3A_53 = %scan3A_16) -> (i32)  : i32 {
      %mul3A_54 = arith.constant 16 : i32
      %mul3A_55 = arith.muli %scan3A_52, %mul3A_54 : i32
      %get3A = arith.constant 0 : i32
      %get3A_56 = arith.index_cast %get3A : i32 to index
      %get3A_57 = arith.index_cast %mul3A_55 : i32 to index
      %get3A_58 = tpu.vector_load %arg5[%get3A_56, %get3A_57] {strides = array<i32>} : memref<125x80xi32, #tpu.memory_space<vmem>>, vector<1x16xi32>,
      %get3A_59 = vector.shape_cast %get3A_58 : vector<1x16xi32> to vector<16xi32>
      %shift_right_arithmetic3A = arith.constant 14 : i32
      %shift_right_arithmetic3A_60 = vector.broadcast %shift_right_arithmetic3A : i32 to vector<16xi32>
      %shift_right_arithmetic3A_61 = arith.shrsi %get3A_59, %shift_right_arithmetic3A_60 : vector<16xi32>
      %mul3A_62 = arith.constant 16 : i32
      %mul3A_63 = arith.muli %scan3A_52, %mul3A_62 : i32
      %swap3A = arith.constant 0 : i32
      %swap3A_64 = arith.index_cast %swap3A : i32 to index
      %swap3A_65 = arith.index_cast %mul3A_63 : i32 to index
      %swap3A_66 = tpu.vector_load %arg6[%swap3A_64, %swap3A_65] {strides = array<i32>} : memref<1x80xi32, #tpu.memory_space<vmem>>, vector<1x16xi32>,
      %swap3A_67 = vector.shape_cast %swap3A_66 : vector<1x16xi32> to vector<16xi32>
      %swap3A_68 = vector.shape_cast %shift_right_arithmetic3A_61 : vector<16xi32> to vector<1x16xi32>
      tpu.vector_store %arg6[%swap3A_64, %swap3A_65], %swap3A_68 {strides = array<i32>} : memref<1x80xi32, #tpu.memory_space<vmem>>, vector<1x16xi32>,
      %scan3A_69 = arith.constant 0 : i32
      scf.yield %scan3A_69 : i32
    }
    %scan3A_22 = arith.constant 5 : i32
    %dma_start3A = arith.constant 0 : i32
    %dma_start3A_23 = arith.constant 0 : i32
    %dma_start3A_24 = tpu.memref_slice %arg6[%dma_start3A, %dma_start3A_23] : memref<1x80xi32, #tpu.memory_space<vmem>> -> memref<1x80xi32, #tpu.memory_space<vmem>>
    %dma_start3A_25 = tpu.memref_squeeze %dma_start3A_24 : memref<1x80xi32, #tpu.memory_space<vmem>> -> memref<80xi32, #tpu.memory_space<vmem>>
    %dma_start3A_26 = arith.constant 0 : i32
    %dma_start3A_27 = arith.constant 0 : i32
    %dma_start3A_28 = tpu.memref_slice %arg9[%dma_start3A_26, %dma_start3A_27] : memref<10008x128xf32, #tpu.memory_space<vmem_shared>> -> memref<10008x128xf32, #tpu.memory_space<vmem_shared>>
    tpu.enqueue_indirect_dma source(%arg8 : memref<80x128xf32, #tpu.memory_space<vmem>>) target(%dma_start3A_28 : memref<10008x128xf32, #tpu.memory_space<vmem_shared>>) offsets(%dma_start3A_25 : memref<80xi32, #tpu.memory_space<vmem>>) semaphore(%arg10 : memref<!tpu.dma_semaphore, #tpu.memory_space<semaphore_mem>>) {add = true}
    %scan3A_29 = arith.constant 0 : i32
    %scan3A_30 = arith.constant 0 : i32
    %scan3A_31 = arith.constant 62 : i32
    %scan3A_32 = arith.addi %scan3A_30, %scan3A_31 : i32
    %scan3A_33 = arith.constant 1 : i32
    %scan3A_34 = scf.for %scan3A_52 = %scan3A_30 to %scan3A_32 step %scan3A_33 iter_args(%scan3A_53 = %scan3A_29) -> (i32)  : i32 {
      %mul3A_54 = arith.constant 2 : i32
      %mul3A_55 = arith.muli %mul3A_54, %scan3A_52 : i32
      %add3A_56 = arith.constant 1 : i32
      %add3A_57 = arith.addi %mul3A_55, %add3A_56 : i32
      %scan3A_58 = arith.constant 0 : i32
      %scan3A_59 = arith.constant 0 : i32
      %scan3A_60 = arith.constant 5 : i32
      %scan3A_61 = arith.addi %scan3A_59, %scan3A_60 : i32
      %scan3A_62 = arith.constant 1 : i32
      %scan3A_63 = scf.for %scan3A_93 = %scan3A_59 to %scan3A_61 step %scan3A_62 iter_args(%scan3A_94 = %scan3A_58) -> (i32)  : i32 {
        %mul3A_95 = arith.constant 16 : i32
        %mul3A_96 = arith.muli %scan3A_93, %mul3A_95 : i32
        %get3A = arith.index_cast %add3A_57 : i32 to index
        %get3A_97 = arith.index_cast %mul3A_96 : i32 to index
        %get3A_98 = tpu.vector_load %arg5[%get3A, %get3A_97] {strides = array<i32>} : memref<125x80xi32, #tpu.memory_space<vmem>>, vector<1x16xi32>,
        %get3A_99 = vector.shape_cast %get3A_98 : vector<1x16xi32> to vector<16xi32>
        %shift_right_arithmetic3A = arith.constant 14 : i32
        %shift_right_arithmetic3A_100 = vector.broadcast %shift_right_arithmetic3A : i32 to vector<16xi32>
        %shift_right_arithmetic3A_101 = arith.shrsi %get3A_99, %shift_right_arithmetic3A_100 : vector<16xi32>
        %mul3A_102 = arith.constant 16 : i32
        %mul3A_103 = arith.muli %scan3A_93, %mul3A_102 : i32
        %swap3A = arith.constant 0 : i32
        %swap3A_104 = arith.index_cast %swap3A : i32 to index
        %swap3A_105 = arith.index_cast %mul3A_103 : i32 to index
        %swap3A_106 = tpu.vector_load %arg7[%swap3A_104, %swap3A_105] {strides = array<i32>} : memref<1x80xi32, #tpu.memory_space<vmem>>, vector<1x16xi32>,
        %swap3A_107 = vector.shape_cast %swap3A_106 : vector<1x16xi32> to vector<16xi32>
        %swap3A_108 = vector.shape_cast %shift_right_arithmetic3A_101 : vector<16xi32> to vector<1x16xi32>
        tpu.vector_store %arg7[%swap3A_104, %swap3A_105], %swap3A_108 {strides = array<i32>} : memref<1x80xi32, #tpu.memory_space<vmem>>, vector<1x16xi32>,
        %scan3A_109 = arith.constant 0 : i32
        scf.yield %scan3A_109 : i32
      }
      %scan3A_64 = arith.constant 5 : i32
      %dma_start3A_65 = arith.constant 0 : i32
      %dma_start3A_66 = arith.constant 0 : i32
      %dma_start3A_67 = tpu.memref_slice %arg7[%dma_start3A_65, %dma_start3A_66] : memref<1x80xi32, #tpu.memory_space<vmem>> -> memref<1x80xi32, #tpu.memory_space<vmem>>
      %dma_start3A_68 = tpu.memref_squeeze %dma_start3A_67 : memref<1x80xi32, #tpu.memory_space<vmem>> -> memref<80xi32, #tpu.memory_space<vmem>>
      %dma_start3A_69 = arith.constant 0 : i32
      %dma_start3A_70 = arith.constant 0 : i32
      %dma_start3A_71 = tpu.memref_slice %arg9[%dma_start3A_69, %dma_start3A_70] : memref<10008x128xf32, #tpu.memory_space<vmem_shared>> -> memref<10008x128xf32, #tpu.memory_space<vmem_shared>>
      tpu.enqueue_indirect_dma source(%arg8 : memref<80x128xf32, #tpu.memory_space<vmem>>) target(%dma_start3A_71 : memref<10008x128xf32, #tpu.memory_space<vmem_shared>>) offsets(%dma_start3A_68 : memref<80xi32, #tpu.memory_space<vmem>>) semaphore(%arg11 : memref<!tpu.dma_semaphore, #tpu.memory_space<semaphore_mem>>) {add = true}
      %dma_wait3A_72 = arith.constant 0 : i32
      %dma_wait3A_73 = arith.constant 0 : i32
      %dma_wait3A_74 = tpu.memref_slice %arg6[%dma_wait3A_72, %dma_wait3A_73] : memref<1x80xi32, #tpu.memory_space<vmem>> -> memref<1x80xi32, #tpu.memory_space<vmem>>
      %dma_wait3A_75 = tpu.memref_squeeze %dma_wait3A_74 : memref<1x80xi32, #tpu.memory_space<vmem>> -> memref<80xi32, #tpu.memory_space<vmem>>
      %dma_wait3A_76 = arith.constant 0 : i32
      %dma_wait3A_77 = arith.constant 0 : i32
      %dma_wait3A_78 = tpu.memref_slice %arg9[%dma_wait3A_76, %dma_wait3A_77] : memref<10008x128xf32, #tpu.memory_space<vmem_shared>> -> memref<10008x128xf32, #tpu.memory_space<vmem_shared>>
      tpu.wait_indirect_dma semaphore(%arg10 : memref<!tpu.dma_semaphore, #tpu.memory_space<semaphore_mem>>) src(%arg8 : memref<80x128xf32, #tpu.memory_space<vmem>>) dst(%dma_wait3A_78 : memref<10008x128xf32, #tpu.memory_space<vmem_shared>>)
      %add3A_79 = arith.constant 1 : i32
      %add3A_80 = arith.addi %add3A_57, %add3A_79 : i32
      %lt3A = arith.constant 125 : i32
      %lt3A_81 = arith.cmpi slt, %add3A_80, %lt3A : i32
      %convert_element_type3A_82 = arith.extui %lt3A_81 : i1 to i32
      %cond3A_83 = arith.constant 0 : i32
      %cond3A_84 = arith.cmpi ne, %convert_element_type3A_82, %cond3A_83 : i32
      scf.if %cond3A_84 {
        %add3A_93 = arith.constant 1 : i32
        %add3A_94 = arith.addi %add3A_57, %add3A_93 : i32
        %scan3A_95 = arith.constant 0 : i32
        %scan3A_96 = arith.constant 0 : i32
        %scan3A_97 = arith.constant 5 : i32
        %scan3A_98 = arith.addi %scan3A_96, %scan3A_97 : i32
        %scan3A_99 = arith.constant 1 : i32
        %scan3A_100 = scf.for %scan3A_109 = %scan3A_96 to %scan3A_98 step %scan3A_99 iter_args(%scan3A_110 = %scan3A_95) -> (i32)  : i32 {
          %mul3A_111 = arith.constant 16 : i32
          %mul3A_112 = arith.muli %scan3A_109, %mul3A_111 : i32
          %get3A = arith.index_cast %add3A_94 : i32 to index
          %get3A_113 = arith.index_cast %mul3A_112 : i32 to index
          %get3A_114 = tpu.vector_load %arg5[%get3A, %get3A_113] {strides = array<i32>} : memref<125x80xi32, #tpu.memory_space<vmem>>, vector<1x16xi32>,
          %get3A_115 = vector.shape_cast %get3A_114 : vector<1x16xi32> to vector<16xi32>
          %shift_right_arithmetic3A = arith.constant 14 : i32
          %shift_right_arithmetic3A_116 = vector.broadcast %shift_right_arithmetic3A : i32 to vector<16xi32>
          %shift_right_arithmetic3A_117 = arith.shrsi %get3A_115, %shift_right_arithmetic3A_116 : vector<16xi32>
          %mul3A_118 = arith.constant 16 : i32
          %mul3A_119 = arith.muli %scan3A_109, %mul3A_118 : i32
          %swap3A = arith.constant 0 : i32
          %swap3A_120 = arith.index_cast %swap3A : i32 to index
          %swap3A_121 = arith.index_cast %mul3A_119 : i32 to index
          %swap3A_122 = tpu.vector_load %arg6[%swap3A_120, %swap3A_121] {strides = array<i32>} : memref<1x80xi32, #tpu.memory_space<vmem>>, vector<1x16xi32>,
          %swap3A_123 = vector.shape_cast %swap3A_122 : vector<1x16xi32> to vector<16xi32>
          %swap3A_124 = vector.shape_cast %shift_right_arithmetic3A_117 : vector<16xi32> to vector<1x16xi32>
          tpu.vector_store %arg6[%swap3A_120, %swap3A_121], %swap3A_124 {strides = array<i32>} : memref<1x80xi32, #tpu.memory_space<vmem>>, vector<1x16xi32>,
          %scan3A_125 = arith.constant 0 : i32
          scf.yield %scan3A_125 : i32
        }
        %scan3A_101 = arith.constant 5 : i32
        %dma_start3A_102 = arith.constant 0 : i32
        %dma_start3A_103 = arith.constant 0 : i32
        %dma_start3A_104 = tpu.memref_slice %arg6[%dma_start3A_102, %dma_start3A_103] : memref<1x80xi32, #tpu.memory_space<vmem>> -> memref<1x80xi32, #tpu.memory_space<vmem>>
        %dma_start3A_105 = tpu.memref_squeeze %dma_start3A_104 : memref<1x80xi32, #tpu.memory_space<vmem>> -> memref<80xi32, #tpu.memory_space<vmem>>
        %dma_start3A_106 = arith.constant 0 : i32
        %dma_start3A_107 = arith.constant 0 : i32
        %dma_start3A_108 = tpu.memref_slice %arg9[%dma_start3A_106, %dma_start3A_107] : memref<10008x128xf32, #tpu.memory_space<vmem_shared>> -> memref<10008x128xf32, #tpu.memory_space<vmem_shared>>
        tpu.enqueue_indirect_dma source(%arg8 : memref<80x128xf32, #tpu.memory_space<vmem>>) target(%dma_start3A_108 : memref<10008x128xf32, #tpu.memory_space<vmem_shared>>) offsets(%dma_start3A_105 : memref<80xi32, #tpu.memory_space<vmem>>) semaphore(%arg10 : memref<!tpu.dma_semaphore, #tpu.memory_space<semaphore_mem>>) {add = true}
      } else {
      }
      %dma_wait3A_85 = arith.constant 0 : i32
      %dma_wait3A_86 = arith.constant 0 : i32
      %dma_wait3A_87 = tpu.memref_slice %arg7[%dma_wait3A_85, %dma_wait3A_86] : memref<1x80xi32, #tpu.memory_space<vmem>> -> memref<1x80xi32, #tpu.memory_space<vmem>>
      %dma_wait3A_88 = tpu.memref_squeeze %dma_wait3A_87 : memref<1x80xi32, #tpu.memory_space<vmem>> -> memref<80xi32, #tpu.memory_space<vmem>>
      %dma_wait3A_89 = arith.constant 0 : i32
      %dma_wait3A_90 = arith.constant 0 : i32
      %dma_wait3A_91 = tpu.memref_slice %arg9[%dma_wait3A_89, %dma_wait3A_90] : memref<10008x128xf32, #tpu.memory_space<vmem_shared>> -> memref<10008x128xf32, #tpu.memory_space<vmem_shared>>
      tpu.wait_indirect_dma semaphore(%arg11 : memref<!tpu.dma_semaphore, #tpu.memory_space<semaphore_mem>>) src(%arg8 : memref<80x128xf32, #tpu.memory_space<vmem>>) dst(%dma_wait3A_91 : memref<10008x128xf32, #tpu.memory_space<vmem_shared>>)
      %scan3A_92 = arith.constant 0 : i32
      scf.yield %scan3A_92 : i32
    }
    %scan3A_35 = arith.constant 62 : i32
    %dma_wait3A = arith.constant 0 : i32
    %dma_wait3A_36 = arith.constant 0 : i32
    %dma_wait3A_37 = tpu.memref_slice %arg6[%dma_wait3A, %dma_wait3A_36] : memref<1x80xi32, #tpu.memory_space<vmem>> -> memref<1x80xi32, #tpu.memory_space<vmem>>
    %dma_wait3A_38 = tpu.memref_squeeze %dma_wait3A_37 : memref<1x80xi32, #tpu.memory_space<vmem>> -> memref<80xi32, #tpu.memory_space<vmem>>
    %dma_wait3A_39 = arith.constant 0 : i32
    %dma_wait3A_40 = arith.constant 0 : i32
    %dma_wait3A_41 = tpu.memref_slice %arg9[%dma_wait3A_39, %dma_wait3A_40] : memref<10008x128xf32, #tpu.memory_space<vmem_shared>> -> memref<10008x128xf32, #tpu.memory_space<vmem_shared>>
    tpu.wait_indirect_dma semaphore(%arg10 : memref<!tpu.dma_semaphore, #tpu.memory_space<semaphore_mem>>) src(%arg8 : memref<80x128xf32, #tpu.memory_space<vmem>>) dst(%dma_wait3A_41 : memref<10008x128xf32, #tpu.memory_space<vmem_shared>>)
    %barrier3A_42 = arith.constant 0 : index
    tpu.barrier barrier_id(%barrier3A_42)
    %mul3A_43 = arith.constant 624 : i32
    %mul3A_44 = arith.muli %arg1, %mul3A_43 : i32
    %mul3A_45 = arith.constant 624 : i32
    %mul3A_46 = arith.muli %arg1, %mul3A_45 : i32
    "tpu.region"() ({
      %run_scoped3A = tpu.sem_alloc : memref<!tpu.dma_semaphore, #tpu.memory_space<semaphore_mem>>
      %dma_start3A_52 = arith.constant 0 : i32
      %dma_start3A_53 = tpu.memref_slice %arg4[%arg0, %mul3A_46, %dma_start3A_52] : memref<2x10000x128xf32, #tpu.memory_space<hbm>> -> memref<1x624x128xf32, #tpu.memory_space<hbm>>
      %dma_start3A_54 = tpu.memref_squeeze %dma_start3A_53 : memref<1x624x128xf32, #tpu.memory_space<hbm>> -> memref<624x128xf32, #tpu.memory_space<hbm>>
      %dma_start3A_55 = arith.constant 0 : i32
      %dma_start3A_56 = tpu.memref_slice %arg9[%mul3A_44, %dma_start3A_55] : memref<10008x128xf32, #tpu.memory_space<vmem_shared>> -> memref<624x128xf32, #tpu.memory_space<vmem_shared>>
      tpu.enqueue_dma source(%dma_start3A_56 : memref<624x128xf32, #tpu.memory_space<vmem_shared>>) target(%dma_start3A_54 : memref<624x128xf32, #tpu.memory_space<hbm>>) target_semaphore(%run_scoped3A : memref<!tpu.dma_semaphore, #tpu.memory_space<semaphore_mem>>)
      %dma_wait3A_57 = arith.constant 0 : i32
      %dma_wait3A_58 = tpu.memref_slice %arg4[%arg0, %mul3A_46, %dma_wait3A_57] : memref<2x10000x128xf32, #tpu.memory_space<hbm>> -> memref<1x624x128xf32, #tpu.memory_space<hbm>>
      %dma_wait3A_59 = tpu.memref_squeeze %dma_wait3A_58 : memref<1x624x128xf32, #tpu.memory_space<hbm>> -> memref<624x128xf32, #tpu.memory_space<hbm>>
      %dma_wait3A_60 = arith.constant 0 : i32
      %dma_wait3A_61 = tpu.memref_slice %arg9[%mul3A_44, %dma_wait3A_60] : memref<10008x128xf32, #tpu.memory_space<vmem_shared>> -> memref<624x128xf32, #tpu.memory_space<vmem_shared>>
      tpu.wait_dma2 semaphore(%run_scoped3A : memref<!tpu.dma_semaphore, #tpu.memory_space<semaphore_mem>>) src(%dma_wait3A_61 : memref<624x128xf32, #tpu.memory_space<vmem_shared>>) dst(%dma_wait3A_59 : memref<624x128xf32, #tpu.memory_space<hbm>>)
      tpu.yield
    }) : () -> ()
    %eq3A_47 = arith.constant 15 : i32
    %eq3A_48 = arith.cmpi eq, %arg1, %eq3A_47 : i32
    %convert_element_type3A_49 = arith.extui %eq3A_48 : i1 to i32
    %cond3A_50 = arith.constant 0 : i32
    %cond3A_51 = arith.cmpi ne, %convert_element_type3A_49, %cond3A_50 : i32
    scf.if %cond3A_51 {
      "tpu.region"() ({
        %run_scoped3A = tpu.sem_alloc : memref<!tpu.dma_semaphore, #tpu.memory_space<semaphore_mem>>
        %dma_start3A_52 = arith.constant 9984 : i32
        %dma_start3A_53 = arith.constant 0 : i32
        %dma_start3A_54 = tpu.memref_slice %arg4[%arg0, %dma_start3A_52, %dma_start3A_53] : memref<2x10000x128xf32, #tpu.memory_space<hbm>> -> memref<1x16x128xf32, #tpu.memory_space<hbm>>
        %dma_start3A_55 = tpu.memref_squeeze %dma_start3A_54 : memref<1x16x128xf32, #tpu.memory_space<hbm>> -> memref<16x128xf32, #tpu.memory_space<hbm>>
        %dma_start3A_56 = arith.constant 9984 : i32
        %dma_start3A_57 = arith.constant 0 : i32
        %dma_start3A_58 = tpu.memref_slice %arg9[%dma_start3A_56, %dma_start3A_57] : memref<10008x128xf32, #tpu.memory_space<vmem_shared>> -> memref<16x128xf32, #tpu.memory_space<vmem_shared>>
        tpu.enqueue_dma source(%dma_start3A_58 : memref<16x128xf32, #tpu.memory_space<vmem_shared>>) target(%dma_start3A_55 : memref<16x128xf32, #tpu.memory_space<hbm>>) target_semaphore(%run_scoped3A : memref<!tpu.dma_semaphore, #tpu.memory_space<semaphore_mem>>)
        %dma_wait3A_59 = arith.constant 9984 : i32
        %dma_wait3A_60 = arith.constant 0 : i32
        %dma_wait3A_61 = tpu.memref_slice %arg4[%arg0, %dma_wait3A_59, %dma_wait3A_60] : memref<2x10000x128xf32, #tpu.memory_space<hbm>> -> memref<1x16x128xf32, #tpu.memory_space<hbm>>
        %dma_wait3A_62 = tpu.memref_squeeze %dma_wait3A_61 : memref<1x16x128xf32, #tpu.memory_space<hbm>> -> memref<16x128xf32, #tpu.memory_space<hbm>>
        %dma_wait3A_63 = arith.constant 9984 : i32
        %dma_wait3A_64 = arith.constant 0 : i32
        %dma_wait3A_65 = tpu.memref_slice %arg9[%dma_wait3A_63, %dma_wait3A_64] : memref<10008x128xf32, #tpu.memory_space<vmem_shared>> -> memref<16x128xf32, #tpu.memory_space<vmem_shared>>
        tpu.wait_dma2 semaphore(%run_scoped3A : memref<!tpu.dma_semaphore, #tpu.memory_space<semaphore_mem>>) src(%dma_wait3A_65 : memref<16x128xf32, #tpu.memory_space<vmem_shared>>) dst(%dma_wait3A_62 : memref<16x128xf32, #tpu.memory_space<hbm>>)
        tpu.yield
      }) : () -> ()
    } else {
    }
    return
  }
}

#map = affine_map<(d0, d1) -> (0, 0)>
#map1 = affine_map<(d0, d1) -> (0, 0, 0)>
module attributes {stable_mosaic.version = 14 : i64} {
  func.func @agg_kernel(%arg0: i32, %arg1: i32, %arg2: memref<10000x128xf32, #tpu.memory_space<hbm>>, %arg3: memref<32x125x80xi32, #tpu.memory_space<hbm>>, %arg4: memref<208x128xf32, #tpu.memory_space<hbm>>, %arg5: memref<2x10000x128xf32, #tpu.memory_space<hbm>>, %arg6: memref<125x80xi32, #tpu.memory_space<vmem>>, %arg7: memref<1x80xi32, #tpu.memory_space<vmem>>, %arg8: memref<1x80xi32, #tpu.memory_space<vmem>>, %arg9: memref<1x80xi32, #tpu.memory_space<vmem>>, %arg10: memref<1x80xi32, #tpu.memory_space<vmem>>, %arg11: memref<80x128xf32, #tpu.memory_space<vmem>>, %arg12: memref<80x128xf32, #tpu.memory_space<vmem>>, %arg13: memref<10008x128xf32, #tpu.memory_space<vmem_shared>>, %arg14: memref<!tpu.dma_semaphore, #tpu.memory_space<semaphore_mem>>, %arg15: memref<!tpu.dma_semaphore, #tpu.memory_space<semaphore_mem>>) attributes {dimension_semantics = [#tpu.dimension_semantics<core_parallel>, #tpu.dimension_semantics<subcore_parallel>], iteration_bounds = array<i64: 2, 16>, scalar_prefetch = 0 : i64, scratch_operands = 10 : i64, tpu.core_type = #tpu.core_type<sc_vector_subcore>, window_params = [{transform_indices = #map}, {transform_indices = #map1}, {transform_indices = #map}, {transform_indices = #map1}]} {
    %mul3A = arith.constant 16 : i32
    %mul3A_0 = arith.muli %arg0, %mul3A : i32
    %add3A = arith.addi %mul3A_0, %arg1 : i32
    "tpu.region"() ({
      %run_scoped3A_45 = tpu.sem_alloc : memref<!tpu.dma_semaphore, #tpu.memory_space<semaphore_mem>>
      %dma_start3A_46 = arith.constant 0 : i32
      %dma_start3A_47 = arith.constant 0 : i32
      %dma_start3A_48 = tpu.memref_slice %arg3[%add3A, %dma_start3A_46, %dma_start3A_47] : memref<32x125x80xi32, #tpu.memory_space<hbm>> -> memref<1x125x80xi32, #tpu.memory_space<hbm>>
      %dma_start3A_49 = tpu.memref_squeeze %dma_start3A_48 : memref<1x125x80xi32, #tpu.memory_space<hbm>> -> memref<125x80xi32, #tpu.memory_space<hbm>>
      %dma_start3A_50 = arith.constant 0 : i32
      %dma_start3A_51 = arith.constant 0 : i32
      %dma_start3A_52 = tpu.memref_slice %arg3[%add3A, %dma_start3A_50, %dma_start3A_51] : memref<32x125x80xi32, #tpu.memory_space<hbm>> -> memref<1x125x80xi32, #tpu.memory_space<hbm>>
      %dma_start3A_53 = tpu.memref_squeeze %dma_start3A_52 : memref<1x125x80xi32, #tpu.memory_space<hbm>> -> memref<125x80xi32, #tpu.memory_space<hbm>>
      tpu.enqueue_dma source(%dma_start3A_53 : memref<125x80xi32, #tpu.memory_space<hbm>>) target(%arg6 : memref<125x80xi32, #tpu.memory_space<vmem>>) target_semaphore(%run_scoped3A_45 : memref<!tpu.dma_semaphore, #tpu.memory_space<semaphore_mem>>)
      %dma_wait3A_54 = arith.constant 0 : i32
      %dma_wait3A_55 = arith.constant 0 : i32
      %dma_wait3A_56 = tpu.memref_slice %arg3[%add3A, %dma_wait3A_54, %dma_wait3A_55] : memref<32x125x80xi32, #tpu.memory_space<hbm>> -> memref<1x125x80xi32, #tpu.memory_space<hbm>>
      %dma_wait3A_57 = tpu.memref_squeeze %dma_wait3A_56 : memref<1x125x80xi32, #tpu.memory_space<hbm>> -> memref<125x80xi32, #tpu.memory_space<hbm>>
      %dma_wait3A_58 = arith.constant 0 : i32
      %dma_wait3A_59 = arith.constant 0 : i32
      %dma_wait3A_60 = tpu.memref_slice %arg3[%add3A, %dma_wait3A_58, %dma_wait3A_59] : memref<32x125x80xi32, #tpu.memory_space<hbm>> -> memref<1x125x80xi32, #tpu.memory_space<hbm>>
      %dma_wait3A_61 = tpu.memref_squeeze %dma_wait3A_60 : memref<1x125x80xi32, #tpu.memory_space<hbm>> -> memref<125x80xi32, #tpu.memory_space<hbm>>
      tpu.wait_dma2 semaphore(%run_scoped3A_45 : memref<!tpu.dma_semaphore, #tpu.memory_space<semaphore_mem>>) src(%dma_wait3A_61 : memref<125x80xi32, #tpu.memory_space<hbm>>) dst(%arg6 : memref<125x80xi32, #tpu.memory_space<vmem>>)
      tpu.yield
    }) : () -> ()
    %scan3A = arith.constant 0 : i32
    %scan3A_1 = arith.constant 0 : i32
    %scan3A_2 = arith.constant 5 : i32
    %scan3A_3 = arith.addi %scan3A_1, %scan3A_2 : i32
    %scan3A_4 = arith.constant 1 : i32
    %scan3A_5 = scf.for %scan3A_45 = %scan3A_1 to %scan3A_3 step %scan3A_4 iter_args(%scan3A_46 = %scan3A) -> (i32)  : i32 {
      %mul3A_47 = arith.constant 16 : i32
      %mul3A_48 = arith.muli %scan3A_45, %mul3A_47 : i32
      %get3A = arith.constant 0 : i32
      %get3A_49 = arith.index_cast %get3A : i32 to index
      %get3A_50 = arith.index_cast %mul3A_48 : i32 to index
      %get3A_51 = tpu.vector_load %arg6[%get3A_49, %get3A_50] {strides = array<i32>} : memref<125x80xi32, #tpu.memory_space<vmem>>, vector<1x16xi32>,
      %get3A_52 = vector.shape_cast %get3A_51 : vector<1x16xi32> to vector<16xi32>
      %and3A = arith.constant 16383 : i32
      %and3A_53 = vector.broadcast %and3A : i32 to vector<16xi32>
      %and3A_54 = arith.andi %get3A_52, %and3A_53 : vector<16xi32>
      %mul3A_55 = arith.constant 16 : i32
      %mul3A_56 = arith.muli %scan3A_45, %mul3A_55 : i32
      %swap3A = arith.constant 0 : i32
      %swap3A_57 = arith.index_cast %swap3A : i32 to index
      %swap3A_58 = arith.index_cast %mul3A_56 : i32 to index
      %swap3A_59 = tpu.vector_load %arg7[%swap3A_57, %swap3A_58] {strides = array<i32>} : memref<1x80xi32, #tpu.memory_space<vmem>>, vector<1x16xi32>,
      %swap3A_60 = vector.shape_cast %swap3A_59 : vector<1x16xi32> to vector<16xi32>
      %swap3A_61 = vector.shape_cast %and3A_54 : vector<16xi32> to vector<1x16xi32>
      tpu.vector_store %arg7[%swap3A_57, %swap3A_58], %swap3A_61 {strides = array<i32>} : memref<1x80xi32, #tpu.memory_space<vmem>>, vector<1x16xi32>,
      %shift_right_arithmetic3A = arith.constant 14 : i32
      %shift_right_arithmetic3A_62 = vector.broadcast %shift_right_arithmetic3A : i32 to vector<16xi32>
      %shift_right_arithmetic3A_63 = arith.shrsi %get3A_52, %shift_right_arithmetic3A_62 : vector<16xi32>
      %mul3A_64 = arith.constant 16 : i32
      %mul3A_65 = arith.muli %scan3A_45, %mul3A_64 : i32
      %swap3A_66 = arith.constant 0 : i32
      %swap3A_67 = arith.index_cast %swap3A_66 : i32 to index
      %swap3A_68 = arith.index_cast %mul3A_65 : i32 to index
      %swap3A_69 = tpu.vector_load %arg8[%swap3A_67, %swap3A_68] {strides = array<i32>} : memref<1x80xi32, #tpu.memory_space<vmem>>, vector<1x16xi32>,
      %swap3A_70 = vector.shape_cast %swap3A_69 : vector<1x16xi32> to vector<16xi32>
      %swap3A_71 = vector.shape_cast %shift_right_arithmetic3A_63 : vector<16xi32> to vector<1x16xi32>
      tpu.vector_store %arg8[%swap3A_67, %swap3A_68], %swap3A_71 {strides = array<i32>} : memref<1x80xi32, #tpu.memory_space<vmem>>, vector<1x16xi32>,
      %scan3A_72 = arith.constant 0 : i32
      scf.yield %scan3A_72 : i32
    }
    %scan3A_6 = arith.constant 5 : i32
    %dma_start3A = arith.constant 0 : i32
    %dma_start3A_7 = arith.constant 0 : i32
    %dma_start3A_8 = tpu.memref_slice %arg7[%dma_start3A, %dma_start3A_7] : memref<1x80xi32, #tpu.memory_space<vmem>> -> memref<1x80xi32, #tpu.memory_space<vmem>>
    %dma_start3A_9 = tpu.memref_squeeze %dma_start3A_8 : memref<1x80xi32, #tpu.memory_space<vmem>> -> memref<80xi32, #tpu.memory_space<vmem>>
    %dma_start3A_10 = arith.constant 0 : i32
    %dma_start3A_11 = arith.constant 0 : i32
    %dma_start3A_12 = tpu.memref_slice %arg2[%dma_start3A_10, %dma_start3A_11] : memref<10000x128xf32, #tpu.memory_space<hbm>> -> memref<10000x128xf32, #tpu.memory_space<hbm>>
    tpu.enqueue_indirect_dma source(%dma_start3A_12 : memref<10000x128xf32, #tpu.memory_space<hbm>>) target(%arg11 : memref<80x128xf32, #tpu.memory_space<vmem>>) offsets(%dma_start3A_9 : memref<80xi32, #tpu.memory_space<vmem>>) semaphore(%arg14 : memref<!tpu.dma_semaphore, #tpu.memory_space<semaphore_mem>>)
    %scan3A_13 = arith.constant 0 : i32
    %scan3A_14 = arith.constant 0 : i32
    %scan3A_15 = arith.constant 3 : i32
    %scan3A_16 = arith.addi %scan3A_14, %scan3A_15 : i32
    %scan3A_17 = arith.constant 1 : i32
    %scan3A_18 = scf.for %scan3A_45 = %scan3A_14 to %scan3A_16 step %scan3A_17 iter_args(%scan3A_46 = %scan3A_13) -> (i32)  : i32 {
      %mul3A_47 = arith.constant 624 : i32
      %mul3A_48 = arith.muli %arg1, %mul3A_47 : i32
      %mul3A_49 = arith.constant 208 : i32
      %mul3A_50 = arith.muli %scan3A_45, %mul3A_49 : i32
      %add3A_51 = arith.addi %mul3A_48, %mul3A_50 : i32
      "tpu.region"() ({
        %run_scoped3A_53 = tpu.sem_alloc : memref<!tpu.dma_semaphore, #tpu.memory_space<semaphore_mem>>
        %dma_start3A_54 = arith.constant 0 : i32
        %dma_start3A_55 = tpu.memref_slice %arg13[%add3A_51, %dma_start3A_54] : memref<10008x128xf32, #tpu.memory_space<vmem_shared>> -> memref<208x128xf32, #tpu.memory_space<vmem_shared>>
        tpu.enqueue_dma source(%arg4 : memref<208x128xf32, #tpu.memory_space<hbm>>) target(%dma_start3A_55 : memref<208x128xf32, #tpu.memory_space<vmem_shared>>) target_semaphore(%run_scoped3A_53 : memref<!tpu.dma_semaphore, #tpu.memory_space<semaphore_mem>>)
        %dma_wait3A_56 = arith.constant 0 : i32
        %dma_wait3A_57 = tpu.memref_slice %arg13[%add3A_51, %dma_wait3A_56] : memref<10008x128xf32, #tpu.memory_space<vmem_shared>> -> memref<208x128xf32, #tpu.memory_space<vmem_shared>>
        tpu.wait_dma2 semaphore(%run_scoped3A_53 : memref<!tpu.dma_semaphore, #tpu.memory_space<semaphore_mem>>) src(%arg4 : memref<208x128xf32, #tpu.memory_space<hbm>>) dst(%dma_wait3A_57 : memref<208x128xf32, #tpu.memory_space<vmem_shared>>)
        tpu.yield
      }) : () -> ()
      %scan3A_52 = arith.constant 0 : i32
      scf.yield %scan3A_52 : i32
    }
    %scan3A_19 = arith.constant 3 : i32
    %eq3A = arith.constant 15 : i32
    %eq3A_20 = arith.cmpi eq, %arg1, %eq3A : i32
    %convert_element_type3A = arith.extui %eq3A_20 : i1 to i32
    %cond3A = arith.constant 0 : i32
    %cond3A_21 = arith.cmpi ne, %convert_element_type3A, %cond3A : i32
    scf.if %cond3A_21 {
      "tpu.region"() ({
        %run_scoped3A_45 = tpu.sem_alloc : memref<!tpu.dma_semaphore, #tpu.memory_space<semaphore_mem>>
        %dma_start3A_46 = arith.constant 9984 : i32
        %dma_start3A_47 = arith.constant 0 : i32
        %dma_start3A_48 = tpu.memref_slice %arg13[%dma_start3A_46, %dma_start3A_47] : memref<10008x128xf32, #tpu.memory_space<vmem_shared>> -> memref<16x128xf32, #tpu.memory_space<vmem_shared>>
        %dma_start3A_49 = arith.constant 0 : i32
        %dma_start3A_50 = arith.constant 0 : i32
        %dma_start3A_51 = tpu.memref_slice %arg4[%dma_start3A_49, %dma_start3A_50] : memref<208x128xf32, #tpu.memory_space<hbm>> -> memref<16x128xf32, #tpu.memory_space<hbm>>
        tpu.enqueue_dma source(%dma_start3A_51 : memref<16x128xf32, #tpu.memory_space<hbm>>) target(%dma_start3A_48 : memref<16x128xf32, #tpu.memory_space<vmem_shared>>) target_semaphore(%run_scoped3A_45 : memref<!tpu.dma_semaphore, #tpu.memory_space<semaphore_mem>>)
        %dma_wait3A_52 = arith.constant 9984 : i32
        %dma_wait3A_53 = arith.constant 0 : i32
        %dma_wait3A_54 = tpu.memref_slice %arg13[%dma_wait3A_52, %dma_wait3A_53] : memref<10008x128xf32, #tpu.memory_space<vmem_shared>> -> memref<16x128xf32, #tpu.memory_space<vmem_shared>>
        %dma_wait3A_55 = arith.constant 0 : i32
        %dma_wait3A_56 = arith.constant 0 : i32
        %dma_wait3A_57 = tpu.memref_slice %arg4[%dma_wait3A_55, %dma_wait3A_56] : memref<208x128xf32, #tpu.memory_space<hbm>> -> memref<16x128xf32, #tpu.memory_space<hbm>>
        tpu.wait_dma2 semaphore(%run_scoped3A_45 : memref<!tpu.dma_semaphore, #tpu.memory_space<semaphore_mem>>) src(%dma_wait3A_57 : memref<16x128xf32, #tpu.memory_space<hbm>>) dst(%dma_wait3A_54 : memref<16x128xf32, #tpu.memory_space<vmem_shared>>)
        tpu.yield
      }) : () -> ()
    } else {
    }
    %barrier3A = arith.constant 0 : index
    tpu.barrier barrier_id(%barrier3A)
    %scan3A_22 = arith.constant 0 : i32
    %scan3A_23 = arith.constant 0 : i32
    %scan3A_24 = arith.constant 62 : i32
    %scan3A_25 = arith.addi %scan3A_23, %scan3A_24 : i32
    %scan3A_26 = arith.constant 1 : i32
    %scan3A_27 = scf.for %scan3A_45 = %scan3A_23 to %scan3A_25 step %scan3A_26 iter_args(%scan3A_46 = %scan3A_22) -> (i32)  : i32 {
      %mul3A_47 = arith.constant 2 : i32
      %mul3A_48 = arith.muli %mul3A_47, %scan3A_45 : i32
      %add3A_49 = arith.constant 1 : i32
      %add3A_50 = arith.addi %mul3A_48, %add3A_49 : i32
      %scan3A_51 = arith.constant 0 : i32
      %scan3A_52 = arith.constant 0 : i32
      %scan3A_53 = arith.constant 5 : i32
      %scan3A_54 = arith.addi %scan3A_52, %scan3A_53 : i32
      %scan3A_55 = arith.constant 1 : i32
      %scan3A_56 = scf.for %scan3A_95 = %scan3A_52 to %scan3A_54 step %scan3A_55 iter_args(%scan3A_96 = %scan3A_51) -> (i32)  : i32 {
        %mul3A_97 = arith.constant 16 : i32
        %mul3A_98 = arith.muli %scan3A_95, %mul3A_97 : i32
        %get3A = arith.index_cast %add3A_50 : i32 to index
        %get3A_99 = arith.index_cast %mul3A_98 : i32 to index
        %get3A_100 = tpu.vector_load %arg6[%get3A, %get3A_99] {strides = array<i32>} : memref<125x80xi32, #tpu.memory_space<vmem>>, vector<1x16xi32>,
        %get3A_101 = vector.shape_cast %get3A_100 : vector<1x16xi32> to vector<16xi32>
        %and3A = arith.constant 16383 : i32
        %and3A_102 = vector.broadcast %and3A : i32 to vector<16xi32>
        %and3A_103 = arith.andi %get3A_101, %and3A_102 : vector<16xi32>
        %mul3A_104 = arith.constant 16 : i32
        %mul3A_105 = arith.muli %scan3A_95, %mul3A_104 : i32
        %swap3A = arith.constant 0 : i32
        %swap3A_106 = arith.index_cast %swap3A : i32 to index
        %swap3A_107 = arith.index_cast %mul3A_105 : i32 to index
        %swap3A_108 = tpu.vector_load %arg9[%swap3A_106, %swap3A_107] {strides = array<i32>} : memref<1x80xi32, #tpu.memory_space<vmem>>, vector<1x16xi32>,
        %swap3A_109 = vector.shape_cast %swap3A_108 : vector<1x16xi32> to vector<16xi32>
        %swap3A_110 = vector.shape_cast %and3A_103 : vector<16xi32> to vector<1x16xi32>
        tpu.vector_store %arg9[%swap3A_106, %swap3A_107], %swap3A_110 {strides = array<i32>} : memref<1x80xi32, #tpu.memory_space<vmem>>, vector<1x16xi32>,
        %shift_right_arithmetic3A = arith.constant 14 : i32
        %shift_right_arithmetic3A_111 = vector.broadcast %shift_right_arithmetic3A : i32 to vector<16xi32>
        %shift_right_arithmetic3A_112 = arith.shrsi %get3A_101, %shift_right_arithmetic3A_111 : vector<16xi32>
        %mul3A_113 = arith.constant 16 : i32
        %mul3A_114 = arith.muli %scan3A_95, %mul3A_113 : i32
        %swap3A_115 = arith.constant 0 : i32
        %swap3A_116 = arith.index_cast %swap3A_115 : i32 to index
        %swap3A_117 = arith.index_cast %mul3A_114 : i32 to index
        %swap3A_118 = tpu.vector_load %arg10[%swap3A_116, %swap3A_117] {strides = array<i32>} : memref<1x80xi32, #tpu.memory_space<vmem>>, vector<1x16xi32>,
        %swap3A_119 = vector.shape_cast %swap3A_118 : vector<1x16xi32> to vector<16xi32>
        %swap3A_120 = vector.shape_cast %shift_right_arithmetic3A_112 : vector<16xi32> to vector<1x16xi32>
        tpu.vector_store %arg10[%swap3A_116, %swap3A_117], %swap3A_120 {strides = array<i32>} : memref<1x80xi32, #tpu.memory_space<vmem>>, vector<1x16xi32>,
        %scan3A_121 = arith.constant 0 : i32
        scf.yield %scan3A_121 : i32
      }
      %scan3A_57 = arith.constant 5 : i32
      %dma_wait3A_58 = arith.constant 0 : i32
      %dma_wait3A_59 = arith.constant 0 : i32
      %dma_wait3A_60 = tpu.memref_slice %arg7[%dma_wait3A_58, %dma_wait3A_59] : memref<1x80xi32, #tpu.memory_space<vmem>> -> memref<1x80xi32, #tpu.memory_space<vmem>>
      %dma_wait3A_61 = tpu.memref_squeeze %dma_wait3A_60 : memref<1x80xi32, #tpu.memory_space<vmem>> -> memref<80xi32, #tpu.memory_space<vmem>>
      %dma_wait3A_62 = arith.constant 0 : i32
      %dma_wait3A_63 = arith.constant 0 : i32
      %dma_wait3A_64 = tpu.memref_slice %arg2[%dma_wait3A_62, %dma_wait3A_63] : memref<10000x128xf32, #tpu.memory_space<hbm>> -> memref<10000x128xf32, #tpu.memory_space<hbm>>
      tpu.wait_indirect_dma semaphore(%arg14 : memref<!tpu.dma_semaphore, #tpu.memory_space<semaphore_mem>>) src(%dma_wait3A_64 : memref<10000x128xf32, #tpu.memory_space<hbm>>) dst(%arg11 : memref<80x128xf32, #tpu.memory_space<vmem>>)
      %dma_start3A_65 = arith.constant 0 : i32
      %dma_start3A_66 = arith.constant 0 : i32
      %dma_start3A_67 = tpu.memref_slice %arg9[%dma_start3A_65, %dma_start3A_66] : memref<1x80xi32, #tpu.memory_space<vmem>> -> memref<1x80xi32, #tpu.memory_space<vmem>>
      %dma_start3A_68 = tpu.memref_squeeze %dma_start3A_67 : memref<1x80xi32, #tpu.memory_space<vmem>> -> memref<80xi32, #tpu.memory_space<vmem>>
      %dma_start3A_69 = arith.constant 0 : i32
      %dma_start3A_70 = arith.constant 0 : i32
      %dma_start3A_71 = tpu.memref_slice %arg2[%dma_start3A_69, %dma_start3A_70] : memref<10000x128xf32, #tpu.memory_space<hbm>> -> memref<10000x128xf32, #tpu.memory_space<hbm>>
      tpu.enqueue_indirect_dma source(%dma_start3A_71 : memref<10000x128xf32, #tpu.memory_space<hbm>>) target(%arg12 : memref<80x128xf32, #tpu.memory_space<vmem>>) offsets(%dma_start3A_68 : memref<80xi32, #tpu.memory_space<vmem>>) semaphore(%arg15 : memref<!tpu.dma_semaphore, #tpu.memory_space<semaphore_mem>>)
      %run_scoped3A_72 = arith.constant 0 : i32
      "tpu.region"() ({
        %run_scoped3A_95 = tpu.sem_alloc : memref<!tpu.dma_semaphore, #tpu.memory_space<semaphore_mem>>
        %dma_start3A_96 = arith.constant 0 : i32
        %dma_start3A_97 = tpu.memref_slice %arg8[%run_scoped3A_72, %dma_start3A_96] : memref<1x80xi32, #tpu.memory_space<vmem>> -> memref<1x80xi32, #tpu.memory_space<vmem>>
        %dma_start3A_98 = tpu.memref_squeeze %dma_start3A_97 : memref<1x80xi32, #tpu.memory_space<vmem>> -> memref<80xi32, #tpu.memory_space<vmem>>
        %dma_start3A_99 = arith.constant 0 : i32
        %dma_start3A_100 = arith.constant 0 : i32
        %dma_start3A_101 = tpu.memref_slice %arg13[%dma_start3A_99, %dma_start3A_100] : memref<10008x128xf32, #tpu.memory_space<vmem_shared>> -> memref<10008x128xf32, #tpu.memory_space<vmem_shared>>
        tpu.enqueue_indirect_dma source(%arg11 : memref<80x128xf32, #tpu.memory_space<vmem>>) target(%dma_start3A_101 : memref<10008x128xf32, #tpu.memory_space<vmem_shared>>) offsets(%dma_start3A_98 : memref<80xi32, #tpu.memory_space<vmem>>) semaphore(%run_scoped3A_95 : memref<!tpu.dma_semaphore, #tpu.memory_space<semaphore_mem>>) {add = true}
        %dma_wait3A_102 = arith.constant 0 : i32
        %dma_wait3A_103 = tpu.memref_slice %arg8[%run_scoped3A_72, %dma_wait3A_102] : memref<1x80xi32, #tpu.memory_space<vmem>> -> memref<1x80xi32, #tpu.memory_space<vmem>>
        %dma_wait3A_104 = tpu.memref_squeeze %dma_wait3A_103 : memref<1x80xi32, #tpu.memory_space<vmem>> -> memref<80xi32, #tpu.memory_space<vmem>>
        %dma_wait3A_105 = arith.constant 0 : i32
        %dma_wait3A_106 = arith.constant 0 : i32
        %dma_wait3A_107 = tpu.memref_slice %arg13[%dma_wait3A_105, %dma_wait3A_106] : memref<10008x128xf32, #tpu.memory_space<vmem_shared>> -> memref<10008x128xf32, #tpu.memory_space<vmem_shared>>
        tpu.wait_indirect_dma semaphore(%run_scoped3A_95 : memref<!tpu.dma_semaphore, #tpu.memory_space<semaphore_mem>>) src(%arg11 : memref<80x128xf32, #tpu.memory_space<vmem>>) dst(%dma_wait3A_107 : memref<10008x128xf32, #tpu.memory_space<vmem_shared>>)
        tpu.yield
      }) : () -> ()
      %add3A_73 = arith.constant 1 : i32
      %add3A_74 = arith.addi %add3A_50, %add3A_73 : i32
      %lt3A = arith.constant 125 : i32
      %lt3A_75 = arith.cmpi slt, %add3A_74, %lt3A : i32
      %convert_element_type3A_76 = arith.extui %lt3A_75 : i1 to i32
      %cond3A_77 = arith.constant 0 : i32
      %cond3A_78 = arith.cmpi ne, %convert_element_type3A_76, %cond3A_77 : i32
      scf.if %cond3A_78 {
        %add3A_95 = arith.constant 1 : i32
        %add3A_96 = arith.addi %add3A_50, %add3A_95 : i32
        %scan3A_97 = arith.constant 0 : i32
        %scan3A_98 = arith.constant 0 : i32
        %scan3A_99 = arith.constant 5 : i32
        %scan3A_100 = arith.addi %scan3A_98, %scan3A_99 : i32
        %scan3A_101 = arith.constant 1 : i32
        %scan3A_102 = scf.for %scan3A_104 = %scan3A_98 to %scan3A_100 step %scan3A_101 iter_args(%scan3A_105 = %scan3A_97) -> (i32)  : i32 {
          %mul3A_106 = arith.constant 16 : i32
          %mul3A_107 = arith.muli %scan3A_104, %mul3A_106 : i32
          %get3A = arith.index_cast %add3A_96 : i32 to index
          %get3A_108 = arith.index_cast %mul3A_107 : i32 to index
          %get3A_109 = tpu.vector_load %arg6[%get3A, %get3A_108] {strides = array<i32>} : memref<125x80xi32, #tpu.memory_space<vmem>>, vector<1x16xi32>,
          %get3A_110 = vector.shape_cast %get3A_109 : vector<1x16xi32> to vector<16xi32>
          %and3A = arith.constant 16383 : i32
          %and3A_111 = vector.broadcast %and3A : i32 to vector<16xi32>
          %and3A_112 = arith.andi %get3A_110, %and3A_111 : vector<16xi32>
          %mul3A_113 = arith.constant 16 : i32
          %mul3A_114 = arith.muli %scan3A_104, %mul3A_113 : i32
          %swap3A = arith.constant 0 : i32
          %swap3A_115 = arith.index_cast %swap3A : i32 to index
          %swap3A_116 = arith.index_cast %mul3A_114 : i32 to index
          %swap3A_117 = tpu.vector_load %arg7[%swap3A_115, %swap3A_116] {strides = array<i32>} : memref<1x80xi32, #tpu.memory_space<vmem>>, vector<1x16xi32>,
          %swap3A_118 = vector.shape_cast %swap3A_117 : vector<1x16xi32> to vector<16xi32>
          %swap3A_119 = vector.shape_cast %and3A_112 : vector<16xi32> to vector<1x16xi32>
          tpu.vector_store %arg7[%swap3A_115, %swap3A_116], %swap3A_119 {strides = array<i32>} : memref<1x80xi32, #tpu.memory_space<vmem>>, vector<1x16xi32>,
          %shift_right_arithmetic3A = arith.constant 14 : i32
          %shift_right_arithmetic3A_120 = vector.broadcast %shift_right_arithmetic3A : i32 to vector<16xi32>
          %shift_right_arithmetic3A_121 = arith.shrsi %get3A_110, %shift_right_arithmetic3A_120 : vector<16xi32>
          %mul3A_122 = arith.constant 16 : i32
          %mul3A_123 = arith.muli %scan3A_104, %mul3A_122 : i32
          %swap3A_124 = arith.constant 0 : i32
          %swap3A_125 = arith.index_cast %swap3A_124 : i32 to index
          %swap3A_126 = arith.index_cast %mul3A_123 : i32 to index
          %swap3A_127 = tpu.vector_load %arg8[%swap3A_125, %swap3A_126] {strides = array<i32>} : memref<1x80xi32, #tpu.memory_space<vmem>>, vector<1x16xi32>,
          %swap3A_128 = vector.shape_cast %swap3A_127 : vector<1x16xi32> to vector<16xi32>
          %swap3A_129 = vector.shape_cast %shift_right_arithmetic3A_121 : vector<16xi32> to vector<1x16xi32>
          tpu.vector_store %arg8[%swap3A_125, %swap3A_126], %swap3A_129 {strides = array<i32>} : memref<1x80xi32, #tpu.memory_space<vmem>>, vector<1x16xi32>,
          %scan3A_130 = arith.constant 0 : i32
          scf.yield %scan3A_130 : i32
        }
        %scan3A_103 = arith.constant 5 : i32
      } else {
      }
      %dma_wait3A_79 = arith.constant 0 : i32
      %dma_wait3A_80 = arith.constant 0 : i32
      %dma_wait3A_81 = tpu.memref_slice %arg9[%dma_wait3A_79, %dma_wait3A_80] : memref<1x80xi32, #tpu.memory_space<vmem>> -> memref<1x80xi32, #tpu.memory_space<vmem>>
      %dma_wait3A_82 = tpu.memref_squeeze %dma_wait3A_81 : memref<1x80xi32, #tpu.memory_space<vmem>> -> memref<80xi32, #tpu.memory_space<vmem>>
      %dma_wait3A_83 = arith.constant 0 : i32
      %dma_wait3A_84 = arith.constant 0 : i32
      %dma_wait3A_85 = tpu.memref_slice %arg2[%dma_wait3A_83, %dma_wait3A_84] : memref<10000x128xf32, #tpu.memory_space<hbm>> -> memref<10000x128xf32, #tpu.memory_space<hbm>>
      tpu.wait_indirect_dma semaphore(%arg15 : memref<!tpu.dma_semaphore, #tpu.memory_space<semaphore_mem>>) src(%dma_wait3A_85 : memref<10000x128xf32, #tpu.memory_space<hbm>>) dst(%arg12 : memref<80x128xf32, #tpu.memory_space<vmem>>)
      %add3A_86 = arith.constant 1 : i32
      %add3A_87 = arith.addi %add3A_50, %add3A_86 : i32
      %lt3A_88 = arith.constant 125 : i32
      %lt3A_89 = arith.cmpi slt, %add3A_87, %lt3A_88 : i32
      %convert_element_type3A_90 = arith.extui %lt3A_89 : i1 to i32
      %cond3A_91 = arith.constant 0 : i32
      %cond3A_92 = arith.cmpi ne, %convert_element_type3A_90, %cond3A_91 : i32
      scf.if %cond3A_92 {
        %dma_start3A_95 = arith.constant 0 : i32
        %dma_start3A_96 = arith.constant 0 : i32
        %dma_start3A_97 = tpu.memref_slice %arg7[%dma_start3A_95, %dma_start3A_96] : memref<1x80xi32, #tpu.memory_space<vmem>> -> memref<1x80xi32, #tpu.memory_space<vmem>>
        %dma_start3A_98 = tpu.memref_squeeze %dma_start3A_97 : memref<1x80xi32, #tpu.memory_space<vmem>> -> memref<80xi32, #tpu.memory_space<vmem>>
        %dma_start3A_99 = arith.constant 0 : i32
        %dma_start3A_100 = arith.constant 0 : i32
        %dma_start3A_101 = tpu.memref_slice %arg2[%dma_start3A_99, %dma_start3A_100] : memref<10000x128xf32, #tpu.memory_space<hbm>> -> memref<10000x128xf32, #tpu.memory_space<hbm>>
        tpu.enqueue_indirect_dma source(%dma_start3A_101 : memref<10000x128xf32, #tpu.memory_space<hbm>>) target(%arg11 : memref<80x128xf32, #tpu.memory_space<vmem>>) offsets(%dma_start3A_98 : memref<80xi32, #tpu.memory_space<vmem>>) semaphore(%arg14 : memref<!tpu.dma_semaphore, #tpu.memory_space<semaphore_mem>>)
      } else {
      }
      %run_scoped3A_93 = arith.constant 0 : i32
      "tpu.region"() ({
        %run_scoped3A_95 = tpu.sem_alloc : memref<!tpu.dma_semaphore, #tpu.memory_space<semaphore_mem>>
        %dma_start3A_96 = arith.constant 0 : i32
        %dma_start3A_97 = tpu.memref_slice %arg10[%run_scoped3A_93, %dma_start3A_96] : memref<1x80xi32, #tpu.memory_space<vmem>> -> memref<1x80xi32, #tpu.memory_space<vmem>>
        %dma_start3A_98 = tpu.memref_squeeze %dma_start3A_97 : memref<1x80xi32, #tpu.memory_space<vmem>> -> memref<80xi32, #tpu.memory_space<vmem>>
        %dma_start3A_99 = arith.constant 0 : i32
        %dma_start3A_100 = arith.constant 0 : i32
        %dma_start3A_101 = tpu.memref_slice %arg13[%dma_start3A_99, %dma_start3A_100] : memref<10008x128xf32, #tpu.memory_space<vmem_shared>> -> memref<10008x128xf32, #tpu.memory_space<vmem_shared>>
        tpu.enqueue_indirect_dma source(%arg12 : memref<80x128xf32, #tpu.memory_space<vmem>>) target(%dma_start3A_101 : memref<10008x128xf32, #tpu.memory_space<vmem_shared>>) offsets(%dma_start3A_98 : memref<80xi32, #tpu.memory_space<vmem>>) semaphore(%run_scoped3A_95 : memref<!tpu.dma_semaphore, #tpu.memory_space<semaphore_mem>>) {add = true}
        %dma_wait3A_102 = arith.constant 0 : i32
        %dma_wait3A_103 = tpu.memref_slice %arg10[%run_scoped3A_93, %dma_wait3A_102] : memref<1x80xi32, #tpu.memory_space<vmem>> -> memref<1x80xi32, #tpu.memory_space<vmem>>
        %dma_wait3A_104 = tpu.memref_squeeze %dma_wait3A_103 : memref<1x80xi32, #tpu.memory_space<vmem>> -> memref<80xi32, #tpu.memory_space<vmem>>
        %dma_wait3A_105 = arith.constant 0 : i32
        %dma_wait3A_106 = arith.constant 0 : i32
        %dma_wait3A_107 = tpu.memref_slice %arg13[%dma_wait3A_105, %dma_wait3A_106] : memref<10008x128xf32, #tpu.memory_space<vmem_shared>> -> memref<10008x128xf32, #tpu.memory_space<vmem_shared>>
        tpu.wait_indirect_dma semaphore(%run_scoped3A_95 : memref<!tpu.dma_semaphore, #tpu.memory_space<semaphore_mem>>) src(%arg12 : memref<80x128xf32, #tpu.memory_space<vmem>>) dst(%dma_wait3A_107 : memref<10008x128xf32, #tpu.memory_space<vmem_shared>>)
        tpu.yield
      }) : () -> ()
      %scan3A_94 = arith.constant 0 : i32
      scf.yield %scan3A_94 : i32
    }
    %scan3A_28 = arith.constant 62 : i32
    %dma_wait3A = arith.constant 0 : i32
    %dma_wait3A_29 = arith.constant 0 : i32
    %dma_wait3A_30 = tpu.memref_slice %arg7[%dma_wait3A, %dma_wait3A_29] : memref<1x80xi32, #tpu.memory_space<vmem>> -> memref<1x80xi32, #tpu.memory_space<vmem>>
    %dma_wait3A_31 = tpu.memref_squeeze %dma_wait3A_30 : memref<1x80xi32, #tpu.memory_space<vmem>> -> memref<80xi32, #tpu.memory_space<vmem>>
    %dma_wait3A_32 = arith.constant 0 : i32
    %dma_wait3A_33 = arith.constant 0 : i32
    %dma_wait3A_34 = tpu.memref_slice %arg2[%dma_wait3A_32, %dma_wait3A_33] : memref<10000x128xf32, #tpu.memory_space<hbm>> -> memref<10000x128xf32, #tpu.memory_space<hbm>>
    tpu.wait_indirect_dma semaphore(%arg14 : memref<!tpu.dma_semaphore, #tpu.memory_space<semaphore_mem>>) src(%dma_wait3A_34 : memref<10000x128xf32, #tpu.memory_space<hbm>>) dst(%arg11 : memref<80x128xf32, #tpu.memory_space<vmem>>)
    %run_scoped3A = arith.constant 0 : i32
    "tpu.region"() ({
      %run_scoped3A_45 = tpu.sem_alloc : memref<!tpu.dma_semaphore, #tpu.memory_space<semaphore_mem>>
      %dma_start3A_46 = arith.constant 0 : i32
      %dma_start3A_47 = tpu.memref_slice %arg8[%run_scoped3A, %dma_start3A_46] : memref<1x80xi32, #tpu.memory_space<vmem>> -> memref<1x80xi32, #tpu.memory_space<vmem>>
      %dma_start3A_48 = tpu.memref_squeeze %dma_start3A_47 : memref<1x80xi32, #tpu.memory_space<vmem>> -> memref<80xi32, #tpu.memory_space<vmem>>
      %dma_start3A_49 = arith.constant 0 : i32
      %dma_start3A_50 = arith.constant 0 : i32
      %dma_start3A_51 = tpu.memref_slice %arg13[%dma_start3A_49, %dma_start3A_50] : memref<10008x128xf32, #tpu.memory_space<vmem_shared>> -> memref<10008x128xf32, #tpu.memory_space<vmem_shared>>
      tpu.enqueue_indirect_dma source(%arg11 : memref<80x128xf32, #tpu.memory_space<vmem>>) target(%dma_start3A_51 : memref<10008x128xf32, #tpu.memory_space<vmem_shared>>) offsets(%dma_start3A_48 : memref<80xi32, #tpu.memory_space<vmem>>) semaphore(%run_scoped3A_45 : memref<!tpu.dma_semaphore, #tpu.memory_space<semaphore_mem>>) {add = true}
      %dma_wait3A_52 = arith.constant 0 : i32
      %dma_wait3A_53 = tpu.memref_slice %arg8[%run_scoped3A, %dma_wait3A_52] : memref<1x80xi32, #tpu.memory_space<vmem>> -> memref<1x80xi32, #tpu.memory_space<vmem>>
      %dma_wait3A_54 = tpu.memref_squeeze %dma_wait3A_53 : memref<1x80xi32, #tpu.memory_space<vmem>> -> memref<80xi32, #tpu.memory_space<vmem>>
      %dma_wait3A_55 = arith.constant 0 : i32
      %dma_wait3A_56 = arith.constant 0 : i32
      %dma_wait3A_57 = tpu.memref_slice %arg13[%dma_wait3A_55, %dma_wait3A_56] : memref<10008x128xf32, #tpu.memory_space<vmem_shared>> -> memref<10008x128xf32, #tpu.memory_space<vmem_shared>>
      tpu.wait_indirect_dma semaphore(%run_scoped3A_45 : memref<!tpu.dma_semaphore, #tpu.memory_space<semaphore_mem>>) src(%arg11 : memref<80x128xf32, #tpu.memory_space<vmem>>) dst(%dma_wait3A_57 : memref<10008x128xf32, #tpu.memory_space<vmem_shared>>)
      tpu.yield
    }) : () -> ()
    %barrier3A_35 = arith.constant 0 : index
    tpu.barrier barrier_id(%barrier3A_35)
    %mul3A_36 = arith.constant 624 : i32
    %mul3A_37 = arith.muli %arg1, %mul3A_36 : i32
    %mul3A_38 = arith.constant 624 : i32
    %mul3A_39 = arith.muli %arg1, %mul3A_38 : i32
    "tpu.region"() ({
      %run_scoped3A_45 = tpu.sem_alloc : memref<!tpu.dma_semaphore, #tpu.memory_space<semaphore_mem>>
      %dma_start3A_46 = arith.constant 0 : i32
      %dma_start3A_47 = tpu.memref_slice %arg5[%arg0, %mul3A_39, %dma_start3A_46] : memref<2x10000x128xf32, #tpu.memory_space<hbm>> -> memref<1x624x128xf32, #tpu.memory_space<hbm>>
      %dma_start3A_48 = tpu.memref_squeeze %dma_start3A_47 : memref<1x624x128xf32, #tpu.memory_space<hbm>> -> memref<624x128xf32, #tpu.memory_space<hbm>>
      %dma_start3A_49 = arith.constant 0 : i32
      %dma_start3A_50 = tpu.memref_slice %arg13[%mul3A_37, %dma_start3A_49] : memref<10008x128xf32, #tpu.memory_space<vmem_shared>> -> memref<624x128xf32, #tpu.memory_space<vmem_shared>>
      tpu.enqueue_dma source(%dma_start3A_50 : memref<624x128xf32, #tpu.memory_space<vmem_shared>>) target(%dma_start3A_48 : memref<624x128xf32, #tpu.memory_space<hbm>>) target_semaphore(%run_scoped3A_45 : memref<!tpu.dma_semaphore, #tpu.memory_space<semaphore_mem>>)
      %dma_wait3A_51 = arith.constant 0 : i32
      %dma_wait3A_52 = tpu.memref_slice %arg5[%arg0, %mul3A_39, %dma_wait3A_51] : memref<2x10000x128xf32, #tpu.memory_space<hbm>> -> memref<1x624x128xf32, #tpu.memory_space<hbm>>
      %dma_wait3A_53 = tpu.memref_squeeze %dma_wait3A_52 : memref<1x624x128xf32, #tpu.memory_space<hbm>> -> memref<624x128xf32, #tpu.memory_space<hbm>>
      %dma_wait3A_54 = arith.constant 0 : i32
      %dma_wait3A_55 = tpu.memref_slice %arg13[%mul3A_37, %dma_wait3A_54] : memref<10008x128xf32, #tpu.memory_space<vmem_shared>> -> memref<624x128xf32, #tpu.memory_space<vmem_shared>>
      tpu.wait_dma2 semaphore(%run_scoped3A_45 : memref<!tpu.dma_semaphore, #tpu.memory_space<semaphore_mem>>) src(%dma_wait3A_55 : memref<624x128xf32, #tpu.memory_space<vmem_shared>>) dst(%dma_wait3A_53 : memref<624x128xf32, #tpu.memory_space<hbm>>)
      tpu.yield
    }) : () -> ()
    %eq3A_40 = arith.constant 15 : i32
    %eq3A_41 = arith.cmpi eq, %arg1, %eq3A_40 : i32
    %convert_element_type3A_42 = arith.extui %eq3A_41 : i1 to i32
    %cond3A_43 = arith.constant 0 : i32
    %cond3A_44 = arith.cmpi ne, %convert_element_type3A_42, %cond3A_43 : i32
    scf.if %cond3A_44 {
      "tpu.region"() ({
        %run_scoped3A_45 = tpu.sem_alloc : memref<!tpu.dma_semaphore, #tpu.memory_space<semaphore_mem>>
        %dma_start3A_46 = arith.constant 9984 : i32
        %dma_start3A_47 = arith.constant 0 : i32
        %dma_start3A_48 = tpu.memref_slice %arg5[%arg0, %dma_start3A_46, %dma_start3A_47] : memref<2x10000x128xf32, #tpu.memory_space<hbm>> -> memref<1x16x128xf32, #tpu.memory_space<hbm>>
        %dma_start3A_49 = tpu.memref_squeeze %dma_start3A_48 : memref<1x16x128xf32, #tpu.memory_space<hbm>> -> memref<16x128xf32, #tpu.memory_space<hbm>>
        %dma_start3A_50 = arith.constant 9984 : i32
        %dma_start3A_51 = arith.constant 0 : i32
        %dma_start3A_52 = tpu.memref_slice %arg13[%dma_start3A_50, %dma_start3A_51] : memref<10008x128xf32, #tpu.memory_space<vmem_shared>> -> memref<16x128xf32, #tpu.memory_space<vmem_shared>>
        tpu.enqueue_dma source(%dma_start3A_52 : memref<16x128xf32, #tpu.memory_space<vmem_shared>>) target(%dma_start3A_49 : memref<16x128xf32, #tpu.memory_space<hbm>>) target_semaphore(%run_scoped3A_45 : memref<!tpu.dma_semaphore, #tpu.memory_space<semaphore_mem>>)
        %dma_wait3A_53 = arith.constant 9984 : i32
        %dma_wait3A_54 = arith.constant 0 : i32
        %dma_wait3A_55 = tpu.memref_slice %arg5[%arg0, %dma_wait3A_53, %dma_wait3A_54] : memref<2x10000x128xf32, #tpu.memory_space<hbm>> -> memref<1x16x128xf32, #tpu.memory_space<hbm>>
        %dma_wait3A_56 = tpu.memref_squeeze %dma_wait3A_55 : memref<1x16x128xf32, #tpu.memory_space<hbm>> -> memref<16x128xf32, #tpu.memory_space<hbm>>
        %dma_wait3A_57 = arith.constant 9984 : i32
        %dma_wait3A_58 = arith.constant 0 : i32
        %dma_wait3A_59 = tpu.memref_slice %arg13[%dma_wait3A_57, %dma_wait3A_58] : memref<10008x128xf32, #tpu.memory_space<vmem_shared>> -> memref<16x128xf32, #tpu.memory_space<vmem_shared>>
        tpu.wait_dma2 semaphore(%run_scoped3A_45 : memref<!tpu.dma_semaphore, #tpu.memory_space<semaphore_mem>>) src(%dma_wait3A_59 : memref<16x128xf32, #tpu.memory_space<vmem_shared>>) dst(%dma_wait3A_56 : memref<16x128xf32, #tpu.memory_space<hbm>>)
        tpu.yield
      }) : () -> ()
    } else {
    }
    return
  }
}

#map = affine_map<(d0, d1) -> (0, 0)>
#map1 = affine_map<(d0, d1) -> (0, 0, 0)>
module attributes {stable_mosaic.version = 14 : i64} {
  func.func @agg_kernel(%arg0: i32, %arg1: i32, %arg2: memref<10000x128xf32, #tpu.memory_space<hbm>>, %arg3: memref<32x125x80xi32, #tpu.memory_space<hbm>>, %arg4: memref<208x128xf32, #tpu.memory_space<hbm>>, %arg5: memref<2x10000x128xf32, #tpu.memory_space<hbm>>, %arg6: memref<125x80xi32, #tpu.memory_space<vmem>>, %arg7: memref<1x80xi32, #tpu.memory_space<vmem>>, %arg8: memref<1x80xi32, #tpu.memory_space<vmem>>, %arg9: memref<1x80xi32, #tpu.memory_space<vmem>>, %arg10: memref<1x80xi32, #tpu.memory_space<vmem>>, %arg11: memref<80x128xf32, #tpu.memory_space<vmem>>, %arg12: memref<80x128xf32, #tpu.memory_space<vmem>>, %arg13: memref<10008x128xf32, #tpu.memory_space<vmem_shared>>, %arg14: memref<!tpu.dma_semaphore, #tpu.memory_space<semaphore_mem>>, %arg15: memref<!tpu.dma_semaphore, #tpu.memory_space<semaphore_mem>>) attributes {dimension_semantics = [#tpu.dimension_semantics<core_parallel>, #tpu.dimension_semantics<subcore_parallel>], iteration_bounds = array<i64: 2, 16>, scalar_prefetch = 0 : i64, scratch_operands = 10 : i64, tpu.core_type = #tpu.core_type<sc_vector_subcore>, window_params = [{transform_indices = #map}, {transform_indices = #map1}, {transform_indices = #map}, {transform_indices = #map1}]} {
    %mul3A = arith.constant 16 : i32
    %mul3A_0 = arith.muli %arg0, %mul3A : i32
    %add3A = arith.addi %mul3A_0, %arg1 : i32
    "tpu.region"() ({
      %run_scoped3A_45 = tpu.sem_alloc : memref<!tpu.dma_semaphore, #tpu.memory_space<semaphore_mem>>
      %dma_start3A_46 = arith.constant 0 : i32
      %dma_start3A_47 = arith.constant 0 : i32
      %dma_start3A_48 = tpu.memref_slice %arg3[%add3A, %dma_start3A_46, %dma_start3A_47] : memref<32x125x80xi32, #tpu.memory_space<hbm>> -> memref<1x125x80xi32, #tpu.memory_space<hbm>>
      %dma_start3A_49 = tpu.memref_squeeze %dma_start3A_48 : memref<1x125x80xi32, #tpu.memory_space<hbm>> -> memref<125x80xi32, #tpu.memory_space<hbm>>
      %dma_start3A_50 = arith.constant 0 : i32
      %dma_start3A_51 = arith.constant 0 : i32
      %dma_start3A_52 = tpu.memref_slice %arg3[%add3A, %dma_start3A_50, %dma_start3A_51] : memref<32x125x80xi32, #tpu.memory_space<hbm>> -> memref<1x125x80xi32, #tpu.memory_space<hbm>>
      %dma_start3A_53 = tpu.memref_squeeze %dma_start3A_52 : memref<1x125x80xi32, #tpu.memory_space<hbm>> -> memref<125x80xi32, #tpu.memory_space<hbm>>
      tpu.enqueue_dma source(%dma_start3A_53 : memref<125x80xi32, #tpu.memory_space<hbm>>) target(%arg6 : memref<125x80xi32, #tpu.memory_space<vmem>>) target_semaphore(%run_scoped3A_45 : memref<!tpu.dma_semaphore, #tpu.memory_space<semaphore_mem>>)
      %dma_wait3A_54 = arith.constant 0 : i32
      %dma_wait3A_55 = arith.constant 0 : i32
      %dma_wait3A_56 = tpu.memref_slice %arg3[%add3A, %dma_wait3A_54, %dma_wait3A_55] : memref<32x125x80xi32, #tpu.memory_space<hbm>> -> memref<1x125x80xi32, #tpu.memory_space<hbm>>
      %dma_wait3A_57 = tpu.memref_squeeze %dma_wait3A_56 : memref<1x125x80xi32, #tpu.memory_space<hbm>> -> memref<125x80xi32, #tpu.memory_space<hbm>>
      %dma_wait3A_58 = arith.constant 0 : i32
      %dma_wait3A_59 = arith.constant 0 : i32
      %dma_wait3A_60 = tpu.memref_slice %arg3[%add3A, %dma_wait3A_58, %dma_wait3A_59] : memref<32x125x80xi32, #tpu.memory_space<hbm>> -> memref<1x125x80xi32, #tpu.memory_space<hbm>>
      %dma_wait3A_61 = tpu.memref_squeeze %dma_wait3A_60 : memref<1x125x80xi32, #tpu.memory_space<hbm>> -> memref<125x80xi32, #tpu.memory_space<hbm>>
      tpu.wait_dma2 semaphore(%run_scoped3A_45 : memref<!tpu.dma_semaphore, #tpu.memory_space<semaphore_mem>>) src(%dma_wait3A_61 : memref<125x80xi32, #tpu.memory_space<hbm>>) dst(%arg6 : memref<125x80xi32, #tpu.memory_space<vmem>>)
      tpu.yield
    }) : () -> ()
    %scan3A = arith.constant 0 : i32
    %scan3A_1 = arith.constant 0 : i32
    %scan3A_2 = arith.constant 5 : i32
    %scan3A_3 = arith.addi %scan3A_1, %scan3A_2 : i32
    %scan3A_4 = arith.constant 1 : i32
    %scan3A_5 = scf.for %scan3A_45 = %scan3A_1 to %scan3A_3 step %scan3A_4 iter_args(%scan3A_46 = %scan3A) -> (i32)  : i32 {
      %mul3A_47 = arith.constant 16 : i32
      %mul3A_48 = arith.muli %scan3A_45, %mul3A_47 : i32
      %get3A = arith.constant 0 : i32
      %get3A_49 = arith.index_cast %get3A : i32 to index
      %get3A_50 = arith.index_cast %mul3A_48 : i32 to index
      %get3A_51 = tpu.vector_load %arg6[%get3A_49, %get3A_50] {strides = array<i32>} : memref<125x80xi32, #tpu.memory_space<vmem>>, vector<1x16xi32>,
      %get3A_52 = vector.shape_cast %get3A_51 : vector<1x16xi32> to vector<16xi32>
      %and3A = arith.constant 16383 : i32
      %and3A_53 = vector.broadcast %and3A : i32 to vector<16xi32>
      %and3A_54 = arith.andi %get3A_52, %and3A_53 : vector<16xi32>
      %mul3A_55 = arith.constant 16 : i32
      %mul3A_56 = arith.muli %scan3A_45, %mul3A_55 : i32
      %swap3A = arith.constant 0 : i32
      %swap3A_57 = arith.index_cast %swap3A : i32 to index
      %swap3A_58 = arith.index_cast %mul3A_56 : i32 to index
      %swap3A_59 = tpu.vector_load %arg7[%swap3A_57, %swap3A_58] {strides = array<i32>} : memref<1x80xi32, #tpu.memory_space<vmem>>, vector<1x16xi32>,
      %swap3A_60 = vector.shape_cast %swap3A_59 : vector<1x16xi32> to vector<16xi32>
      %swap3A_61 = vector.shape_cast %and3A_54 : vector<16xi32> to vector<1x16xi32>
      tpu.vector_store %arg7[%swap3A_57, %swap3A_58], %swap3A_61 {strides = array<i32>} : memref<1x80xi32, #tpu.memory_space<vmem>>, vector<1x16xi32>,
      %shift_right_arithmetic3A = arith.constant 14 : i32
      %shift_right_arithmetic3A_62 = vector.broadcast %shift_right_arithmetic3A : i32 to vector<16xi32>
      %shift_right_arithmetic3A_63 = arith.shrsi %get3A_52, %shift_right_arithmetic3A_62 : vector<16xi32>
      %mul3A_64 = arith.constant 16 : i32
      %mul3A_65 = arith.muli %scan3A_45, %mul3A_64 : i32
      %swap3A_66 = arith.constant 0 : i32
      %swap3A_67 = arith.index_cast %swap3A_66 : i32 to index
      %swap3A_68 = arith.index_cast %mul3A_65 : i32 to index
      %swap3A_69 = tpu.vector_load %arg8[%swap3A_67, %swap3A_68] {strides = array<i32>} : memref<1x80xi32, #tpu.memory_space<vmem>>, vector<1x16xi32>,
      %swap3A_70 = vector.shape_cast %swap3A_69 : vector<1x16xi32> to vector<16xi32>
      %swap3A_71 = vector.shape_cast %shift_right_arithmetic3A_63 : vector<16xi32> to vector<1x16xi32>
      tpu.vector_store %arg8[%swap3A_67, %swap3A_68], %swap3A_71 {strides = array<i32>} : memref<1x80xi32, #tpu.memory_space<vmem>>, vector<1x16xi32>,
      %scan3A_72 = arith.constant 0 : i32
      scf.yield %scan3A_72 : i32
    }
    %scan3A_6 = arith.constant 5 : i32
    %dma_start3A = arith.constant 0 : i32
    %dma_start3A_7 = arith.constant 0 : i32
    %dma_start3A_8 = tpu.memref_slice %arg7[%dma_start3A, %dma_start3A_7] : memref<1x80xi32, #tpu.memory_space<vmem>> -> memref<1x80xi32, #tpu.memory_space<vmem>>
    %dma_start3A_9 = tpu.memref_squeeze %dma_start3A_8 : memref<1x80xi32, #tpu.memory_space<vmem>> -> memref<80xi32, #tpu.memory_space<vmem>>
    %dma_start3A_10 = arith.constant 0 : i32
    %dma_start3A_11 = arith.constant 0 : i32
    %dma_start3A_12 = tpu.memref_slice %arg2[%dma_start3A_10, %dma_start3A_11] : memref<10000x128xf32, #tpu.memory_space<hbm>> -> memref<10000x128xf32, #tpu.memory_space<hbm>>
    tpu.enqueue_indirect_dma source(%dma_start3A_12 : memref<10000x128xf32, #tpu.memory_space<hbm>>) target(%arg11 : memref<80x128xf32, #tpu.memory_space<vmem>>) offsets(%dma_start3A_9 : memref<80xi32, #tpu.memory_space<vmem>>) semaphore(%arg14 : memref<!tpu.dma_semaphore, #tpu.memory_space<semaphore_mem>>)
    %scan3A_13 = arith.constant 0 : i32
    %scan3A_14 = arith.constant 0 : i32
    %scan3A_15 = arith.constant 3 : i32
    %scan3A_16 = arith.addi %scan3A_14, %scan3A_15 : i32
    %scan3A_17 = arith.constant 1 : i32
    %scan3A_18 = scf.for %scan3A_45 = %scan3A_14 to %scan3A_16 step %scan3A_17 iter_args(%scan3A_46 = %scan3A_13) -> (i32)  : i32 {
      %mul3A_47 = arith.constant 624 : i32
      %mul3A_48 = arith.muli %arg1, %mul3A_47 : i32
      %mul3A_49 = arith.constant 208 : i32
      %mul3A_50 = arith.muli %scan3A_45, %mul3A_49 : i32
      %add3A_51 = arith.addi %mul3A_48, %mul3A_50 : i32
      "tpu.region"() ({
        %run_scoped3A_53 = tpu.sem_alloc : memref<!tpu.dma_semaphore, #tpu.memory_space<semaphore_mem>>
        %dma_start3A_54 = arith.constant 0 : i32
        %dma_start3A_55 = tpu.memref_slice %arg13[%add3A_51, %dma_start3A_54] : memref<10008x128xf32, #tpu.memory_space<vmem_shared>> -> memref<208x128xf32, #tpu.memory_space<vmem_shared>>
        tpu.enqueue_dma source(%arg4 : memref<208x128xf32, #tpu.memory_space<hbm>>) target(%dma_start3A_55 : memref<208x128xf32, #tpu.memory_space<vmem_shared>>) target_semaphore(%run_scoped3A_53 : memref<!tpu.dma_semaphore, #tpu.memory_space<semaphore_mem>>)
        %dma_wait3A_56 = arith.constant 0 : i32
        %dma_wait3A_57 = tpu.memref_slice %arg13[%add3A_51, %dma_wait3A_56] : memref<10008x128xf32, #tpu.memory_space<vmem_shared>> -> memref<208x128xf32, #tpu.memory_space<vmem_shared>>
        tpu.wait_dma2 semaphore(%run_scoped3A_53 : memref<!tpu.dma_semaphore, #tpu.memory_space<semaphore_mem>>) src(%arg4 : memref<208x128xf32, #tpu.memory_space<hbm>>) dst(%dma_wait3A_57 : memref<208x128xf32, #tpu.memory_space<vmem_shared>>)
        tpu.yield
      }) : () -> ()
      %scan3A_52 = arith.constant 0 : i32
      scf.yield %scan3A_52 : i32
    }
    %scan3A_19 = arith.constant 3 : i32
    %eq3A = arith.constant 15 : i32
    %eq3A_20 = arith.cmpi eq, %arg1, %eq3A : i32
    %convert_element_type3A = arith.extui %eq3A_20 : i1 to i32
    %cond3A = arith.constant 0 : i32
    %cond3A_21 = arith.cmpi ne, %convert_element_type3A, %cond3A : i32
    scf.if %cond3A_21 {
      "tpu.region"() ({
        %run_scoped3A_45 = tpu.sem_alloc : memref<!tpu.dma_semaphore, #tpu.memory_space<semaphore_mem>>
        %dma_start3A_46 = arith.constant 9984 : i32
        %dma_start3A_47 = arith.constant 0 : i32
        %dma_start3A_48 = tpu.memref_slice %arg13[%dma_start3A_46, %dma_start3A_47] : memref<10008x128xf32, #tpu.memory_space<vmem_shared>> -> memref<16x128xf32, #tpu.memory_space<vmem_shared>>
        %dma_start3A_49 = arith.constant 0 : i32
        %dma_start3A_50 = arith.constant 0 : i32
        %dma_start3A_51 = tpu.memref_slice %arg4[%dma_start3A_49, %dma_start3A_50] : memref<208x128xf32, #tpu.memory_space<hbm>> -> memref<16x128xf32, #tpu.memory_space<hbm>>
        tpu.enqueue_dma source(%dma_start3A_51 : memref<16x128xf32, #tpu.memory_space<hbm>>) target(%dma_start3A_48 : memref<16x128xf32, #tpu.memory_space<vmem_shared>>) target_semaphore(%run_scoped3A_45 : memref<!tpu.dma_semaphore, #tpu.memory_space<semaphore_mem>>)
        %dma_wait3A_52 = arith.constant 9984 : i32
        %dma_wait3A_53 = arith.constant 0 : i32
        %dma_wait3A_54 = tpu.memref_slice %arg13[%dma_wait3A_52, %dma_wait3A_53] : memref<10008x128xf32, #tpu.memory_space<vmem_shared>> -> memref<16x128xf32, #tpu.memory_space<vmem_shared>>
        %dma_wait3A_55 = arith.constant 0 : i32
        %dma_wait3A_56 = arith.constant 0 : i32
        %dma_wait3A_57 = tpu.memref_slice %arg4[%dma_wait3A_55, %dma_wait3A_56] : memref<208x128xf32, #tpu.memory_space<hbm>> -> memref<16x128xf32, #tpu.memory_space<hbm>>
        tpu.wait_dma2 semaphore(%run_scoped3A_45 : memref<!tpu.dma_semaphore, #tpu.memory_space<semaphore_mem>>) src(%dma_wait3A_57 : memref<16x128xf32, #tpu.memory_space<hbm>>) dst(%dma_wait3A_54 : memref<16x128xf32, #tpu.memory_space<vmem_shared>>)
        tpu.yield
      }) : () -> ()
    } else {
    }
    %barrier3A = arith.constant 0 : index
    tpu.barrier barrier_id(%barrier3A)
    %scan3A_22 = arith.constant 0 : i32
    %scan3A_23 = arith.constant 0 : i32
    %scan3A_24 = arith.constant 62 : i32
    %scan3A_25 = arith.addi %scan3A_23, %scan3A_24 : i32
    %scan3A_26 = arith.constant 1 : i32
    %scan3A_27 = scf.for %scan3A_45 = %scan3A_23 to %scan3A_25 step %scan3A_26 iter_args(%scan3A_46 = %scan3A_22) -> (i32)  : i32 {
      %mul3A_47 = arith.constant 2 : i32
      %mul3A_48 = arith.muli %mul3A_47, %scan3A_45 : i32
      %add3A_49 = arith.constant 1 : i32
      %add3A_50 = arith.addi %mul3A_48, %add3A_49 : i32
      %scan3A_51 = arith.constant 0 : i32
      %scan3A_52 = arith.constant 0 : i32
      %scan3A_53 = arith.constant 5 : i32
      %scan3A_54 = arith.addi %scan3A_52, %scan3A_53 : i32
      %scan3A_55 = arith.constant 1 : i32
      %scan3A_56 = scf.for %scan3A_95 = %scan3A_52 to %scan3A_54 step %scan3A_55 iter_args(%scan3A_96 = %scan3A_51) -> (i32)  : i32 {
        %mul3A_97 = arith.constant 16 : i32
        %mul3A_98 = arith.muli %scan3A_95, %mul3A_97 : i32
        %get3A = arith.index_cast %add3A_50 : i32 to index
        %get3A_99 = arith.index_cast %mul3A_98 : i32 to index
        %get3A_100 = tpu.vector_load %arg6[%get3A, %get3A_99] {strides = array<i32>} : memref<125x80xi32, #tpu.memory_space<vmem>>, vector<1x16xi32>,
        %get3A_101 = vector.shape_cast %get3A_100 : vector<1x16xi32> to vector<16xi32>
        %and3A = arith.constant 16383 : i32
        %and3A_102 = vector.broadcast %and3A : i32 to vector<16xi32>
        %and3A_103 = arith.andi %get3A_101, %and3A_102 : vector<16xi32>
        %mul3A_104 = arith.constant 16 : i32
        %mul3A_105 = arith.muli %scan3A_95, %mul3A_104 : i32
        %swap3A = arith.constant 0 : i32
        %swap3A_106 = arith.index_cast %swap3A : i32 to index
        %swap3A_107 = arith.index_cast %mul3A_105 : i32 to index
        %swap3A_108 = tpu.vector_load %arg9[%swap3A_106, %swap3A_107] {strides = array<i32>} : memref<1x80xi32, #tpu.memory_space<vmem>>, vector<1x16xi32>,
        %swap3A_109 = vector.shape_cast %swap3A_108 : vector<1x16xi32> to vector<16xi32>
        %swap3A_110 = vector.shape_cast %and3A_103 : vector<16xi32> to vector<1x16xi32>
        tpu.vector_store %arg9[%swap3A_106, %swap3A_107], %swap3A_110 {strides = array<i32>} : memref<1x80xi32, #tpu.memory_space<vmem>>, vector<1x16xi32>,
        %shift_right_arithmetic3A = arith.constant 14 : i32
        %shift_right_arithmetic3A_111 = vector.broadcast %shift_right_arithmetic3A : i32 to vector<16xi32>
        %shift_right_arithmetic3A_112 = arith.shrsi %get3A_101, %shift_right_arithmetic3A_111 : vector<16xi32>
        %mul3A_113 = arith.constant 16 : i32
        %mul3A_114 = arith.muli %scan3A_95, %mul3A_113 : i32
        %swap3A_115 = arith.constant 0 : i32
        %swap3A_116 = arith.index_cast %swap3A_115 : i32 to index
        %swap3A_117 = arith.index_cast %mul3A_114 : i32 to index
        %swap3A_118 = tpu.vector_load %arg10[%swap3A_116, %swap3A_117] {strides = array<i32>} : memref<1x80xi32, #tpu.memory_space<vmem>>, vector<1x16xi32>,
        %swap3A_119 = vector.shape_cast %swap3A_118 : vector<1x16xi32> to vector<16xi32>
        %swap3A_120 = vector.shape_cast %shift_right_arithmetic3A_112 : vector<16xi32> to vector<1x16xi32>
        tpu.vector_store %arg10[%swap3A_116, %swap3A_117], %swap3A_120 {strides = array<i32>} : memref<1x80xi32, #tpu.memory_space<vmem>>, vector<1x16xi32>,
        %scan3A_121 = arith.constant 0 : i32
        scf.yield %scan3A_121 : i32
      }
      %scan3A_57 = arith.constant 5 : i32
      %dma_wait3A_58 = arith.constant 0 : i32
      %dma_wait3A_59 = arith.constant 0 : i32
      %dma_wait3A_60 = tpu.memref_slice %arg7[%dma_wait3A_58, %dma_wait3A_59] : memref<1x80xi32, #tpu.memory_space<vmem>> -> memref<1x80xi32, #tpu.memory_space<vmem>>
      %dma_wait3A_61 = tpu.memref_squeeze %dma_wait3A_60 : memref<1x80xi32, #tpu.memory_space<vmem>> -> memref<80xi32, #tpu.memory_space<vmem>>
      %dma_wait3A_62 = arith.constant 0 : i32
      %dma_wait3A_63 = arith.constant 0 : i32
      %dma_wait3A_64 = tpu.memref_slice %arg2[%dma_wait3A_62, %dma_wait3A_63] : memref<10000x128xf32, #tpu.memory_space<hbm>> -> memref<10000x128xf32, #tpu.memory_space<hbm>>
      tpu.wait_indirect_dma semaphore(%arg14 : memref<!tpu.dma_semaphore, #tpu.memory_space<semaphore_mem>>) src(%dma_wait3A_64 : memref<10000x128xf32, #tpu.memory_space<hbm>>) dst(%arg11 : memref<80x128xf32, #tpu.memory_space<vmem>>)
      %dma_start3A_65 = arith.constant 0 : i32
      %dma_start3A_66 = arith.constant 0 : i32
      %dma_start3A_67 = tpu.memref_slice %arg9[%dma_start3A_65, %dma_start3A_66] : memref<1x80xi32, #tpu.memory_space<vmem>> -> memref<1x80xi32, #tpu.memory_space<vmem>>
      %dma_start3A_68 = tpu.memref_squeeze %dma_start3A_67 : memref<1x80xi32, #tpu.memory_space<vmem>> -> memref<80xi32, #tpu.memory_space<vmem>>
      %dma_start3A_69 = arith.constant 0 : i32
      %dma_start3A_70 = arith.constant 0 : i32
      %dma_start3A_71 = tpu.memref_slice %arg2[%dma_start3A_69, %dma_start3A_70] : memref<10000x128xf32, #tpu.memory_space<hbm>> -> memref<10000x128xf32, #tpu.memory_space<hbm>>
      tpu.enqueue_indirect_dma source(%dma_start3A_71 : memref<10000x128xf32, #tpu.memory_space<hbm>>) target(%arg12 : memref<80x128xf32, #tpu.memory_space<vmem>>) offsets(%dma_start3A_68 : memref<80xi32, #tpu.memory_space<vmem>>) semaphore(%arg15 : memref<!tpu.dma_semaphore, #tpu.memory_space<semaphore_mem>>)
      %run_scoped3A_72 = arith.constant 0 : i32
      "tpu.region"() ({
        %run_scoped3A_95 = tpu.sem_alloc : memref<!tpu.dma_semaphore, #tpu.memory_space<semaphore_mem>>
        %dma_start3A_96 = arith.constant 0 : i32
        %dma_start3A_97 = tpu.memref_slice %arg8[%run_scoped3A_72, %dma_start3A_96] : memref<1x80xi32, #tpu.memory_space<vmem>> -> memref<1x80xi32, #tpu.memory_space<vmem>>
        %dma_start3A_98 = tpu.memref_squeeze %dma_start3A_97 : memref<1x80xi32, #tpu.memory_space<vmem>> -> memref<80xi32, #tpu.memory_space<vmem>>
        %dma_start3A_99 = arith.constant 0 : i32
        %dma_start3A_100 = arith.constant 0 : i32
        %dma_start3A_101 = tpu.memref_slice %arg13[%dma_start3A_99, %dma_start3A_100] : memref<10008x128xf32, #tpu.memory_space<vmem_shared>> -> memref<10008x128xf32, #tpu.memory_space<vmem_shared>>
        tpu.enqueue_indirect_dma source(%arg11 : memref<80x128xf32, #tpu.memory_space<vmem>>) target(%dma_start3A_101 : memref<10008x128xf32, #tpu.memory_space<vmem_shared>>) offsets(%dma_start3A_98 : memref<80xi32, #tpu.memory_space<vmem>>) semaphore(%run_scoped3A_95 : memref<!tpu.dma_semaphore, #tpu.memory_space<semaphore_mem>>) {add = true}
        %dma_wait3A_102 = arith.constant 0 : i32
        %dma_wait3A_103 = tpu.memref_slice %arg8[%run_scoped3A_72, %dma_wait3A_102] : memref<1x80xi32, #tpu.memory_space<vmem>> -> memref<1x80xi32, #tpu.memory_space<vmem>>
        %dma_wait3A_104 = tpu.memref_squeeze %dma_wait3A_103 : memref<1x80xi32, #tpu.memory_space<vmem>> -> memref<80xi32, #tpu.memory_space<vmem>>
        %dma_wait3A_105 = arith.constant 0 : i32
        %dma_wait3A_106 = arith.constant 0 : i32
        %dma_wait3A_107 = tpu.memref_slice %arg13[%dma_wait3A_105, %dma_wait3A_106] : memref<10008x128xf32, #tpu.memory_space<vmem_shared>> -> memref<10008x128xf32, #tpu.memory_space<vmem_shared>>
        tpu.wait_indirect_dma semaphore(%run_scoped3A_95 : memref<!tpu.dma_semaphore, #tpu.memory_space<semaphore_mem>>) src(%arg11 : memref<80x128xf32, #tpu.memory_space<vmem>>) dst(%dma_wait3A_107 : memref<10008x128xf32, #tpu.memory_space<vmem_shared>>)
        tpu.yield
      }) : () -> ()
      %add3A_73 = arith.constant 1 : i32
      %add3A_74 = arith.addi %add3A_50, %add3A_73 : i32
      %lt3A = arith.constant 125 : i32
      %lt3A_75 = arith.cmpi slt, %add3A_74, %lt3A : i32
      %convert_element_type3A_76 = arith.extui %lt3A_75 : i1 to i32
      %cond3A_77 = arith.constant 0 : i32
      %cond3A_78 = arith.cmpi ne, %convert_element_type3A_76, %cond3A_77 : i32
      scf.if %cond3A_78 {
        %add3A_95 = arith.constant 1 : i32
        %add3A_96 = arith.addi %add3A_50, %add3A_95 : i32
        %scan3A_97 = arith.constant 0 : i32
        %scan3A_98 = arith.constant 0 : i32
        %scan3A_99 = arith.constant 5 : i32
        %scan3A_100 = arith.addi %scan3A_98, %scan3A_99 : i32
        %scan3A_101 = arith.constant 1 : i32
        %scan3A_102 = scf.for %scan3A_104 = %scan3A_98 to %scan3A_100 step %scan3A_101 iter_args(%scan3A_105 = %scan3A_97) -> (i32)  : i32 {
          %mul3A_106 = arith.constant 16 : i32
          %mul3A_107 = arith.muli %scan3A_104, %mul3A_106 : i32
          %get3A = arith.index_cast %add3A_96 : i32 to index
          %get3A_108 = arith.index_cast %mul3A_107 : i32 to index
          %get3A_109 = tpu.vector_load %arg6[%get3A, %get3A_108] {strides = array<i32>} : memref<125x80xi32, #tpu.memory_space<vmem>>, vector<1x16xi32>,
          %get3A_110 = vector.shape_cast %get3A_109 : vector<1x16xi32> to vector<16xi32>
          %and3A = arith.constant 16383 : i32
          %and3A_111 = vector.broadcast %and3A : i32 to vector<16xi32>
          %and3A_112 = arith.andi %get3A_110, %and3A_111 : vector<16xi32>
          %mul3A_113 = arith.constant 16 : i32
          %mul3A_114 = arith.muli %scan3A_104, %mul3A_113 : i32
          %swap3A = arith.constant 0 : i32
          %swap3A_115 = arith.index_cast %swap3A : i32 to index
          %swap3A_116 = arith.index_cast %mul3A_114 : i32 to index
          %swap3A_117 = tpu.vector_load %arg7[%swap3A_115, %swap3A_116] {strides = array<i32>} : memref<1x80xi32, #tpu.memory_space<vmem>>, vector<1x16xi32>,
          %swap3A_118 = vector.shape_cast %swap3A_117 : vector<1x16xi32> to vector<16xi32>
          %swap3A_119 = vector.shape_cast %and3A_112 : vector<16xi32> to vector<1x16xi32>
          tpu.vector_store %arg7[%swap3A_115, %swap3A_116], %swap3A_119 {strides = array<i32>} : memref<1x80xi32, #tpu.memory_space<vmem>>, vector<1x16xi32>,
          %shift_right_arithmetic3A = arith.constant 14 : i32
          %shift_right_arithmetic3A_120 = vector.broadcast %shift_right_arithmetic3A : i32 to vector<16xi32>
          %shift_right_arithmetic3A_121 = arith.shrsi %get3A_110, %shift_right_arithmetic3A_120 : vector<16xi32>
          %mul3A_122 = arith.constant 16 : i32
          %mul3A_123 = arith.muli %scan3A_104, %mul3A_122 : i32
          %swap3A_124 = arith.constant 0 : i32
          %swap3A_125 = arith.index_cast %swap3A_124 : i32 to index
          %swap3A_126 = arith.index_cast %mul3A_123 : i32 to index
          %swap3A_127 = tpu.vector_load %arg8[%swap3A_125, %swap3A_126] {strides = array<i32>} : memref<1x80xi32, #tpu.memory_space<vmem>>, vector<1x16xi32>,
          %swap3A_128 = vector.shape_cast %swap3A_127 : vector<1x16xi32> to vector<16xi32>
          %swap3A_129 = vector.shape_cast %shift_right_arithmetic3A_121 : vector<16xi32> to vector<1x16xi32>
          tpu.vector_store %arg8[%swap3A_125, %swap3A_126], %swap3A_129 {strides = array<i32>} : memref<1x80xi32, #tpu.memory_space<vmem>>, vector<1x16xi32>,
          %scan3A_130 = arith.constant 0 : i32
          scf.yield %scan3A_130 : i32
        }
        %scan3A_103 = arith.constant 5 : i32
      } else {
      }
      %dma_wait3A_79 = arith.constant 0 : i32
      %dma_wait3A_80 = arith.constant 0 : i32
      %dma_wait3A_81 = tpu.memref_slice %arg9[%dma_wait3A_79, %dma_wait3A_80] : memref<1x80xi32, #tpu.memory_space<vmem>> -> memref<1x80xi32, #tpu.memory_space<vmem>>
      %dma_wait3A_82 = tpu.memref_squeeze %dma_wait3A_81 : memref<1x80xi32, #tpu.memory_space<vmem>> -> memref<80xi32, #tpu.memory_space<vmem>>
      %dma_wait3A_83 = arith.constant 0 : i32
      %dma_wait3A_84 = arith.constant 0 : i32
      %dma_wait3A_85 = tpu.memref_slice %arg2[%dma_wait3A_83, %dma_wait3A_84] : memref<10000x128xf32, #tpu.memory_space<hbm>> -> memref<10000x128xf32, #tpu.memory_space<hbm>>
      tpu.wait_indirect_dma semaphore(%arg15 : memref<!tpu.dma_semaphore, #tpu.memory_space<semaphore_mem>>) src(%dma_wait3A_85 : memref<10000x128xf32, #tpu.memory_space<hbm>>) dst(%arg12 : memref<80x128xf32, #tpu.memory_space<vmem>>)
      %add3A_86 = arith.constant 1 : i32
      %add3A_87 = arith.addi %add3A_50, %add3A_86 : i32
      %lt3A_88 = arith.constant 125 : i32
      %lt3A_89 = arith.cmpi slt, %add3A_87, %lt3A_88 : i32
      %convert_element_type3A_90 = arith.extui %lt3A_89 : i1 to i32
      %cond3A_91 = arith.constant 0 : i32
      %cond3A_92 = arith.cmpi ne, %convert_element_type3A_90, %cond3A_91 : i32
      scf.if %cond3A_92 {
        %dma_start3A_95 = arith.constant 0 : i32
        %dma_start3A_96 = arith.constant 0 : i32
        %dma_start3A_97 = tpu.memref_slice %arg7[%dma_start3A_95, %dma_start3A_96] : memref<1x80xi32, #tpu.memory_space<vmem>> -> memref<1x80xi32, #tpu.memory_space<vmem>>
        %dma_start3A_98 = tpu.memref_squeeze %dma_start3A_97 : memref<1x80xi32, #tpu.memory_space<vmem>> -> memref<80xi32, #tpu.memory_space<vmem>>
        %dma_start3A_99 = arith.constant 0 : i32
        %dma_start3A_100 = arith.constant 0 : i32
        %dma_start3A_101 = tpu.memref_slice %arg2[%dma_start3A_99, %dma_start3A_100] : memref<10000x128xf32, #tpu.memory_space<hbm>> -> memref<10000x128xf32, #tpu.memory_space<hbm>>
        tpu.enqueue_indirect_dma source(%dma_start3A_101 : memref<10000x128xf32, #tpu.memory_space<hbm>>) target(%arg11 : memref<80x128xf32, #tpu.memory_space<vmem>>) offsets(%dma_start3A_98 : memref<80xi32, #tpu.memory_space<vmem>>) semaphore(%arg14 : memref<!tpu.dma_semaphore, #tpu.memory_space<semaphore_mem>>)
      } else {
      }
      %run_scoped3A_93 = arith.constant 0 : i32
      "tpu.region"() ({
        %run_scoped3A_95 = tpu.sem_alloc : memref<!tpu.dma_semaphore, #tpu.memory_space<semaphore_mem>>
        %dma_start3A_96 = arith.constant 0 : i32
        %dma_start3A_97 = tpu.memref_slice %arg10[%run_scoped3A_93, %dma_start3A_96] : memref<1x80xi32, #tpu.memory_space<vmem>> -> memref<1x80xi32, #tpu.memory_space<vmem>>
        %dma_start3A_98 = tpu.memref_squeeze %dma_start3A_97 : memref<1x80xi32, #tpu.memory_space<vmem>> -> memref<80xi32, #tpu.memory_space<vmem>>
        %dma_start3A_99 = arith.constant 0 : i32
        %dma_start3A_100 = arith.constant 0 : i32
        %dma_start3A_101 = tpu.memref_slice %arg13[%dma_start3A_99, %dma_start3A_100] : memref<10008x128xf32, #tpu.memory_space<vmem_shared>> -> memref<10008x128xf32, #tpu.memory_space<vmem_shared>>
        tpu.enqueue_indirect_dma source(%arg12 : memref<80x128xf32, #tpu.memory_space<vmem>>) target(%dma_start3A_101 : memref<10008x128xf32, #tpu.memory_space<vmem_shared>>) offsets(%dma_start3A_98 : memref<80xi32, #tpu.memory_space<vmem>>) semaphore(%run_scoped3A_95 : memref<!tpu.dma_semaphore, #tpu.memory_space<semaphore_mem>>) {add = true}
        %dma_wait3A_102 = arith.constant 0 : i32
        %dma_wait3A_103 = tpu.memref_slice %arg10[%run_scoped3A_93, %dma_wait3A_102] : memref<1x80xi32, #tpu.memory_space<vmem>> -> memref<1x80xi32, #tpu.memory_space<vmem>>
        %dma_wait3A_104 = tpu.memref_squeeze %dma_wait3A_103 : memref<1x80xi32, #tpu.memory_space<vmem>> -> memref<80xi32, #tpu.memory_space<vmem>>
        %dma_wait3A_105 = arith.constant 0 : i32
        %dma_wait3A_106 = arith.constant 0 : i32
        %dma_wait3A_107 = tpu.memref_slice %arg13[%dma_wait3A_105, %dma_wait3A_106] : memref<10008x128xf32, #tpu.memory_space<vmem_shared>> -> memref<10008x128xf32, #tpu.memory_space<vmem_shared>>
        tpu.wait_indirect_dma semaphore(%run_scoped3A_95 : memref<!tpu.dma_semaphore, #tpu.memory_space<semaphore_mem>>) src(%arg12 : memref<80x128xf32, #tpu.memory_space<vmem>>) dst(%dma_wait3A_107 : memref<10008x128xf32, #tpu.memory_space<vmem_shared>>)
        tpu.yield
      }) : () -> ()
      %scan3A_94 = arith.constant 0 : i32
      scf.yield %scan3A_94 : i32
    }
    %scan3A_28 = arith.constant 62 : i32
    %dma_wait3A = arith.constant 0 : i32
    %dma_wait3A_29 = arith.constant 0 : i32
    %dma_wait3A_30 = tpu.memref_slice %arg7[%dma_wait3A, %dma_wait3A_29] : memref<1x80xi32, #tpu.memory_space<vmem>> -> memref<1x80xi32, #tpu.memory_space<vmem>>
    %dma_wait3A_31 = tpu.memref_squeeze %dma_wait3A_30 : memref<1x80xi32, #tpu.memory_space<vmem>> -> memref<80xi32, #tpu.memory_space<vmem>>
    %dma_wait3A_32 = arith.constant 0 : i32
    %dma_wait3A_33 = arith.constant 0 : i32
    %dma_wait3A_34 = tpu.memref_slice %arg2[%dma_wait3A_32, %dma_wait3A_33] : memref<10000x128xf32, #tpu.memory_space<hbm>> -> memref<10000x128xf32, #tpu.memory_space<hbm>>
    tpu.wait_indirect_dma semaphore(%arg14 : memref<!tpu.dma_semaphore, #tpu.memory_space<semaphore_mem>>) src(%dma_wait3A_34 : memref<10000x128xf32, #tpu.memory_space<hbm>>) dst(%arg11 : memref<80x128xf32, #tpu.memory_space<vmem>>)
    %run_scoped3A = arith.constant 0 : i32
    "tpu.region"() ({
      %run_scoped3A_45 = tpu.sem_alloc : memref<!tpu.dma_semaphore, #tpu.memory_space<semaphore_mem>>
      %dma_start3A_46 = arith.constant 0 : i32
      %dma_start3A_47 = tpu.memref_slice %arg8[%run_scoped3A, %dma_start3A_46] : memref<1x80xi32, #tpu.memory_space<vmem>> -> memref<1x80xi32, #tpu.memory_space<vmem>>
      %dma_start3A_48 = tpu.memref_squeeze %dma_start3A_47 : memref<1x80xi32, #tpu.memory_space<vmem>> -> memref<80xi32, #tpu.memory_space<vmem>>
      %dma_start3A_49 = arith.constant 0 : i32
      %dma_start3A_50 = arith.constant 0 : i32
      %dma_start3A_51 = tpu.memref_slice %arg13[%dma_start3A_49, %dma_start3A_50] : memref<10008x128xf32, #tpu.memory_space<vmem_shared>> -> memref<10008x128xf32, #tpu.memory_space<vmem_shared>>
      tpu.enqueue_indirect_dma source(%arg11 : memref<80x128xf32, #tpu.memory_space<vmem>>) target(%dma_start3A_51 : memref<10008x128xf32, #tpu.memory_space<vmem_shared>>) offsets(%dma_start3A_48 : memref<80xi32, #tpu.memory_space<vmem>>) semaphore(%run_scoped3A_45 : memref<!tpu.dma_semaphore, #tpu.memory_space<semaphore_mem>>) {add = true}
      %dma_wait3A_52 = arith.constant 0 : i32
      %dma_wait3A_53 = tpu.memref_slice %arg8[%run_scoped3A, %dma_wait3A_52] : memref<1x80xi32, #tpu.memory_space<vmem>> -> memref<1x80xi32, #tpu.memory_space<vmem>>
      %dma_wait3A_54 = tpu.memref_squeeze %dma_wait3A_53 : memref<1x80xi32, #tpu.memory_space<vmem>> -> memref<80xi32, #tpu.memory_space<vmem>>
      %dma_wait3A_55 = arith.constant 0 : i32
      %dma_wait3A_56 = arith.constant 0 : i32
      %dma_wait3A_57 = tpu.memref_slice %arg13[%dma_wait3A_55, %dma_wait3A_56] : memref<10008x128xf32, #tpu.memory_space<vmem_shared>> -> memref<10008x128xf32, #tpu.memory_space<vmem_shared>>
      tpu.wait_indirect_dma semaphore(%run_scoped3A_45 : memref<!tpu.dma_semaphore, #tpu.memory_space<semaphore_mem>>) src(%arg11 : memref<80x128xf32, #tpu.memory_space<vmem>>) dst(%dma_wait3A_57 : memref<10008x128xf32, #tpu.memory_space<vmem_shared>>)
      tpu.yield
    }) : () -> ()
    %barrier3A_35 = arith.constant 0 : index
    tpu.barrier barrier_id(%barrier3A_35)
    %mul3A_36 = arith.constant 624 : i32
    %mul3A_37 = arith.muli %arg1, %mul3A_36 : i32
    %mul3A_38 = arith.constant 624 : i32
    %mul3A_39 = arith.muli %arg1, %mul3A_38 : i32
    "tpu.region"() ({
      %run_scoped3A_45 = tpu.sem_alloc : memref<!tpu.dma_semaphore, #tpu.memory_space<semaphore_mem>>
      %dma_start3A_46 = arith.constant 0 : i32
      %dma_start3A_47 = tpu.memref_slice %arg5[%arg0, %mul3A_39, %dma_start3A_46] : memref<2x10000x128xf32, #tpu.memory_space<hbm>> -> memref<1x624x128xf32, #tpu.memory_space<hbm>>
      %dma_start3A_48 = tpu.memref_squeeze %dma_start3A_47 : memref<1x624x128xf32, #tpu.memory_space<hbm>> -> memref<624x128xf32, #tpu.memory_space<hbm>>
      %dma_start3A_49 = arith.constant 0 : i32
      %dma_start3A_50 = tpu.memref_slice %arg13[%mul3A_37, %dma_start3A_49] : memref<10008x128xf32, #tpu.memory_space<vmem_shared>> -> memref<624x128xf32, #tpu.memory_space<vmem_shared>>
      tpu.enqueue_dma source(%dma_start3A_50 : memref<624x128xf32, #tpu.memory_space<vmem_shared>>) target(%dma_start3A_48 : memref<624x128xf32, #tpu.memory_space<hbm>>) target_semaphore(%run_scoped3A_45 : memref<!tpu.dma_semaphore, #tpu.memory_space<semaphore_mem>>)
      %dma_wait3A_51 = arith.constant 0 : i32
      %dma_wait3A_52 = tpu.memref_slice %arg5[%arg0, %mul3A_39, %dma_wait3A_51] : memref<2x10000x128xf32, #tpu.memory_space<hbm>> -> memref<1x624x128xf32, #tpu.memory_space<hbm>>
      %dma_wait3A_53 = tpu.memref_squeeze %dma_wait3A_52 : memref<1x624x128xf32, #tpu.memory_space<hbm>> -> memref<624x128xf32, #tpu.memory_space<hbm>>
      %dma_wait3A_54 = arith.constant 0 : i32
      %dma_wait3A_55 = tpu.memref_slice %arg13[%mul3A_37, %dma_wait3A_54] : memref<10008x128xf32, #tpu.memory_space<vmem_shared>> -> memref<624x128xf32, #tpu.memory_space<vmem_shared>>
      tpu.wait_dma2 semaphore(%run_scoped3A_45 : memref<!tpu.dma_semaphore, #tpu.memory_space<semaphore_mem>>) src(%dma_wait3A_55 : memref<624x128xf32, #tpu.memory_space<vmem_shared>>) dst(%dma_wait3A_53 : memref<624x128xf32, #tpu.memory_space<hbm>>)
      tpu.yield
    }) : () -> ()
    %eq3A_40 = arith.constant 15 : i32
    %eq3A_41 = arith.cmpi eq, %arg1, %eq3A_40 : i32
    %convert_element_type3A_42 = arith.extui %eq3A_41 : i1 to i32
    %cond3A_43 = arith.constant 0 : i32
    %cond3A_44 = arith.cmpi ne, %convert_element_type3A_42, %cond3A_43 : i32
    scf.if %cond3A_44 {
      "tpu.region"() ({
        %run_scoped3A_45 = tpu.sem_alloc : memref<!tpu.dma_semaphore, #tpu.memory_space<semaphore_mem>>
        %dma_start3A_46 = arith.constant 9984 : i32
        %dma_start3A_47 = arith.constant 0 : i32
        %dma_start3A_48 = tpu.memref_slice %arg5[%arg0, %dma_start3A_46, %dma_start3A_47] : memref<2x10000x128xf32, #tpu.memory_space<hbm>> -> memref<1x16x128xf32, #tpu.memory_space<hbm>>
        %dma_start3A_49 = tpu.memref_squeeze %dma_start3A_48 : memref<1x16x128xf32, #tpu.memory_space<hbm>> -> memref<16x128xf32, #tpu.memory_space<hbm>>
        %dma_start3A_50 = arith.constant 9984 : i32
        %dma_start3A_51 = arith.constant 0 : i32
        %dma_start3A_52 = tpu.memref_slice %arg13[%dma_start3A_50, %dma_start3A_51] : memref<10008x128xf32, #tpu.memory_space<vmem_shared>> -> memref<16x128xf32, #tpu.memory_space<vmem_shared>>
        tpu.enqueue_dma source(%dma_start3A_52 : memref<16x128xf32, #tpu.memory_space<vmem_shared>>) target(%dma_start3A_49 : memref<16x128xf32, #tpu.memory_space<hbm>>) target_semaphore(%run_scoped3A_45 : memref<!tpu.dma_semaphore, #tpu.memory_space<semaphore_mem>>)
        %dma_wait3A_53 = arith.constant 9984 : i32
        %dma_wait3A_54 = arith.constant 0 : i32
        %dma_wait3A_55 = tpu.memref_slice %arg5[%arg0, %dma_wait3A_53, %dma_wait3A_54] : memref<2x10000x128xf32, #tpu.memory_space<hbm>> -> memref<1x16x128xf32, #tpu.memory_space<hbm>>
        %dma_wait3A_56 = tpu.memref_squeeze %dma_wait3A_55 : memref<1x16x128xf32, #tpu.memory_space<hbm>> -> memref<16x128xf32, #tpu.memory_space<hbm>>
        %dma_wait3A_57 = arith.constant 9984 : i32
        %dma_wait3A_58 = arith.constant 0 : i32
        %dma_wait3A_59 = tpu.memref_slice %arg13[%dma_wait3A_57, %dma_wait3A_58] : memref<10008x128xf32, #tpu.memory_space<vmem_shared>> -> memref<16x128xf32, #tpu.memory_space<vmem_shared>>
        tpu.wait_dma2 semaphore(%run_scoped3A_45 : memref<!tpu.dma_semaphore, #tpu.memory_space<semaphore_mem>>) src(%dma_wait3A_59 : memref<16x128xf32, #tpu.memory_space<vmem_shared>>) dst(%dma_wait3A_56 : memref<16x128xf32, #tpu.memory_space<hbm>>)
        tpu.yield
      }) : () -> ()
    } else {
    }
    return
  }
}

module attributes {stable_mosaic.version = 14 : i64} {
  func.func @body(%arg0: i32, %arg1: memref<1000x128xf32, #tpu.memory_space<vmem>>, %arg2: memref<128x128xf32, #tpu.memory_space<vmem>>, %arg3: memref<2x1000x128xf32, #tpu.memory_space<vmem>>, %arg4: memref<1000x128xf32, #tpu.memory_space<vmem>>, %arg5: memref<1000x1xf32, #tpu.memory_space<vmem>>) attributes {dimension_semantics = [#tpu.dimension_semantics<arbitrary>], iteration_bounds = array<i64: 10>, scalar_prefetch = 0 : i64, scratch_operands = 0 : i64, tpu.core_type = #tpu.core_type<tc>, window_params = [{transform_indices = @transform_0, window_bounds = array<i64: 1000, 128>}, {pipeline_mode = #tpu.pipeline_mode<synchronous>, transform_indices = @transform_1, window_bounds = array<i64: 128, 128>}, {transform_indices = @transform_2, window_bounds = array<i64: 2, 1000, 128>}, {transform_indices = @transform_3, window_bounds = array<i64: 1000, 128>}, {transform_indices = @transform_4, window_bounds = array<i64: 1000, 1>}]} {
    %get3A = arith.constant 0 : index
    %get3A_0 = arith.constant 0 : index
    %get3A_1 = arith.constant 0 : index
    %get3A_2 = vector.load %arg3[%get3A, %get3A_0, %get3A_1] : memref<2x1000x128xf32, #tpu.memory_space<vmem>>, vector<1x1000x128xf32>
    %get3A_3 = vector.shape_cast %get3A_2 : vector<1x1000x128xf32> to vector<1000x128xf32>
    %get3A_4 = arith.constant 1 : index
    %get3A_5 = arith.constant 0 : index
    %get3A_6 = arith.constant 0 : index
    %get3A_7 = vector.load %arg3[%get3A_4, %get3A_5, %get3A_6] : memref<2x1000x128xf32, #tpu.memory_space<vmem>>, vector<1x1000x128xf32>
    %get3A_8 = vector.shape_cast %get3A_7 : vector<1x1000x128xf32> to vector<1000x128xf32>
    %add3A = arith.addf %get3A_3, %get3A_8 : vector<1000x128xf32>
    %add3A_9 = arith.constant 1.000000e+00 : f32
    %add3A_10 = vector.broadcast %add3A_9 : f32 to vector<1000x128xf32>
    %add3A_11 = arith.addf %add3A, %add3A_10 : vector<1000x128xf32>
    %rsqrt3A = math.rsqrt %add3A_11 : vector<1000x128xf32>
    %slice3A = vector.extract_strided_slice %rsqrt3A {offsets = [0, 0], sizes = [1000, 1], strides = [1, 1]} : vector<1000x128xf32> to vector<1000x1xf32>
    %get3A_12 = arith.constant 0 : index
    %get3A_13 = arith.constant 0 : index
    %get3A_14 = vector.load %arg1[%get3A_12, %get3A_13] : memref<1000x128xf32, #tpu.memory_space<vmem>>, vector<1000x128xf32>
    %get3A_15 = arith.constant 0 : index
    %get3A_16 = arith.constant 0 : index
    %get3A_17 = vector.load %arg2[%get3A_15, %get3A_16] : memref<128x128xf32, #tpu.memory_space<vmem>>, vector<128x128xf32>
    %dot_general3A = arith.constant dense<0.000000e+00> : vector<1000x128xf32>
    %dot_general3A_18 = tpu.matmul %get3A_14, %get3A_17, %dot_general3A {dimension_numbers = #tpu.dot_dimension_numbers<[1], [0], [0], [1], [0, 0, 1, 1], [], []>, transpose_lhs_hint = false} : vector<1000x128xf32>, vector<128x128xf32>, vector<1000x128xf32> -> vector<1000x128xf32>
    %mul3A = vector.broadcast %slice3A : vector<1000x1xf32> to vector<1000x128xf32>
    %mul3A_19 = arith.mulf %dot_general3A_18, %mul3A : vector<1000x128xf32>
    %swap3A = arith.constant 0 : index
    %swap3A_20 = arith.constant 0 : index
    %swap3A_21 = vector.load %arg4[%swap3A, %swap3A_20] : memref<1000x128xf32, #tpu.memory_space<vmem>>, vector<1000x128xf32>
    tpu.vector_store %arg4[%swap3A, %swap3A_20], %mul3A_19 {strides = array<i32>} : memref<1000x128xf32, #tpu.memory_space<vmem>>, vector<1000x128xf32>,
    %swap3A_22 = arith.constant 0 : index
    %swap3A_23 = arith.constant 0 : index
    %swap3A_24 = vector.load %arg5[%swap3A_22, %swap3A_23] : memref<1000x1xf32, #tpu.memory_space<vmem>>, vector<1000x1xf32>
    tpu.vector_store %arg5[%swap3A_22, %swap3A_23], %slice3A {strides = array<i32>} : memref<1000x1xf32, #tpu.memory_space<vmem>>, vector<1000x1xf32>,
    return
  }
  func.func @transform_0(%arg0: i32) -> (i32, i32) {
    %c0_i32 = arith.constant 0 : i32
    %c0_i32_0 = arith.constant 0 : i32
    return %arg0, %c0_i32 : i32, i32
  }
  func.func @transform_1(%arg0: i32) -> (i32, i32) {
    %c0_i32 = arith.constant 0 : i32
    %c0_i32_0 = arith.constant 0 : i32
    %c0_i32_1 = arith.constant 0 : i32
    return %c0_i32, %c0_i32_0 : i32, i32
  }
  func.func @transform_2(%arg0: i32) -> (i32, i32, i32) {
    %c0_i32 = arith.constant 0 : i32
    %c0_i32_0 = arith.constant 0 : i32
    %c0_i32_1 = arith.constant 0 : i32
    return %c0_i32, %arg0, %c0_i32_0 : i32, i32, i32
  }
  func.func @transform_3(%arg0: i32) -> (i32, i32) {
    %c0_i32 = arith.constant 0 : i32
    %c0_i32_0 = arith.constant 0 : i32
    return %arg0, %c0_i32 : i32, i32
  }
  func.func @transform_4(%arg0: i32) -> (i32, i32) {
    %c0_i32 = arith.constant 0 : i32
    %c0_i32_0 = arith.constant 0 : i32
    return %arg0, %c0_i32 : i32, i32
  }
}

module attributes {stable_mosaic.version = 14 : i64} {
  func.func @body(%arg0: i32, %arg1: memref<2x1000x128xf32, #tpu.memory_space<vmem>>, %arg2: memref<1000x128xf32, #tpu.memory_space<vmem>>, %arg3: memref<1x128xf32, #tpu.memory_space<vmem>>, %arg4: memref<1000x1xf32, #tpu.memory_space<vmem>>, %arg5: memref<128x128xf32, #tpu.memory_space<vmem>>, %arg6: memref<1000x128xf32, #tpu.memory_space<vmem>>) attributes {dimension_semantics = [#tpu.dimension_semantics<arbitrary>], iteration_bounds = array<i64: 10>, scalar_prefetch = 0 : i64, scratch_operands = 0 : i64, tpu.core_type = #tpu.core_type<tc>, window_params = [{transform_indices = @transform_0, window_bounds = array<i64: 2, 1000, 128>}, {transform_indices = @transform_1, window_bounds = array<i64: 1000, 128>}, {pipeline_mode = #tpu.pipeline_mode<synchronous>, transform_indices = @transform_2, window_bounds = array<i64: 1, 128>}, {transform_indices = @transform_3, window_bounds = array<i64: 1000, 1>}, {pipeline_mode = #tpu.pipeline_mode<synchronous>, transform_indices = @transform_4, window_bounds = array<i64: 128, 128>}, {transform_indices = @transform_5, window_bounds = array<i64: 1000, 128>}]} {
    %get3A = arith.constant 0 : index
    %get3A_0 = arith.constant 0 : index
    %get3A_1 = vector.load %arg4[%get3A, %get3A_0] : memref<1000x1xf32, #tpu.memory_space<vmem>>, vector<1000x1xf32>
    %get3A_2 = arith.constant 0 : index
    %get3A_3 = arith.constant 0 : index
    %get3A_4 = arith.constant 0 : index
    %get3A_5 = vector.load %arg1[%get3A_2, %get3A_3, %get3A_4] : memref<2x1000x128xf32, #tpu.memory_space<vmem>>, vector<1x1000x128xf32>
    %get3A_6 = vector.shape_cast %get3A_5 : vector<1x1000x128xf32> to vector<1000x128xf32>
    %get3A_7 = arith.constant 1 : index
    %get3A_8 = arith.constant 0 : index
    %get3A_9 = arith.constant 0 : index
    %get3A_10 = vector.load %arg1[%get3A_7, %get3A_8, %get3A_9] : memref<2x1000x128xf32, #tpu.memory_space<vmem>>, vector<1x1000x128xf32>
    %get3A_11 = vector.shape_cast %get3A_10 : vector<1x1000x128xf32> to vector<1000x128xf32>
    %add3A = arith.addf %get3A_6, %get3A_11 : vector<1000x128xf32>
    %get3A_12 = arith.constant 0 : index
    %get3A_13 = arith.constant 0 : index
    %get3A_14 = vector.load %arg2[%get3A_12, %get3A_13] : memref<1000x128xf32, #tpu.memory_space<vmem>>, vector<1000x128xf32>
    %add3A_15 = arith.addf %add3A, %get3A_14 : vector<1000x128xf32>
    %mul3A = vector.broadcast %get3A_1 : vector<1000x1xf32> to vector<1000x128xf32>
    %mul3A_16 = arith.mulf %mul3A, %add3A_15 : vector<1000x128xf32>
    %get3A_17 = arith.constant 0 : index
    %get3A_18 = arith.constant 0 : index
    %get3A_19 = vector.load %arg3[%get3A_17, %get3A_18] : memref<1x128xf32, #tpu.memory_space<vmem>>, vector<1x128xf32>
    %add3A_20 = vector.broadcast %get3A_19 : vector<1x128xf32> to vector<1000x128xf32>
    %add3A_21 = arith.addf %mul3A_16, %add3A_20 : vector<1000x128xf32>
    %max3A = arith.constant 0.000000e+00 : f32
    %max3A_22 = vector.broadcast %max3A : f32 to vector<1000x128xf32>
    %max3A_23 = arith.maximumf %add3A_21, %max3A_22 : vector<1000x128xf32>
    %get3A_24 = arith.constant 0 : index
    %get3A_25 = arith.constant 0 : index
    %get3A_26 = vector.load %arg5[%get3A_24, %get3A_25] : memref<128x128xf32, #tpu.memory_space<vmem>>, vector<128x128xf32>
    %dot_general3A = arith.constant dense<0.000000e+00> : vector<1000x128xf32>
    %dot_general3A_27 = tpu.matmul %max3A_23, %get3A_26, %dot_general3A {dimension_numbers = #tpu.dot_dimension_numbers<[1], [0], [0], [1], [0, 0, 1, 1], [], []>, transpose_lhs_hint = false} : vector<1000x128xf32>, vector<128x128xf32>, vector<1000x128xf32> -> vector<1000x128xf32>
    %get3A_28 = arith.constant 0 : index
    %get3A_29 = arith.constant 0 : index
    %get3A_30 = vector.load %arg4[%get3A_28, %get3A_29] : memref<1000x1xf32, #tpu.memory_space<vmem>>, vector<1000x1xf32>
    %mul3A_31 = vector.broadcast %get3A_30 : vector<1000x1xf32> to vector<1000x128xf32>
    %mul3A_32 = arith.mulf %dot_general3A_27, %mul3A_31 : vector<1000x128xf32>
    %swap3A = arith.constant 0 : index
    %swap3A_33 = arith.constant 0 : index
    %swap3A_34 = vector.load %arg6[%swap3A, %swap3A_33] : memref<1000x128xf32, #tpu.memory_space<vmem>>, vector<1000x128xf32>
    tpu.vector_store %arg6[%swap3A, %swap3A_33], %mul3A_32 {strides = array<i32>} : memref<1000x128xf32, #tpu.memory_space<vmem>>, vector<1000x128xf32>,
    return
  }
  func.func @transform_0(%arg0: i32) -> (i32, i32, i32) {
    %c0_i32 = arith.constant 0 : i32
    %c0_i32_0 = arith.constant 0 : i32
    %c0_i32_1 = arith.constant 0 : i32
    return %c0_i32, %arg0, %c0_i32_0 : i32, i32, i32
  }
  func.func @transform_1(%arg0: i32) -> (i32, i32) {
    %c0_i32 = arith.constant 0 : i32
    %c0_i32_0 = arith.constant 0 : i32
    return %arg0, %c0_i32 : i32, i32
  }
  func.func @transform_2(%arg0: i32) -> (i32, i32) {
    %c0_i32 = arith.constant 0 : i32
    %c0_i32_0 = arith.constant 0 : i32
    %c0_i32_1 = arith.constant 0 : i32
    return %c0_i32, %c0_i32_0 : i32, i32
  }
  func.func @transform_3(%arg0: i32) -> (i32, i32) {
    %c0_i32 = arith.constant 0 : i32
    %c0_i32_0 = arith.constant 0 : i32
    return %arg0, %c0_i32 : i32, i32
  }
  func.func @transform_4(%arg0: i32) -> (i32, i32) {
    %c0_i32 = arith.constant 0 : i32
    %c0_i32_0 = arith.constant 0 : i32
    %c0_i32_1 = arith.constant 0 : i32
    return %c0_i32, %c0_i32_0 : i32, i32
  }
  func.func @transform_5(%arg0: i32) -> (i32, i32) {
    %c0_i32 = arith.constant 0 : i32
    %c0_i32_0 = arith.constant 0 : i32
    return %arg0, %c0_i32 : i32, i32
  }
}

module attributes {stable_mosaic.version = 14 : i64} {
  func.func @body(%arg0: i32, %arg1: memref<2x1000x128xf32, #tpu.memory_space<vmem>>, %arg2: memref<1000x128xf32, #tpu.memory_space<vmem>>, %arg3: memref<1x128xf32, #tpu.memory_space<vmem>>, %arg4: memref<1000x1xf32, #tpu.memory_space<vmem>>, %arg5: memref<128x32xf32, #tpu.memory_space<vmem>>, %arg6: memref<1x32xf32, #tpu.memory_space<vmem>>, %arg7: memref<32x2xf32, #tpu.memory_space<vmem>>, %arg8: memref<1x2xf32, #tpu.memory_space<vmem>>, %arg9: memref<1x2xf32, #tpu.memory_space<vmem>>, %arg10: memref<1x128xf32, #tpu.memory_space<vmem>>) attributes {dimension_semantics = [#tpu.dimension_semantics<arbitrary>], iteration_bounds = array<i64: 10>, scalar_prefetch = 0 : i64, scratch_operands = 1 : i64, tpu.core_type = #tpu.core_type<tc>, window_params = [{transform_indices = @transform_0, window_bounds = array<i64: 2, 1000, 128>}, {transform_indices = @transform_1, window_bounds = array<i64: 1000, 128>}, {pipeline_mode = #tpu.pipeline_mode<synchronous>, transform_indices = @transform_2, window_bounds = array<i64: 1, 128>}, {transform_indices = @transform_3, window_bounds = array<i64: 1000, 1>}, {pipeline_mode = #tpu.pipeline_mode<synchronous>, transform_indices = @transform_4, window_bounds = array<i64: 128, 32>}, {pipeline_mode = #tpu.pipeline_mode<synchronous>, transform_indices = @transform_5, window_bounds = array<i64: 1, 32>}, {pipeline_mode = #tpu.pipeline_mode<synchronous>, transform_indices = @transform_6, window_bounds = array<i64: 32, 2>}, {pipeline_mode = #tpu.pipeline_mode<synchronous>, transform_indices = @transform_7, window_bounds = array<i64: 1, 2>}, {pipeline_mode = #tpu.pipeline_mode<synchronous>, transform_indices = @transform_8, window_bounds = array<i64: 1, 2>}]} {
    %eq3A = arith.constant 0 : i32
    %eq3A_0 = arith.cmpi eq, %arg0, %eq3A : i32
    %convert_element_type3A = arith.extui %eq3A_0 : i1 to i32
    %cond3A = arith.constant 0 : i32
    %cond3A_1 = arith.cmpi ne, %convert_element_type3A, %cond3A : i32
    scf.if %cond3A_1 {
      %broadcast_in_dim3A_38 = arith.constant 0.000000e+00 : f32
      %broadcast_in_dim3A_39 = vector.broadcast %broadcast_in_dim3A_38 : f32 to vector<1x128xf32>
      %swap3A_40 = arith.constant 0 : index
      %swap3A_41 = arith.constant 0 : index
      %swap3A_42 = vector.load %arg10[%swap3A_40, %swap3A_41] : memref<1x128xf32, #tpu.memory_space<vmem>>, vector<1x128xf32>
      tpu.vector_store %arg10[%swap3A_40, %swap3A_41], %broadcast_in_dim3A_39 {strides = array<i32>} : memref<1x128xf32, #tpu.memory_space<vmem>>, vector<1x128xf32>,
    } else {
    }
    %get3A = arith.constant 0 : index
    %get3A_2 = arith.constant 0 : index
    %get3A_3 = vector.load %arg4[%get3A, %get3A_2] : memref<1000x1xf32, #tpu.memory_space<vmem>>, vector<1000x1xf32>
    %get3A_4 = arith.constant 0 : index
    %get3A_5 = arith.constant 0 : index
    %get3A_6 = arith.constant 0 : index
    %get3A_7 = vector.load %arg1[%get3A_4, %get3A_5, %get3A_6] : memref<2x1000x128xf32, #tpu.memory_space<vmem>>, vector<1x1000x128xf32>
    %get3A_8 = vector.shape_cast %get3A_7 : vector<1x1000x128xf32> to vector<1000x128xf32>
    %get3A_9 = arith.constant 1 : index
    %get3A_10 = arith.constant 0 : index
    %get3A_11 = arith.constant 0 : index
    %get3A_12 = vector.load %arg1[%get3A_9, %get3A_10, %get3A_11] : memref<2x1000x128xf32, #tpu.memory_space<vmem>>, vector<1x1000x128xf32>
    %get3A_13 = vector.shape_cast %get3A_12 : vector<1x1000x128xf32> to vector<1000x128xf32>
    %add3A = arith.addf %get3A_8, %get3A_13 : vector<1000x128xf32>
    %get3A_14 = arith.constant 0 : index
    %get3A_15 = arith.constant 0 : index
    %get3A_16 = vector.load %arg2[%get3A_14, %get3A_15] : memref<1000x128xf32, #tpu.memory_space<vmem>>, vector<1000x128xf32>
    %add3A_17 = arith.addf %add3A, %get3A_16 : vector<1000x128xf32>
    %mul3A = vector.broadcast %get3A_3 : vector<1000x1xf32> to vector<1000x128xf32>
    %mul3A_18 = arith.mulf %mul3A, %add3A_17 : vector<1000x128xf32>
    %get3A_19 = arith.constant 0 : index
    %get3A_20 = arith.constant 0 : index
    %get3A_21 = vector.load %arg3[%get3A_19, %get3A_20] : memref<1x128xf32, #tpu.memory_space<vmem>>, vector<1x128xf32>
    %add3A_22 = vector.broadcast %get3A_21 : vector<1x128xf32> to vector<1000x128xf32>
    %add3A_23 = arith.addf %mul3A_18, %add3A_22 : vector<1000x128xf32>
    %max3A = arith.constant 0.000000e+00 : f32
    %max3A_24 = vector.broadcast %max3A : f32 to vector<1000x128xf32>
    %max3A_25 = arith.maximumf %add3A_23, %max3A_24 : vector<1000x128xf32>
    %get3A_26 = arith.constant 0 : index
    %get3A_27 = arith.constant 0 : index
    %get3A_28 = vector.load %arg10[%get3A_26, %get3A_27] : memref<1x128xf32, #tpu.memory_space<vmem>>, vector<1x128xf32>
    %reduce_sum3A = arith.constant dense<0.000000e+00> : vector<128xf32>
    %reduce_sum3A_29 = vector.multi_reduction <add>, %max3A_25, %reduce_sum3A [0] : vector<1000x128xf32> to vector<128xf32>
    %broadcast_in_dim3A = vector.shape_cast %reduce_sum3A_29 : vector<128xf32> to vector<1x128xf32>
    %add3A_30 = arith.addf %get3A_28, %broadcast_in_dim3A : vector<1x128xf32>
    %swap3A = arith.constant 0 : index
    %swap3A_31 = arith.constant 0 : index
    %swap3A_32 = vector.load %arg10[%swap3A, %swap3A_31] : memref<1x128xf32, #tpu.memory_space<vmem>>, vector<1x128xf32>
    tpu.vector_store %arg10[%swap3A, %swap3A_31], %add3A_30 {strides = array<i32>} : memref<1x128xf32, #tpu.memory_space<vmem>>, vector<1x128xf32>,
    %eq3A_33 = arith.constant 9 : i32
    %eq3A_34 = arith.cmpi eq, %arg0, %eq3A_33 : i32
    %convert_element_type3A_35 = arith.extui %eq3A_34 : i1 to i32
    %cond3A_36 = arith.constant 0 : i32
    %cond3A_37 = arith.cmpi ne, %convert_element_type3A_35, %cond3A_36 : i32
    scf.if %cond3A_37 {
      %get3A_38 = arith.constant 0 : index
      %get3A_39 = arith.constant 0 : index
      %get3A_40 = vector.load %arg10[%get3A_38, %get3A_39] : memref<1x128xf32, #tpu.memory_space<vmem>>, vector<1x128xf32>
      %mul3A_41 = arith.constant 9.99999974E-5 : f32
      %mul3A_42 = vector.broadcast %mul3A_41 : f32 to vector<1x128xf32>
      %mul3A_43 = arith.mulf %get3A_40, %mul3A_42 : vector<1x128xf32>
      %get3A_44 = arith.constant 0 : index
      %get3A_45 = arith.constant 0 : index
      %get3A_46 = vector.load %arg5[%get3A_44, %get3A_45] : memref<128x32xf32, #tpu.memory_space<vmem>>, vector<128x32xf32>
      %dot_general3A = arith.constant dense<0.000000e+00> : vector<1x32xf32>
      %dot_general3A_47 = tpu.matmul %mul3A_43, %get3A_46, %dot_general3A {dimension_numbers = #tpu.dot_dimension_numbers<[1], [0], [0], [1], [0, 0, 1, 1], [], []>, transpose_lhs_hint = false} : vector<1x128xf32>, vector<128x32xf32>, vector<1x32xf32> -> vector<1x32xf32>
      %get3A_48 = arith.constant 0 : index
      %get3A_49 = arith.constant 0 : index
      %get3A_50 = vector.load %arg6[%get3A_48, %get3A_49] : memref<1x32xf32, #tpu.memory_space<vmem>>, vector<1x32xf32>
      %add3A_51 = arith.addf %dot_general3A_47, %get3A_50 : vector<1x32xf32>
      %max3A_52 = arith.constant 0.000000e+00 : f32
      %max3A_53 = vector.broadcast %max3A_52 : f32 to vector<1x32xf32>
      %max3A_54 = arith.maximumf %add3A_51, %max3A_53 : vector<1x32xf32>
      %get3A_55 = arith.constant 0 : index
      %get3A_56 = arith.constant 0 : index
      %get3A_57 = vector.load %arg7[%get3A_55, %get3A_56] : memref<32x2xf32, #tpu.memory_space<vmem>>, vector<32x2xf32>
      %dot_general3A_58 = arith.constant dense<0.000000e+00> : vector<1x2xf32>
      %dot_general3A_59 = tpu.matmul %max3A_54, %get3A_57, %dot_general3A_58 {dimension_numbers = #tpu.dot_dimension_numbers<[1], [0], [0], [1], [0, 0, 1, 1], [], []>, transpose_lhs_hint = false} : vector<1x32xf32>, vector<32x2xf32>, vector<1x2xf32> -> vector<1x2xf32>
      %get3A_60 = arith.constant 0 : index
      %get3A_61 = arith.constant 0 : index
      %get3A_62 = vector.load %arg8[%get3A_60, %get3A_61] : memref<1x2xf32, #tpu.memory_space<vmem>>, vector<1x2xf32>
      %add3A_63 = arith.addf %dot_general3A_59, %get3A_62 : vector<1x2xf32>
      %reduce_max3A = arith.constant dense<0xFF800000> : vector<1xf32>
      %reduce_max3A_64 = vector.multi_reduction <maximumf>, %add3A_63, %reduce_max3A [1] : vector<1x2xf32> to vector<1xf32>
      %broadcast_in_dim3A_65 = vector.shape_cast %reduce_max3A_64 : vector<1xf32> to vector<1x1xf32>
      %sub3A = vector.broadcast %broadcast_in_dim3A_65 : vector<1x1xf32> to vector<1x2xf32>
      %sub3A_66 = arith.subf %add3A_63, %sub3A : vector<1x2xf32>
      %exp3A = math.exp %sub3A_66 : vector<1x2xf32>
      %reduce_sum3A_67 = arith.constant dense<0.000000e+00> : vector<1xf32>
      %reduce_sum3A_68 = vector.multi_reduction <add>, %exp3A, %reduce_sum3A_67 [1] : vector<1x2xf32> to vector<1xf32>
      %broadcast_in_dim3A_69 = vector.shape_cast %reduce_sum3A_68 : vector<1xf32> to vector<1x1xf32>
      %div3A = vector.broadcast %broadcast_in_dim3A_69 : vector<1x1xf32> to vector<1x2xf32>
      %div3A_70 = arith.divf %exp3A, %div3A : vector<1x2xf32>
      %swap3A_71 = arith.constant 0 : index
      %swap3A_72 = arith.constant 0 : index
      %swap3A_73 = vector.load %arg9[%swap3A_71, %swap3A_72] : memref<1x2xf32, #tpu.memory_space<vmem>>, vector<1x2xf32>
      tpu.vector_store %arg9[%swap3A_71, %swap3A_72], %div3A_70 {strides = array<i32>} : memref<1x2xf32, #tpu.memory_space<vmem>>, vector<1x2xf32>,
    } else {
    }
    return
  }
  func.func @transform_0(%arg0: i32) -> (i32, i32, i32) {
    %c0_i32 = arith.constant 0 : i32
    %c0_i32_0 = arith.constant 0 : i32
    %c0_i32_1 = arith.constant 0 : i32
    return %c0_i32, %arg0, %c0_i32_0 : i32, i32, i32
  }
  func.func @transform_1(%arg0: i32) -> (i32, i32) {
    %c0_i32 = arith.constant 0 : i32
    %c0_i32_0 = arith.constant 0 : i32
    return %arg0, %c0_i32 : i32, i32
  }
  func.func @transform_2(%arg0: i32) -> (i32, i32) {
    %c0_i32 = arith.constant 0 : i32
    %c0_i32_0 = arith.constant 0 : i32
    %c0_i32_1 = arith.constant 0 : i32
    return %c0_i32, %c0_i32_0 : i32, i32
  }
  func.func @transform_3(%arg0: i32) -> (i32, i32) {
    %c0_i32 = arith.constant 0 : i32
    %c0_i32_0 = arith.constant 0 : i32
    return %arg0, %c0_i32 : i32, i32
  }
  func.func @transform_4(%arg0: i32) -> (i32, i32) {
    %c0_i32 = arith.constant 0 : i32
    %c0_i32_0 = arith.constant 0 : i32
    %c0_i32_1 = arith.constant 0 : i32
    return %c0_i32, %c0_i32_0 : i32, i32
  }
  func.func @transform_5(%arg0: i32) -> (i32, i32) {
    %c0_i32 = arith.constant 0 : i32
    %c0_i32_0 = arith.constant 0 : i32
    %c0_i32_1 = arith.constant 0 : i32
    return %c0_i32, %c0_i32_0 : i32, i32
  }
  func.func @transform_6(%arg0: i32) -> (i32, i32) {
    %c0_i32 = arith.constant 0 : i32
    %c0_i32_0 = arith.constant 0 : i32
    %c0_i32_1 = arith.constant 0 : i32
    return %c0_i32, %c0_i32_0 : i32, i32
  }
  func.func @transform_7(%arg0: i32) -> (i32, i32) {
    %c0_i32 = arith.constant 0 : i32
    %c0_i32_0 = arith.constant 0 : i32
    %c0_i32_1 = arith.constant 0 : i32
    return %c0_i32, %c0_i32_0 : i32, i32
  }
  func.func @transform_8(%arg0: i32) -> (i32, i32) {
    %c0_i32 = arith.constant 0 : i32
    %c0_i32_0 = arith.constant 0 : i32
    %c0_i32_1 = arith.constant 0 : i32
    return %c0_i32, %c0_i32_0 : i32, i32
  }
}

</mosaic_0001>

<sc_bundles>
// kernel: kernel.10.cloned.1.call-start
scs
__scs_entry_jumppad:
0x0: {  	(pc) =	sbr.rel $0x88, $3  }
0x1: {  	(tag) =	ssettag $0x0;
	lr =	simm.s32 $0x1  }
0x2: {  	[smem:$0x3F95] =	sst lr;
	_ =	strace $0xD0000000  }
0x3: {  	_ = 	snop  }
0x4: {  	_ = 	snop  }
0x5: {  	_ = 	snop  }
0x6: {  	_ = 	snop  }
0x7: {  	_ = 	snop  }
__scs_overlays_trampoline_lowered:
0x8: {  	[smem:$0x3FA4] =	sst s0  }
0x9: {  	[smem:$0x3FA5] =	sst s1  }
0xa: {  	[smem:$0x3FA6] =	sst s2  }
0xb: {  	[smem:$0x3FA7] =	sst s3  }
0xc: {  	[smem:$0x3FA8] =	sst s4  }
0xd: {  	[smem:$0x3FA9] =	sst s5  }
0xe: {  	[smem:$0x3FAA] =	sst s6  }
0xf: {  	[smem:$0x3FAB] =	sst s7  }
0x10: {  	[smem:$0x3FAC] =	sst s8  }
0x11: {  	[smem:$0x3FAD] =	sst s9;
	s0 =	simm.s32 @!p0 $0x0  }
0x12: {  	s1 =	sld [smem:$0x3F93];
	s0 =	simm.s32 @p0 $0x1  }
0x13: {  	[smem:$0x3FAE] =	sst s0;
	s0 =	simm.s32 @!p1 $0x0  }
0x14: {  	s2 =	sld [smem:$0x3F92];
	s0 =	simm.s32 @p1 $0x1  }
0x15: {  	[smem:$0x3FAF] =	sst s0;
	s0 =	simm.s32 @!p2 $0x0  }
0x16: {  	s3 =	sld [smem:$0x3FDB];
	s0 =	simm.s32 @p2 $0x1  }
0x17: {  	s4 =	simm.s32 $0x1BF5;
	[smem:$0x3FB1] =	sst s0  }
0x18: {  	s0 =	sld [smem:$0x3F94];
	_ =	swait.ge [sflag:s4], $0x0  }
0x19: {  	s7 =	sld [smem:$0x3F95]  }
0x1a: {  	s8 =	sadd.s32 $0xFFFFE003, lr  }
0x1b: {  	s9 =	sadd.s32 $0xFFFFFEF7, lr;
	s5 =	simm.s32 $0xFFFFFFFF;
	p2 =	slt.u32 s8, $0xFFFFF086  }
0x1c: {  	p1 =	slt.u32 s9, $0xF7A;
	s5 =	simm.s32 @!p2 $0x0  }
0x1d: {  	s5 =	simm.s32 @p1 $0x1;
	p0 =	seq.s32 s7, s2  }
0x1e: {  	s7 =	smul.u32 @!p0 $0xF7A, s2;
	p2 =	seq.s32 @!p0 s5, $0x0  }
0x1f: {  	s9 =	smul.u32 $0xF7A, s1;
	s8 =	simm.s32 @!p0 $0x1BF5;
	p2 =	por !p2, p0  }
0x20: {  	[sflag:s8] =	ssyncset.s32 @!p0 $0xFFFFF086;
	s6 =	sadd.s32 @!p0 s3, s7;
	s7 =	simm.s32 @!p0 $0x108  }
0x21: {  	s3 =	sadd.s32 s3, s9;
	s6 =	sadd.s32 @!p0 $0x88, s6;
	s7 =	simm.s32 @p2 $0x1082  }
0x22: {  	[simem:s7], [sflag:s8] =	dma.local @!p0 [hbm:s6], $0xF7A  }
0x23: {  	s9 =	sor.u32 $0xD0000000, s2;
	s6 =	simm.s32 $0x108;
	_ =	swait.ge @!p0 [sflag:s8], $0x0  }
0x24: {  	s3 =	sadd.s32 $0x88, s3;
	s6 =	simm.s32 @!p1 $0x1082;
	[sflag:s4] =	ssyncset.s32 $0xFFFFF086  }
0x25: {  	[simem:s6], [sflag:s4] =	dma.local [hbm:s3], $0xF7A  }
0x26: {  	[smem:$0x3F95] =	sst s1;
	(tag) =	ssettag s2;
	_ =	strace s9  }
0x27: {  	s1 =	sld [smem:$0x3FA5]  }
0x28: {  	s2 =	sld [smem:$0x3FA6]  }
0x29: {  	s4 =	sld [smem:$0x3FA8]  }
0x2a: {  	p0 =	seq.s32 s5, $0x0;
	s5 =	sld [smem:$0x3FA9]  }
0x2b: {  	s6 =	sld [smem:$0x3FAA]  }
0x2c: {  	s7 =	sld [smem:$0x3FAB]  }
0x2d: {  	s3 =	simm.s32 $0x108;
	s8 =	sld [smem:$0x3FAC]  }
0x2e: {  	s3 =	simm.s32 @!p0 $0x1082;
	s9 =	sld [smem:$0x3FAD]  }
0x2f: {  	lr =	sadd.s32 s0, s3;
	s0 =	sld [smem:$0x3FA4]  }
0x30: {  	s3 =	sld [smem:$0x3FA7]  }
0x31: {  	[smem:$0x3FB0] =	sst s10  }
0x32: {  	s10 =	sld [smem:$0x3FAE];
	_ =	sdelay $0x3  }
0x33: {  	p0 =	seq.s32 s10, $0x1;
	s10 =	sld [smem:$0x3FB0];
	_ =	sdelay $0x3  }
0x34: {  	[smem:$0x3FB0] =	sst s10  }
0x35: {  	s10 =	sld [smem:$0x3FAF];
	_ =	sdelay $0x3  }
0x36: {  	p1 =	seq.s32 s10, $0x1;
	s10 =	sld [smem:$0x3FB0];
	_ =	sdelay $0x3  }
0x37: {  	[smem:$0x3FB0] =	sst s10  }
0x38: {  	s10 =	sld [smem:$0x3FB1]  }
0x39: {  	_ = 	snop;
	(pc) =	sbr.ind lr, $3  }
0x3a: {  	_ = 	snop  }
0x3b: {  	_ = 	snop  }
0x3c: {  	p2 =	seq.s32 s10, $0x1;
	s10 =	sld [smem:$0x3FB0]  }
0x3d: {  	_ =	shalt  }
0x3e: {  	_ =	shalt  }
0x3f: {  	_ =	shalt  }
0x40: {  	_ =	shalt  }
0x41: {  	_ =	shalt  }
0x42: {  	_ =	shalt  }
0x43: {  	_ =	shalt  }
0x44: {  	_ =	shalt  }
0x45: {  	_ =	shalt  }
0x46: {  	_ =	shalt  }
0x47: {  	_ =	shalt  }
0x48: {  	_ =	shalt  }
0x49: {  	_ =	shalt  }
0x4a: {  	_ =	shalt  }
0x4b: {  	_ =	shalt  }
0x4c: {  	_ =	shalt  }
0x4d: {  	_ =	shalt  }
0x4e: {  	_ =	shalt  }
0x4f: {  	_ =	shalt  }
0x50: {  	_ =	shalt  }
0x51: {  	_ =	shalt  }
0x52: {  	_ =	shalt  }
0x53: {  	_ =	shalt  }
0x54: {  	_ =	shalt  }
0x55: {  	_ =	shalt  }
0x56: {  	_ =	shalt  }
0x57: {  	_ =	shalt  }
0x58: {  	_ =	shalt  }
0x59: {  	_ =	shalt  }
0x5a: {  	_ =	shalt  }
0x5b: {  	_ =	shalt  }
0x5c: {  	_ =	shalt  }
0x5d: {  	_ =	shalt  }
0x5e: {  	_ =	shalt  }
0x5f: {  	_ =	shalt  }
0x60: {  	_ =	shalt  }
0x61: {  	_ =	shalt  }
0x62: {  	_ =	shalt  }
0x63: {  	_ =	shalt  }
0x64: {  	_ =	shalt  }
0x65: {  	_ =	shalt  }
0x66: {  	_ =	shalt  }
0x67: {  	_ =	shalt  }
0x68: {  	_ =	shalt  }
0x69: {  	_ =	shalt  }
0x6a: {  	_ =	shalt  }
0x6b: {  	_ =	shalt  }
0x6c: {  	_ =	shalt  }
0x6d: {  	_ =	shalt  }
0x6e: {  	_ =	shalt  }
0x6f: {  	_ =	shalt  }
0x70: {  	_ =	shalt  }
0x71: {  	_ =	shalt  }
0x72: {  	_ =	shalt  }
0x73: {  	_ =	shalt  }
0x74: {  	_ =	shalt  }
0x75: {  	_ =	shalt  }
0x76: {  	_ =	shalt  }
0x77: {  	_ =	shalt  }
0x78: {  	_ =	shalt  }
0x79: {  	_ =	shalt  }
0x7a: {  	_ =	shalt  }
0x7b: {  	_ =	shalt  }
0x7c: {  	_ =	shalt  }
0x7d: {  	_ =	shalt  }
0x7e: {  	_ =	shalt  }
0x7f: {  	_ =	shalt  }
0x80: {  	_ =	shalt  }
0x81: {  	_ =	shalt  }
0x82: {  	_ =	shalt  }
0x83: {  	_ =	shalt  }
0x84: {  	_ =	shalt  }
0x85: {  	_ =	shalt  }
0x86: {  	_ =	shalt  }
0x87: {  	_ =	shalt  }
.Lfunc_end0:
.L_simem_size_0:
called_computation_lowered:
.L_overlay_start_0:
0x88: {  	s2 =	sld [smem:$0x3FD9]  }
0x89: {  	s3 =	sld [smem:$0x3FFE];
	_ =	sdelay $0x1  }
0x8a: {  	s1 =	srdreg.scid  }
0x8b: {  	s0 =	sand.u32 $0x1, s1  }
0x8c: {  	s16 =	sshll.u32 s0, $0xA;
	s2 =	sadd.s32 s3, s2  }
0x8d: {  	s2 =	sadd.s32 s2, s16  }
0x8e: {  	[smem:$0x3FBC] =	sst s2  }
0x8f: {  	_ = 	snop  }
0x90: {  	(tm) =	ssettm $0x1  }
0x91: {  	s17 =	sld [smem:$0x3FFB];
	_ =	sdelay $0x3  }
0x92: {  	_ =	strace s17  }
0x93: {  	s2 =	sld [smem:$0x3FFC];
	_ =	sdelay $0x3  }
0x94: {  	_ =	strace s2  }
0x95: {  	s2 =	sld [smem:$0x3FFD];
	_ =	sdelay $0x3  }
0x96: {  	_ =	strace s2  }
0x97: {  	_ =	strace $0x8FFFFFFF  }
0x98: {  	s18 =	sld [smem:$0x3FDB];
	_ =	sdelay $0x1  }
0x99: {  	s19 =	simm.s32 $_scs_section_size  }
0x9a: {  	s4 =	simm.s32 $_size__tile_overlayer_lowered;
	s5 =	simm.s32 $_tile_overlayer_lowered  }
0x9b: {  	s22 =	simm.s32 $0x1BFF;
	s21 =	sshll.u32 s5, $0x1;
	s2 =	sadd.s32 s19, s18  }
0x9c: {  	s6 =	simm.s32 $0x0;
	s20 =	sshll.u32 s4, $0x1;
	s4 =	sadd.s32 s21, s2  }
0x9d: {  	[timem:s6], [sflag:s22] =	dma.local [hbm:s4], s20  }
0x9e: {  	_ =	swait.ge [sflag:s22], s20  }
0x9f: {  	s3 =	ssub.s32 $0x0, s20;
	[sflag:s22] =	ssyncset.done $0x0  }
0xa0: {  	[sflag:s22] =	ssyncadd.s32 s3;
	_ =	sdelay $0x1  }
0xa1: {  	s23 =	simm.s32 $0x1B8B  }
0xa2: {  	_ =	swait.ge [sflag:s23], $0x1  }
0xa3: {  	[sflag:s23] =	ssyncset.done $0x0  }
0xa4: {  	s25 =	simm.s32 $0x1B8E;
	s24 =	sld [smem:$0x3FFE];
	[sflag:s23] =	ssyncadd.s32 $0xFFFFFFFF  }
0xa5: {  	s26 =	simm.s32 $execute0_lowered;
	[smem:$0x3FD2] =	sst s25  }
0xa6: {  	s4 =	sshll.u32 s26, $0x1;
	_ =	strace $0x80000046;
	[dreg:$0x1] =	wrdreg $0xFFFFFFFF  }
0xa7: {  	s28 =	simm.s32 $_size_execute0_lowered;
	s2 =	sadd.s32 s2, s4;
	[dreg:$0x0] =	wrdreg $0x0  }
0xa8: {  	s4 =	sshll.u32 s28, $0x1;
	[dreg:$0x2] =	wrdreg s2  }
0xa9: {  	[dreg:$0x3] =	wrdreg s4  }
0xaa: {  	[dreg:$0x4] =	wrdreg $0xC0  }
0xab: {  	_ =	task [dreg:s6], $0x5FFFF  }
0xac: {  	[dreg:$0x1] =	wrdreg $0xFFFFFFFF  }
0xad: {  	[dreg:$0x0] =	wrdreg $0x60  }
0xae: {  	[dreg:$0x2] =	wrdreg s24  }
0xaf: {  	[dreg:$0x3] =	wrdreg $0x69000  }
0xb0: {  	[dreg:$0x4] =	wrdreg $0x9  }
0xb1: {  	_ =	task.clear_ibuf [dreg:s6], $0x5FFFF;
	_ =	strace $0x90000046  }
0xb2: {  	s29 =	simm.s32 $0x9;
	_ =	strace $0x80000048  }
0xb3: {  	_ =	swait.ge [sflag:s29], $0x1  }
0xb4: {  	[sflag:s29] =	ssyncadd.s32 $0xFFFFFFFF  }
0xb5: {  	_ =	strace $0x90000048  }
0xb6: {  	_ =	sfence  }
0xb7: {  	s30 =	sld [smem:$0x0];
	_ =	sdelay $0x2  }
0xb8: {  	s31 =	sshll.u32 s1, $0xD;
	s1 =	sshrl.u32 s1, $0x2  }
0xb9: {  	s3 =	sand.u32 $0x4000, s31;
	s1 =	sadd.s32 s1, s30  }
0xba: {  	s0 =	sor.u32 s3, s0;
	s1 =	sshll.u32 s1, $0x11  }
0xbb: {  	s0 =	sor.u32 s1, s0  }
0xbc: {  	s0 =	sadd.s32 $0x8F2B, s0  }
0xbd: {  	[sflag:s0] =	ssyncadd.remote.s32 $0x1  }
0xbe: {  	_ =	sfence.sel $0xFFFF  }
0xbf: {  	[dreg:$0x0] =	wrdreg $0xFFFFFFFF;
	(pc) =	sbr.abs _section_cstart, $3  }
0xc0: {  	[dreg:$0x1] =	wrdreg $0xFFFFFFFF  }
0xc1: {  	_ =	task.clear_ibuf [dreg:s6], $0x2FFFF;
	_ =	strace $0x9FFFFFFF  }
0xc2: {  	(tm) =	ssettm $0x7FFFFFFF  }
0xc3: {  	_ =	shalt  }
tec
execute0_lowered:
.L_overlay_start_1:
0x0: {  	(tag) =	ssettag $0x1  }
0x1: {  	s5 =	rddreg [dreg:$0x0]  }
0x2: {  	s2 =	rddreg [dreg:$0x1]  }
0x3: {  	s0 =	rddreg [dreg:$0x2];
	s3 =	simm.s32 $0x0;
	s1 =	stileid.u32  }
0x4: {  	s6 =	srdreg.scid;
	s16 =	simm.s32 $0x50;
	s17 =	simm.s32 $0x4000  }
0x5: {  	s18 =	simm.s32 $0x4100;
	s19 =	simm.s32 $0x4080;
	s20 =	simm.s32 $0x1  }
0x6: {  	s21 =	simm.s32 $0x2;
	s22 =	simm.s32 $0x0;
	[smem:$0x7FF] =	sst s3  }
0x7: {  	s4 =	sshll.u32 s1, $0xB;
	s6 =	sand.u32 $0x1, s6;
	s11 =	smul.u32 $0x13800, s1  }
0x8: {  	s12 =	sadd.s32 $0x14C00, s5;
	s29 =	smul.u32 $0x4E000, s1;
	s31 =	sshll.u32 s1, $0x6  }
0x9: {  	p0 =	seq.s32 s1, $0xF;
	p1 =	sne.s32 s1, $0xF;
	_ =	strace $0x80000047  }
0xa: {  	s7 =	sadd.s32 s4, s5;
	s4 =	sadd.s32 $0x13E00, s5;
	s8 =	ssub.s32 $0x2, s6  }
0xb: {  	s9 =	smul.u32 $0x138800, s6;
	s6 =	sshll.u32 s6, $0xF;
	s10 =	sshrl.u32 s8, $0x1  }
0xc: {  	s26 =	sadd.s32 s6, s7;
	s6 =	sadd.s32 $0x138000, s2;
	s10 =	ssub.s32 s8, s10  }
0xd: {  	s5 =	sadd.s32 $0x3E00, s26;
	s28 =	sadd.s32 s11, s9;
	s9 =	sshrl.u32 s9, $0x3  }
0xe: {  	s8 =	sshrl.u32 s29, $0x2;
	s11 =	sor.u32 $0x1C03, s31;
	s15 =	sshrl.u32 @p0 s6, $0x3  }
0xf: {  	s7 =	sshrl.u32 s28, $0x3;
	s9 =	sadd.s32 s12, s9;
	s30 =	sadd.s32 s8, s2  }
0x10: {  	s7 =	sadd.s32 s12, s7;
	s8 =	sadd.s32 $0x27000, s9;
	s9 =	smax.u32 s10, $0x1  }
0x11: {  	s13 =	sadd.s32 $0x6800, s30;
	s14 =	sadd.s32 $0xD000, s30;
	s10 =	simm.s32 $0x3  }
0x12: {  	v0 =	vimm.f32 $1.000000000e+00;
	s12 =	sshrl.u32 s30, $0x3;
	s13 =	sshrl.u32 s13, $0x3;
	s14 =	sshrl.u32 s14, $0x3  }
.LBB2_1:
0x13: {  	[tilespmem:s3], [sflag:$0x3] =	stream.linear.gather [hbm4b:s5+s3], $0x3E80, $0x38;
	[tilespmem:$0x1A1C0] =	vst v63  }
0x14: {  	_ =	swait.ge [sflag:s10], $0x3E80  }
0x15: {  	[sflag:s10] =	ssyncset.done $0x0  }
0x16: {  	s23 =	simm.s32 $0x70;
	s24 =	simm.s32 $0x3C0;
	[sflag:s10] =	ssyncadd.s32 $0xFFFFC180  }
.LBB2_2:
0x17: {  	p2 =	seq.s32 s24, $0x9FC0;
	[tilespmem:s23+$0x4100] =	vst v0  }
0x18: {  	[tilespmem:s23+$0x4090] =	vst v0  }
0x19: {  	[tilespmem:s23+$0x40A0] =	vst v0  }
.Ltmp0:
0x1a: {  	[tilespmem:s23+$0x40B0] =	vst v0;
	(pc) =	sbr.rel @!p2 .LBB2_2-.Ltmp0, $4  }
0x1b: {  	[tilespmem:s23+$0x40C0] =	vst v0  }
0x1c: {  	[tilespmem:s23+$0x40D0] =	vst v0  }
0x1d: {  	[tilespmem:s23+$0x40E0] =	vst v0  }
0x1e: {  	[tilespmem:s23+$0x40F0] =	vst v0;
	s23 =	sshra.s32 s24, $0x2;
	s24 =	sadd.s32 $0x200, s24  }
0x1f: {  	[tilespmem:s23+$0x4100] =	vst v0  }
0x20: {  	[tilespmem:s23+$0x4090] =	vst v0  }
0x21: {  	[tilespmem:s23+$0x40A0] =	vst v0  }
0x22: {  	[tilespmem:s23+$0x40B0] =	vst v0  }
0x23: {  	[tilespmem:s23+$0x40C0] =	vst v0  }
0x24: {  	[tilespmem:s23+$0x40D0] =	vst v0  }
0x25: {  	[tilespmem:s23+$0x40E0] =	vst v0  }
0x26: {  	[tilespmem:s23+$0x40F0] =	vst v0  }
0x27: {  	[spmem:s12], [sflag:s11] =	dma.local [hbm:s4], $0xD00  }
0x28: {  	_ =	swait.ge [sflag:s10], $0xD00  }
0x29: {  	[sflag:s10] =	ssyncset.done $0x0  }
0x2a: {  	[sflag:s10] =	ssyncadd.s32 $0xFFFFF300  }
0x2b: {  	[spmem:s13], [sflag:s11] =	dma.local [hbm:s4], $0xD00  }
0x2c: {  	_ =	swait.ge [sflag:s10], $0xD00  }
0x2d: {  	[sflag:s10] =	ssyncset.done $0x0  }
0x2e: {  	[sflag:s10] =	ssyncadd.s32 $0xFFFFF300  }
0x2f: {  	[spmem:s14], [sflag:s11] =	dma.local [hbm:s4], $0xD00  }
0x30: {  	_ =	swait.ge [sflag:s10], $0xD00  }
0x31: {  	[sflag:s10] =	ssyncset.done $0x0  }
0x32: {  	s23 =	simm.s32 @p0 $0x1FC3;
	[sflag:s10] =	ssyncadd.s32 $0xFFFFF300  }
0x33: {  	[spmem:s15], [sflag:s23] =	dma.local @p0 [hbm:s4], $0x100  }
0x34: {  	s23 =	simm.s32 @p0 $0x3  }
0x35: {  	_ =	swait.ge @p0 [sflag:s23], $0x100  }
0x36: {  	[sflag:s23] =	ssyncset.done @p0 $0x0  }
0x37: {  	[sflag:s23] =	ssyncadd.s32 @p0 $0xFFFFFF00  }
0x38: {  	[bflag:$0x0] =	sbarrier.arrive $0xFFFF  }
0x39: {  	v1 =	vld [tilespmem:$0x0]  }
0x3a: {  	v2 =	vld [tilespmem:$0x10]  }
0x3b: {  	v3 =	vld [tilespmem:$0x20]  }
0x3c: {  	v4 =	vld [tilespmem:$0x30]  }
0x3d: {  	v5 =	vld [tilespmem:$0x40]  }
0x3e: {  	v1 =	vshra.s32 v1, $0xE  }
0x3f: {  	[tilespmem:$0x4000] =	vst v1;
	v1 =	vshra.s32 v2, $0xE  }
0x40: {  	[tilespmem:$0x4010] =	vst v1;
	v1 =	vshra.s32 v3, $0xE  }
0x41: {  	[tilespmem:$0x4020] =	vst v1;
	v1 =	vshra.s32 v4, $0xE  }
0x42: {  	[tilespmem:$0x4030] =	vst v1;
	v1 =	vshra.s32 v5, $0xE  }
0x43: {  	s31 =	simm.s32 $0x0;
	[tilespmem:$0x4040] =	vst v1  }
0x44: {  	[spmem:s2] =	stream.indirect.scatter.add.f32 [tilespmem:s18], [sflag:$0x1], $0x80, s17, s16, $0xb8;
	[tilespmem:$0x1A1C0] =	vst v63  }
0x45: {  	v1 =	vld [tilespmem:s31+$0x80];
	_ =	sdelay $0x4  }
0x46: {  	v1 =	vshra.s32 v1, $0xE  }
0x47: {  	[tilespmem:$0x4080] =	vst v1  }
0x48: {  	v1 =	vld [tilespmem:s31+$0x90];
	_ =	sdelay $0x4  }
0x49: {  	v1 =	vshra.s32 v1, $0xE  }
0x4a: {  	[tilespmem:$0x4090] =	vst v1  }
0x4b: {  	v1 =	vld [tilespmem:s31+$0xA0];
	_ =	sdelay $0x4  }
0x4c: {  	v1 =	vshra.s32 v1, $0xE  }
0x4d: {  	[tilespmem:$0x40A0] =	vst v1  }
0x4e: {  	v1 =	vld [tilespmem:s31+$0xB0];
	_ =	sdelay $0x4  }
0x4f: {  	v1 =	vshra.s32 v1, $0xE  }
0x50: {  	[tilespmem:$0x40B0] =	vst v1  }
0x51: {  	v1 =	vld [tilespmem:s31+$0xC0];
	_ =	sdelay $0x4  }
0x52: {  	v1 =	vshra.s32 v1, $0xE  }
0x53: {  	[tilespmem:$0x40C0] =	vst v1  }
0x54: {  	[spmem:s2] =	stream.indirect.scatter.add.f32 [tilespmem:s18], [sflag:$0x2], $0x80, s19, s16, $0xb8;
	[tilespmem:$0x1A1C0] =	vst v63  }
0x55: {  	_ =	swait.ge [sflag:s20], $0x2800  }
0x56: {  	[sflag:s20] =	ssyncset.done $0x0  }
0x57: {  	[sflag:s20] =	ssyncadd.s32 $0xFFFFD800  }
0x58: {  	v1 =	vld [tilespmem:s31+$0x100];
	_ =	sdelay $0x4  }
0x59: {  	v1 =	vshra.s32 v1, $0xE  }
0x5a: {  	[tilespmem:$0x4000] =	vst v1  }
0x5b: {  	v1 =	vld [tilespmem:s31+$0x110];
	_ =	sdelay $0x4  }
0x5c: {  	v1 =	vshra.s32 v1, $0xE  }
0x5d: {  	[tilespmem:$0x4010] =	vst v1  }
0x5e: {  	v1 =	vld [tilespmem:s31+$0x120];
	_ =	sdelay $0x4  }
0x5f: {  	v1 =	vshra.s32 v1, $0xE  }
0x60: {  	[tilespmem:$0x4020] =	vst v1  }
0x61: {  	v1 =	vld [tilespmem:s31+$0x130];
	_ =	sdelay $0x4  }
0x62: {  	v1 =	vshra.s32 v1, $0xE  }
0x63: {  	[tilespmem:$0x4030] =	vst v1  }
0x64: {  	v1 =	vld [tilespmem:s31+$0x140];
	_ =	sdelay $0x4  }
0x65: {  	v1 =	vshra.s32 v1, $0xE  }
0x66: {  	[tilespmem:$0x4040] =	vst v1  }
0x67: {  	[spmem:s2] =	stream.indirect.scatter.add.f32 [tilespmem:s18], [sflag:$0x1], $0x80, s17, s16, $0xb8;
	[tilespmem:$0x1A1C0] =	vst v63  }
0x68: {  	_ =	swait.ge [sflag:s21], $0x2800  }
0x69: {  	s26 =	simm.s32 $0x800;
	s23 =	simm.s32 $0x400;
	[sflag:s21] =	ssyncset.done $0x0  }
.LBB2_4:
0x6a: {  	s25 =	sshra.s32 s23, $0x2  }
0x6b: {  	[sflag:s21] =	ssyncadd.s32 $0xFFFFD800;
	s23 =	smov.u32 s26;
	s24 =	sadd.s32 $0x400, s26  }
0x6c: {  	p2 =	sne.s32 s26, $0xF400;
	v1 =	vld [tilespmem:s25+$0x80];
	_ =	sdelay $0x4  }
0x6d: {  	v1 =	vshra.s32 v1, $0xE  }
0x6e: {  	[tilespmem:$0x4080] =	vst v1  }
0x6f: {  	v1 =	vld [tilespmem:s25+$0x90];
	_ =	sdelay $0x4  }
0x70: {  	v1 =	vshra.s32 v1, $0xE  }
0x71: {  	[tilespmem:$0x4090] =	vst v1  }
0x72: {  	v1 =	vld [tilespmem:s25+$0xA0];
	_ =	sdelay $0x4  }
0x73: {  	v1 =	vshra.s32 v1, $0xE  }
0x74: {  	[tilespmem:$0x40A0] =	vst v1  }
0x75: {  	v1 =	vld [tilespmem:s25+$0xB0];
	_ =	sdelay $0x4  }
0x76: {  	v1 =	vshra.s32 v1, $0xE  }
0x77: {  	[tilespmem:$0x40B0] =	vst v1  }
0x78: {  	v1 =	vld [tilespmem:s25+$0xC0];
	_ =	sdelay $0x4  }
0x79: {  	v1 =	vshra.s32 v1, $0xE  }
0x7a: {  	[tilespmem:$0x40C0] =	vst v1  }
0x7b: {  	[spmem:s2] =	stream.indirect.scatter.add.f32 [tilespmem:s18], [sflag:$0x2], $0x80, s19, s16, $0xb8;
	[tilespmem:$0x1A1C0] =	vst v63  }
0x7c: {  	_ =	swait.ge [sflag:s20], $0x2800  }
0x7d: {  	[sflag:s20] =	ssyncset.done $0x0  }
0x7e: {  	[sflag:s20] =	ssyncadd.s32 $0xFFFFD800  }
0x7f: {  	v1 =	vld [tilespmem:s25+$0x100];
	_ =	sdelay $0x4  }
0x80: {  	v1 =	vshra.s32 v1, $0xE  }
0x81: {  	[tilespmem:$0x4000] =	vst v1  }
0x82: {  	v1 =	vld [tilespmem:s25+$0x110];
	_ =	sdelay $0x4  }
0x83: {  	v1 =	vshra.s32 v1, $0xE  }
0x84: {  	[tilespmem:$0x4010] =	vst v1  }
0x85: {  	v1 =	vld [tilespmem:s25+$0x120];
	_ =	sdelay $0x4  }
0x86: {  	v1 =	vshra.s32 v1, $0xE  }
0x87: {  	[tilespmem:$0x4020] =	vst v1  }
0x88: {  	v1 =	vld [tilespmem:s25+$0x130];
	_ =	sdelay $0x4  }
0x89: {  	v1 =	vshra.s32 v1, $0xE  }
0x8a: {  	[tilespmem:$0x4030] =	vst v1  }
0x8b: {  	v1 =	vld [tilespmem:s25+$0x140];
	_ =	sdelay $0x4  }
.Ltmp1:
0x8c: {  	v1 =	vshra.s32 v1, $0xE;
	(pc) =	sbr.rel @p2 .LBB2_4-.Ltmp1, $4  }
0x8d: {  	[tilespmem:$0x4040] =	vst v1  }
0x8e: {  	[spmem:s2] =	stream.indirect.scatter.add.f32 [tilespmem:s18], [sflag:$0x1], $0x80, s17, s16, $0xb8;
	[tilespmem:$0x1A1C0] =	vst v63  }
0x8f: {  	_ =	swait.ge [sflag:s21], $0x2800  }
0x90: {  	s26 =	smov.u32 s24;
	[sflag:s21] =	ssyncset.done $0x0  }
0x91: {  	s23 =	sshra.s32 s23, $0x2;
	[sflag:s21] =	ssyncadd.s32 $0xFFFFD800  }
0x92: {  	v1 =	vld [tilespmem:s23+$0x80];
	_ =	sdelay $0x4  }
0x93: {  	v1 =	vshra.s32 v1, $0xE  }
0x94: {  	[tilespmem:$0x4080] =	vst v1  }
0x95: {  	v1 =	vld [tilespmem:s23+$0x90];
	_ =	sdelay $0x4  }
0x96: {  	v1 =	vshra.s32 v1, $0xE  }
0x97: {  	[tilespmem:$0x4090] =	vst v1  }
0x98: {  	v1 =	vld [tilespmem:s23+$0xA0];
	_ =	sdelay $0x4  }
0x99: {  	v1 =	vshra.s32 v1, $0xE  }
0x9a: {  	[tilespmem:$0x40A0] =	vst v1  }
0x9b: {  	v1 =	vld [tilespmem:s23+$0xB0];
	_ =	sdelay $0x4  }
0x9c: {  	v1 =	vshra.s32 v1, $0xE  }
0x9d: {  	[tilespmem:$0x40B0] =	vst v1  }
0x9e: {  	v1 =	vld [tilespmem:s23+$0xC0];
	_ =	sdelay $0x4  }
0x9f: {  	v1 =	vshra.s32 v1, $0xE  }
0xa0: {  	[tilespmem:$0x40C0] =	vst v1  }
0xa1: {  	[spmem:s2] =	stream.indirect.scatter.add.f32 [tilespmem:s18], [sflag:$0x2], $0x80, s19, s16, $0xb8;
	[tilespmem:$0x1A1C0] =	vst v63  }
0xa2: {  	_ =	swait.ge [sflag:s20], $0x2800  }
0xa3: {  	[sflag:s20] =	ssyncset.done $0x0  }
0xa4: {  	[sflag:s20] =	ssyncadd.s32 $0xFFFFD800  }
0xa5: {  	v1 =	vld [tilespmem:s23+$0x100];
	_ =	sdelay $0x4  }
0xa6: {  	v1 =	vshra.s32 v1, $0xE  }
0xa7: {  	[tilespmem:$0x4000] =	vst v1  }
0xa8: {  	v1 =	vld [tilespmem:s23+$0x110];
	_ =	sdelay $0x4  }
0xa9: {  	v1 =	vshra.s32 v1, $0xE  }
0xaa: {  	[tilespmem:$0x4010] =	vst v1  }
0xab: {  	v1 =	vld [tilespmem:s23+$0x120];
	_ =	sdelay $0x4  }
0xac: {  	v1 =	vshra.s32 v1, $0xE  }
0xad: {  	[tilespmem:$0x4020] =	vst v1  }
0xae: {  	v1 =	vld [tilespmem:s23+$0x130];
	_ =	sdelay $0x4  }
0xaf: {  	v1 =	vshra.s32 v1, $0xE  }
0xb0: {  	[tilespmem:$0x4030] =	vst v1  }
0xb1: {  	v1 =	vld [tilespmem:s23+$0x140];
	_ =	sdelay $0x4  }
0xb2: {  	v1 =	vshra.s32 v1, $0xE  }
0xb3: {  	[tilespmem:$0x4040] =	vst v1  }
0xb4: {  	[spmem:s2] =	stream.indirect.scatter.add.f32 [tilespmem:s18], [sflag:$0x1], $0x80, s17, s16, $0xb8;
	[tilespmem:$0x1A1C0] =	vst v63  }
0xb5: {  	_ =	swait.ge [sflag:s21], $0x2800  }
0xb6: {  	[sflag:s21] =	ssyncset.done $0x0  }
0xb7: {  	[sflag:s21] =	ssyncadd.s32 $0xFFFFD800  }
0xb8: {  	_ =	swait.ge [sflag:s20], $0x2800  }
0xb9: {  	[sflag:s20] =	ssyncset.done $0x0  }
0xba: {  	[sflag:s20] =	ssyncadd.s32 $0xFFFFD800  }
0xbb: {  	[bflag:$0x0] =	sbarrier.arrive $0xFFFF  }
0xbc: {  	[hbm:s7], [sflag:s11] =	dma.local [spmem:s12], $0x2700  }
0xbd: {  	_ =	swait.ge [sflag:s10], $0x2700  }
0xbe: {  	s22 =	sadd.s32 $0x1, s22;
	[sflag:s10] =	ssyncset.done $0x0  }
0xbf: {  	p2 =	sne.s32 s22, s9;
	s23 =	sshrl.u32 @!p1 s6, $0x3;
	[sflag:s10] =	ssyncadd.s32 $0xFFFFD900  }
0xc0: {  	[hbm:s8], [sflag:s11] =	dma.local @!p1 [spmem:s23], $0x100  }
.Ltmp2:
0xc1: {  	_ = 	snop;
	(pc) =	sbr.rel @p2 .LBB2_1-.Ltmp2, $4  }
0xc2: {  	s23 =	simm.s32 @!p1 $0x3  }
0xc3: {  	_ =	swait.ge @!p1 [sflag:s23], $0x100  }
0xc4: {  	[sflag:s23] =	ssyncset.done @!p1 $0x0  }
0xc5: {  	[sflag:s23] =	ssyncadd.s32 @!p1 $0xFFFFFF00  }
0xc6: {  	_ =	sfence.sel $0x180000  }
0xc7: {  	[bflag:$0x0] =	sbarrier.arrive $0xFFFF  }
0xc8: {  	p0 =	sne.s32 s1, $0x0;
	_ =	strace $0x90000047  }
0xc9: {  	s0 =	sadd.s32 @!p0 $0x100000, s0;
	[bflag:$0x2] =	sbarrier.arrive $0xFFFF  }
0xca: {  	[sflag:s0] =	ssyncadd.tile.s32 @!p0 $0x1;
	_ =	shalt  }
.Lfunc_end2:
_tile_overlayer_lowered:
.L_overlay_start_2:
0xcb: {  	(tag) =	ssettag $0x2  }
0xcc: {  	s0 =	rddreg [dreg:$0x0];
	s2 =	stileid.u32  }
0xcd: {  	s1 =	rddreg [dreg:$0x1];
	p0 =	sne.s32 s2, $0x0  }
0xce: {  	s3 =	rddreg [dreg:$0x2];
	[bflag:$0x3] =	sbarrier.arrive $0xFFFF;
	s2 =	simm.s32 @!p0 $0x1C03  }
0xcf: {  	[timem:s3], [sflag:s2] =	dma.local @!p0 [hbm:s0], s1  }
0xd0: {  	s0 =	simm.s32 @!p0 $0x3  }
0xd1: {  	_ =	swait.ge @!p0 [sflag:s0], s1  }
0xd2: {  	s1 =	ssub.s32 @!p0 $0x0, s1;
	[sflag:s0] =	ssyncset.done @!p0 $0x0  }
0xd3: {  	[sflag:s0] =	ssyncadd.s32 @!p0 s1  }
0xd4: {  	[bflag:$0x3] =	sbarrier.arrive $0xFFFF  }
0xd5: {  	_ =	shalt  }

// kernel: kernel.13.cloned.1.call-start
scs
__scs_entry_jumppad:
0x0: {  	(pc) =	sbr.rel $0x88, $3  }
0x1: {  	(tag) =	ssettag $0x0;
	lr =	simm.s32 $0x1  }
0x2: {  	[smem:$0x3F95] =	sst lr;
	_ =	strace $0xD0000000  }
0x3: {  	_ = 	snop  }
0x4: {  	_ = 	snop  }
0x5: {  	_ = 	snop  }
0x6: {  	_ = 	snop  }
0x7: {  	_ = 	snop  }
__scs_overlays_trampoline_lowered:
0x8: {  	[smem:$0x3FA4] =	sst s0  }
0x9: {  	[smem:$0x3FA5] =	sst s1  }
0xa: {  	[smem:$0x3FA6] =	sst s2  }
0xb: {  	[smem:$0x3FA7] =	sst s3  }
0xc: {  	[smem:$0x3FA8] =	sst s4  }
0xd: {  	[smem:$0x3FA9] =	sst s5  }
0xe: {  	[smem:$0x3FAA] =	sst s6  }
0xf: {  	[smem:$0x3FAB] =	sst s7  }
0x10: {  	[smem:$0x3FAC] =	sst s8  }
0x11: {  	[smem:$0x3FAD] =	sst s9;
	s0 =	simm.s32 @!p0 $0x0  }
0x12: {  	s1 =	sld [smem:$0x3F93];
	s0 =	simm.s32 @p0 $0x1  }
0x13: {  	[smem:$0x3FAE] =	sst s0;
	s0 =	simm.s32 @!p1 $0x0  }
0x14: {  	s2 =	sld [smem:$0x3F92];
	s0 =	simm.s32 @p1 $0x1  }
0x15: {  	[smem:$0x3FAF] =	sst s0;
	s0 =	simm.s32 @!p2 $0x0  }
0x16: {  	s3 =	sld [smem:$0x3FDB];
	s0 =	simm.s32 @p2 $0x1  }
0x17: {  	s4 =	simm.s32 $0x1BF5;
	[smem:$0x3FB1] =	sst s0  }
0x18: {  	s0 =	sld [smem:$0x3F94];
	_ =	swait.ge [sflag:s4], $0x0  }
0x19: {  	s7 =	sld [smem:$0x3F95]  }
0x1a: {  	s8 =	sadd.s32 $0xFFFFE003, lr  }
0x1b: {  	s9 =	sadd.s32 $0xFFFFFEF7, lr;
	s5 =	simm.s32 $0xFFFFFFFF;
	p2 =	slt.u32 s8, $0xFFFFF086  }
0x1c: {  	p1 =	slt.u32 s9, $0xF7A;
	s5 =	simm.s32 @!p2 $0x0  }
0x1d: {  	s5 =	simm.s32 @p1 $0x1;
	p0 =	seq.s32 s7, s2  }
0x1e: {  	s7 =	smul.u32 @!p0 $0xF7A, s2;
	p2 =	seq.s32 @!p0 s5, $0x0  }
0x1f: {  	s9 =	smul.u32 $0xF7A, s1;
	s8 =	simm.s32 @!p0 $0x1BF5;
	p2 =	por !p2, p0  }
0x20: {  	[sflag:s8] =	ssyncset.s32 @!p0 $0xFFFFF086;
	s6 =	sadd.s32 @!p0 s3, s7;
	s7 =	simm.s32 @!p0 $0x108  }
0x21: {  	s3 =	sadd.s32 s3, s9;
	s6 =	sadd.s32 @!p0 $0x88, s6;
	s7 =	simm.s32 @p2 $0x1082  }
0x22: {  	[simem:s7], [sflag:s8] =	dma.local @!p0 [hbm:s6], $0xF7A  }
0x23: {  	s9 =	sor.u32 $0xD0000000, s2;
	s6 =	simm.s32 $0x108;
	_ =	swait.ge @!p0 [sflag:s8], $0x0  }
0x24: {  	s3 =	sadd.s32 $0x88, s3;
	s6 =	simm.s32 @!p1 $0x1082;
	[sflag:s4] =	ssyncset.s32 $0xFFFFF086  }
0x25: {  	[simem:s6], [sflag:s4] =	dma.local [hbm:s3], $0xF7A  }
0x26: {  	[smem:$0x3F95] =	sst s1;
	(tag) =	ssettag s2;
	_ =	strace s9  }
0x27: {  	s1 =	sld [smem:$0x3FA5]  }
0x28: {  	s2 =	sld [smem:$0x3FA6]  }
0x29: {  	s4 =	sld [smem:$0x3FA8]  }
0x2a: {  	p0 =	seq.s32 s5, $0x0;
	s5 =	sld [smem:$0x3FA9]  }
0x2b: {  	s6 =	sld [smem:$0x3FAA]  }
0x2c: {  	s7 =	sld [smem:$0x3FAB]  }
0x2d: {  	s3 =	simm.s32 $0x108;
	s8 =	sld [smem:$0x3FAC]  }
0x2e: {  	s3 =	simm.s32 @!p0 $0x1082;
	s9 =	sld [smem:$0x3FAD]  }
0x2f: {  	lr =	sadd.s32 s0, s3;
	s0 =	sld [smem:$0x3FA4]  }
0x30: {  	s3 =	sld [smem:$0x3FA7]  }
0x31: {  	[smem:$0x3FB0] =	sst s10  }
0x32: {  	s10 =	sld [smem:$0x3FAE];
	_ =	sdelay $0x3  }
0x33: {  	p0 =	seq.s32 s10, $0x1;
	s10 =	sld [smem:$0x3FB0];
	_ =	sdelay $0x3  }
0x34: {  	[smem:$0x3FB0] =	sst s10  }
0x35: {  	s10 =	sld [smem:$0x3FAF];
	_ =	sdelay $0x3  }
0x36: {  	p1 =	seq.s32 s10, $0x1;
	s10 =	sld [smem:$0x3FB0];
	_ =	sdelay $0x3  }
0x37: {  	[smem:$0x3FB0] =	sst s10  }
0x38: {  	s10 =	sld [smem:$0x3FB1]  }
0x39: {  	_ = 	snop;
	(pc) =	sbr.ind lr, $3  }
0x3a: {  	_ = 	snop  }
0x3b: {  	_ = 	snop  }
0x3c: {  	p2 =	seq.s32 s10, $0x1;
	s10 =	sld [smem:$0x3FB0]  }
0x3d: {  	_ =	shalt  }
0x3e: {  	_ =	shalt  }
0x3f: {  	_ =	shalt  }
0x40: {  	_ =	shalt  }
0x41: {  	_ =	shalt  }
0x42: {  	_ =	shalt  }
0x43: {  	_ =	shalt  }
0x44: {  	_ =	shalt  }
0x45: {  	_ =	shalt  }
0x46: {  	_ =	shalt  }
0x47: {  	_ =	shalt  }
0x48: {  	_ =	shalt  }
0x49: {  	_ =	shalt  }
0x4a: {  	_ =	shalt  }
0x4b: {  	_ =	shalt  }
0x4c: {  	_ =	shalt  }
0x4d: {  	_ =	shalt  }
0x4e: {  	_ =	shalt  }
0x4f: {  	_ =	shalt  }
0x50: {  	_ =	shalt  }
0x51: {  	_ =	shalt  }
0x52: {  	_ =	shalt  }
0x53: {  	_ =	shalt  }
0x54: {  	_ =	shalt  }
0x55: {  	_ =	shalt  }
0x56: {  	_ =	shalt  }
0x57: {  	_ =	shalt  }
0x58: {  	_ =	shalt  }
0x59: {  	_ =	shalt  }
0x5a: {  	_ =	shalt  }
0x5b: {  	_ =	shalt  }
0x5c: {  	_ =	shalt  }
0x5d: {  	_ =	shalt  }
0x5e: {  	_ =	shalt  }
0x5f: {  	_ =	shalt  }
0x60: {  	_ =	shalt  }
0x61: {  	_ =	shalt  }
0x62: {  	_ =	shalt  }
0x63: {  	_ =	shalt  }
0x64: {  	_ =	shalt  }
0x65: {  	_ =	shalt  }
0x66: {  	_ =	shalt  }
0x67: {  	_ =	shalt  }
0x68: {  	_ =	shalt  }
0x69: {  	_ =	shalt  }
0x6a: {  	_ =	shalt  }
0x6b: {  	_ =	shalt  }
0x6c: {  	_ =	shalt  }
0x6d: {  	_ =	shalt  }
0x6e: {  	_ =	shalt  }
0x6f: {  	_ =	shalt  }
0x70: {  	_ =	shalt  }
0x71: {  	_ =	shalt  }
0x72: {  	_ =	shalt  }
0x73: {  	_ =	shalt  }
0x74: {  	_ =	shalt  }
0x75: {  	_ =	shalt  }
0x76: {  	_ =	shalt  }
0x77: {  	_ =	shalt  }
0x78: {  	_ =	shalt  }
0x79: {  	_ =	shalt  }
0x7a: {  	_ =	shalt  }
0x7b: {  	_ =	shalt  }
0x7c: {  	_ =	shalt  }
0x7d: {  	_ =	shalt  }
0x7e: {  	_ =	shalt  }
0x7f: {  	_ =	shalt  }
0x80: {  	_ =	shalt  }
0x81: {  	_ =	shalt  }
0x82: {  	_ =	shalt  }
0x83: {  	_ =	shalt  }
0x84: {  	_ =	shalt  }
0x85: {  	_ =	shalt  }
0x86: {  	_ =	shalt  }
0x87: {  	_ =	shalt  }
.Lfunc_end0:
.L_simem_size_0:
called_computation.1_lowered:
.L_overlay_start_0:
0x88: {  	s2 =	sld [smem:$0x3FD9]  }
0x89: {  	s3 =	sld [smem:$0x3FFE];
	_ =	sdelay $0x1  }
0x8a: {  	s1 =	srdreg.scid  }
0x8b: {  	s0 =	sand.u32 $0x1, s1  }
0x8c: {  	s16 =	sshll.u32 s0, $0xA;
	s2 =	sadd.s32 s3, s2  }
0x8d: {  	s2 =	sadd.s32 s2, s16  }
0x8e: {  	[smem:$0x3FBC] =	sst s2  }
0x8f: {  	_ = 	snop  }
0x90: {  	(tm) =	ssettm $0x1  }
0x91: {  	s17 =	sld [smem:$0x3FFB];
	_ =	sdelay $0x3  }
0x92: {  	_ =	strace s17  }
0x93: {  	s2 =	sld [smem:$0x3FFC];
	_ =	sdelay $0x3  }
0x94: {  	_ =	strace s2  }
0x95: {  	s2 =	sld [smem:$0x3FFD];
	_ =	sdelay $0x3  }
0x96: {  	_ =	strace s2  }
0x97: {  	_ =	strace $0x8FFFFFFF  }
0x98: {  	s18 =	sld [smem:$0x3FDB];
	_ =	sdelay $0x1  }
0x99: {  	s19 =	simm.s32 $_scs_section_size  }
0x9a: {  	s4 =	simm.s32 $_size__tile_overlayer_lowered;
	s5 =	simm.s32 $_tile_overlayer_lowered  }
0x9b: {  	s22 =	simm.s32 $0x1BFF;
	s21 =	sshll.u32 s5, $0x1;
	s2 =	sadd.s32 s19, s18  }
0x9c: {  	s6 =	simm.s32 $0x0;
	s20 =	sshll.u32 s4, $0x1;
	s4 =	sadd.s32 s21, s2  }
0x9d: {  	[timem:s6], [sflag:s22] =	dma.local [hbm:s4], s20  }
0x9e: {  	_ =	swait.ge [sflag:s22], s20  }
0x9f: {  	s3 =	ssub.s32 $0x0, s20;
	[sflag:s22] =	ssyncset.done $0x0  }
0xa0: {  	[sflag:s22] =	ssyncadd.s32 s3;
	_ =	sdelay $0x1  }
0xa1: {  	s23 =	simm.s32 $0x1B8B  }
0xa2: {  	_ =	swait.ge [sflag:s23], $0x1  }
0xa3: {  	[sflag:s23] =	ssyncset.done $0x0  }
0xa4: {  	s25 =	simm.s32 $0x1B8E;
	s24 =	sld [smem:$0x3FFE];
	[sflag:s23] =	ssyncadd.s32 $0xFFFFFFFF  }
0xa5: {  	s26 =	simm.s32 $execute0_lowered;
	[smem:$0x3FD2] =	sst s25  }
0xa6: {  	s4 =	sshll.u32 s26, $0x1;
	_ =	strace $0x80000049;
	[dreg:$0x1] =	wrdreg $0xFFFFFFFF  }
0xa7: {  	s28 =	simm.s32 $_size_execute0_lowered;
	s2 =	sadd.s32 s2, s4;
	[dreg:$0x0] =	wrdreg $0x0  }
0xa8: {  	s4 =	sshll.u32 s28, $0x1;
	[dreg:$0x2] =	wrdreg s2  }
0xa9: {  	[dreg:$0x3] =	wrdreg s4  }
0xaa: {  	[dreg:$0x4] =	wrdreg $0xC0  }
0xab: {  	_ =	task [dreg:s6], $0x5FFFF  }
0xac: {  	[dreg:$0x1] =	wrdreg $0xFFFFFFFF  }
0xad: {  	[dreg:$0x0] =	wrdreg $0x60  }
0xae: {  	[dreg:$0x2] =	wrdreg s24  }
0xaf: {  	[dreg:$0x3] =	wrdreg $0x92000  }
0xb0: {  	[dreg:$0x4] =	wrdreg $0x9  }
0xb1: {  	_ =	task.clear_ibuf [dreg:s6], $0x5FFFF;
	_ =	strace $0x90000049  }
0xb2: {  	s29 =	simm.s32 $0x9;
	_ =	strace $0x8000004B  }
0xb3: {  	_ =	swait.ge [sflag:s29], $0x1  }
0xb4: {  	[sflag:s29] =	ssyncadd.s32 $0xFFFFFFFF  }
0xb5: {  	_ =	strace $0x9000004B  }
0xb6: {  	_ =	sfence  }
0xb7: {  	s30 =	sld [smem:$0x0];
	_ =	sdelay $0x2  }
0xb8: {  	s31 =	sshll.u32 s1, $0xD;
	s1 =	sshrl.u32 s1, $0x2  }
0xb9: {  	s3 =	sand.u32 $0x4000, s31;
	s1 =	sadd.s32 s1, s30  }
0xba: {  	s0 =	sor.u32 s3, s0;
	s1 =	sshll.u32 s1, $0x11  }
0xbb: {  	s0 =	sor.u32 s1, s0  }
0xbc: {  	s0 =	sadd.s32 $0x8F2B, s0  }
0xbd: {  	[sflag:s0] =	ssyncadd.remote.s32 $0x1  }
0xbe: {  	_ =	sfence.sel $0xFFFF  }
0xbf: {  	[dreg:$0x0] =	wrdreg $0xFFFFFFFF;
	(pc) =	sbr.abs _section_cstart, $3  }
0xc0: {  	[dreg:$0x1] =	wrdreg $0xFFFFFFFF  }
0xc1: {  	_ =	task.clear_ibuf [dreg:s6], $0x2FFFF;
	_ =	strace $0x9FFFFFFF  }
0xc2: {  	(tm) =	ssettm $0x7FFFFFFF  }
0xc3: {  	_ =	shalt  }
tec
execute0_lowered:
.L_overlay_start_1:
0x0: {  	(tag) =	ssettag $0x1  }
0x1: {  	s6 =	rddreg [dreg:$0x0]  }
0x2: {  	s2 =	rddreg [dreg:$0x1]  }
0x3: {  	s0 =	rddreg [dreg:$0x2];
	s3 =	simm.s32 $0x0;
	s1 =	stileid.u32  }
0x4: {  	s8 =	srdreg.scid;
	s13 =	simm.s32 $0x4200;
	s19 =	simm.s32 $0x1  }
0x5: {  	s20 =	simm.s32 $0x4100;
	s21 =	simm.s32 $0x6A00;
	s22 =	simm.s32 $0x4080  }
0x6: {  	s23 =	simm.s32 $0x2;
	[smem:$0x7FF] =	sst s3;
	s5 =	sshll.u32 s1, $0xB  }
0x7: {  	s4 =	sadd.s32 $0x14C00, s6;
	s9 =	sadd.s32 $0x3BE00, s6;
	s26 =	smul.u32 $0x13800, s1  }
0x8: {  	s24 =	sand.u32 $0x1, s8;
	s28 =	smul.u32 $0x4E000, s1;
	s18 =	sadd.s32 $0x138000, s2  }
0x9: {  	p0 =	sne.s32 s1, $0xF;
	s14 =	sshll.u32 s1, $0x6;
	_ =	strace $0x8000004A  }
0xa: {  	s7 =	sadd.s32 s5, s6;
	s5 =	sadd.s32 $0x13E00, s6;
	s8 =	ssub.s32 $0x2, s24  }
0xb: {  	s10 =	sshll.u32 s24, $0xF;
	s11 =	smul.u32 $0x138800, s24;
	s14 =	sor.u32 $0x1C03, s14  }
0xc: {  	s18 =	sshrl.u32 @!p0 s18, $0x3;
	s24 =	simm.s32 $0x4180;
	s25 =	sshrl.u32 s8, $0x1  }
0xd: {  	s7 =	sadd.s32 s10, s7;
	s31 =	sshrl.u32 s28, $0x2;
	s12 =	ssub.s32 s8, s25  }
0xe: {  	s6 =	sadd.s32 $0x3E00, s7;
	s29 =	sadd.s32 s26, s11;
	s30 =	sshrl.u32 s11, $0x3  }
0xf: {  	s15 =	sadd.s32 s31, s2;
	s11 =	simm.s32 $0x50;
	s25 =	simm.s32 $0x0  }
0x10: {  	s8 =	sshrl.u32 s29, $0x3;
	s10 =	sadd.s32 s9, s30;
	s16 =	sadd.s32 $0x6800, s15  }
0x11: {  	s17 =	sadd.s32 $0xD000, s15;
	s15 =	sshrl.u32 s15, $0x3;
	s7 =	sadd.s32 s9, s8  }
0x12: {  	s8 =	sadd.s32 $0x27000, s10;
	s9 =	smax.u32 s12, $0x1;
	s10 =	simm.s32 $0x3  }
0x13: {  	s12 =	simm.s32 $0x4000;
	s16 =	sshrl.u32 s16, $0x3;
	s17 =	sshrl.u32 s17, $0x3  }
.LBB2_1:
0x14: {  	[tilespmem:s3], [sflag:$0x3] =	stream.linear.gather [hbm4b:s6+s3], $0x3E80, $0x38;
	[tilespmem:$0x1CAC0] =	vst v63  }
0x15: {  	_ =	swait.ge [sflag:s10], $0x3E80  }
0x16: {  	[sflag:s10] =	ssyncset.done $0x0  }
0x17: {  	[sflag:s10] =	ssyncadd.s32 $0xFFFFC180  }
0x18: {  	v0 =	vld [tilespmem:$0x0];
	_ =	sdelay $0x1  }
0x19: {  	v1 =	vld [tilespmem:$0x10];
	_ =	sdelay $0x1  }
0x1a: {  	v2 =	vld [tilespmem:$0x20]  }
0x1b: {  	v3 =	vand.u32 $0x3FFF, v0  }
0x1c: {  	v0 =	vshra.s32 v0, $0xE;
	[tilespmem:$0x4000] =	vst v3;
	v3 =	vld [tilespmem:$0x30]  }
0x1d: {  	[tilespmem:$0x4080] =	vst v0;
	v0 =	vand.u32 $0x3FFF, v1  }
0x1e: {  	[tilespmem:$0x4010] =	vst v0;
	v0 =	vshra.s32 v1, $0xE;
	v1 =	vld [tilespmem:$0x40]  }
0x1f: {  	[tilespmem:$0x4090] =	vst v0;
	v0 =	vand.u32 $0x3FFF, v2  }
0x20: {  	[tilespmem:$0x4020] =	vst v0;
	v0 =	vshra.s32 v2, $0xE  }
0x21: {  	[tilespmem:$0x40A0] =	vst v0;
	v0 =	vand.u32 $0x3FFF, v3  }
0x22: {  	[tilespmem:$0x4030] =	vst v0;
	v0 =	vshra.s32 v3, $0xE  }
0x23: {  	[tilespmem:$0x40B0] =	vst v0;
	v0 =	vand.u32 $0x3FFF, v1  }
0x24: {  	[tilespmem:$0x4040] =	vst v0;
	v0 =	vshra.s32 v1, $0xE  }
0x25: {  	[tilespmem:$0x40C0] =	vst v0  }
0x26: {  	[tilespmem:s13], [sflag:$0x1] =	stream.indirect.gather [hbm4b:s4+s11], $0x80, s12, s11, $0xb8;
	[tilespmem:$0x1CAC0] =	vst v63  }
0x27: {  	[spmem:s15], [sflag:s14] =	dma.local [hbm:s5], $0xD00  }
0x28: {  	_ =	swait.ge [sflag:s10], $0xD00  }
0x29: {  	[sflag:s10] =	ssyncset.done $0x0  }
0x2a: {  	[sflag:s10] =	ssyncadd.s32 $0xFFFFF300  }
0x2b: {  	[spmem:s16], [sflag:s14] =	dma.local [hbm:s5], $0xD00  }
0x2c: {  	_ =	swait.ge [sflag:s10], $0xD00  }
0x2d: {  	[sflag:s10] =	ssyncset.done $0x0  }
0x2e: {  	[sflag:s10] =	ssyncadd.s32 $0xFFFFF300  }
0x2f: {  	[spmem:s17], [sflag:s14] =	dma.local [hbm:s5], $0xD00  }
0x30: {  	_ =	swait.ge [sflag:s10], $0xD00  }
0x31: {  	[sflag:s10] =	ssyncset.done $0x0  }
0x32: {  	s26 =	simm.s32 @!p0 $0x1FC3;
	[sflag:s10] =	ssyncadd.s32 $0xFFFFF300  }
0x33: {  	[spmem:s18], [sflag:s26] =	dma.local @!p0 [hbm:s5], $0x100  }
0x34: {  	s26 =	simm.s32 @!p0 $0x3  }
0x35: {  	_ =	swait.ge @!p0 [sflag:s26], $0x100  }
0x36: {  	[sflag:s26] =	ssyncset.done @!p0 $0x0  }
0x37: {  	[sflag:s26] =	ssyncadd.s32 @!p0 $0xFFFFFF00  }
0x38: {  	s31 =	simm.s32 $0x0;
	[bflag:$0x0] =	sbarrier.arrive $0xFFFF  }
0x39: {  	v0 =	vld [tilespmem:s31+$0x80];
	_ =	sdelay $0x4  }
0x3a: {  	v1 =	vand.u32 $0x3FFF, v0  }
0x3b: {  	v0 =	vshra.s32 v0, $0xE;
	[tilespmem:$0x4100] =	vst v1  }
0x3c: {  	[tilespmem:$0x4180] =	vst v0  }
0x3d: {  	v0 =	vld [tilespmem:s31+$0x90];
	_ =	sdelay $0x4  }
0x3e: {  	v1 =	vand.u32 $0x3FFF, v0  }
0x3f: {  	v0 =	vshra.s32 v0, $0xE;
	[tilespmem:$0x4110] =	vst v1  }
0x40: {  	[tilespmem:$0x4190] =	vst v0  }
0x41: {  	v0 =	vld [tilespmem:s31+$0xA0];
	_ =	sdelay $0x4  }
0x42: {  	v1 =	vand.u32 $0x3FFF, v0  }
0x43: {  	v0 =	vshra.s32 v0, $0xE;
	[tilespmem:$0x4120] =	vst v1  }
0x44: {  	[tilespmem:$0x41A0] =	vst v0  }
0x45: {  	v0 =	vld [tilespmem:s31+$0xB0];
	_ =	sdelay $0x4  }
0x46: {  	v1 =	vand.u32 $0x3FFF, v0  }
0x47: {  	v0 =	vshra.s32 v0, $0xE;
	[tilespmem:$0x4130] =	vst v1  }
0x48: {  	[tilespmem:$0x41B0] =	vst v0  }
0x49: {  	v0 =	vld [tilespmem:s31+$0xC0];
	_ =	sdelay $0x4  }
0x4a: {  	v1 =	vand.u32 $0x3FFF, v0  }
0x4b: {  	v0 =	vshra.s32 v0, $0xE;
	[tilespmem:$0x4140] =	vst v1  }
0x4c: {  	[tilespmem:$0x41C0] =	vst v0  }
0x4d: {  	_ =	swait.ge [sflag:s19], $0x2800  }
0x4e: {  	[sflag:s19] =	ssyncset.done $0x0  }
0x4f: {  	[sflag:s19] =	ssyncadd.s32 $0xFFFFD800  }
0x50: {  	[tilespmem:s21], [sflag:$0x2] =	stream.indirect.gather [hbm4b:s4+s11], $0x80, s20, s11, $0xb8;
	[tilespmem:$0x1CAC0] =	vst v63  }
0x51: {  	_ = 	snop  }
0x52: {  	[spmem:s2] =	stream.indirect.scatter.add.f32 [tilespmem:s13], [sflag:$0x3], $0x80, s22, s11, $0xb8;
	[tilespmem:$0x1CAC0] =	vst v63  }
0x53: {  	_ =	swait.ge [sflag:s10], $0x2800  }
0x54: {  	[sflag:s10] =	ssyncset.done $0x0  }
0x55: {  	[sflag:s10] =	ssyncadd.s32 $0xFFFFD800  }
0x56: {  	v0 =	vld [tilespmem:s31+$0x100];
	_ =	sdelay $0x4  }
0x57: {  	v1 =	vand.u32 $0x3FFF, v0  }
0x58: {  	v0 =	vshra.s32 v0, $0xE;
	[tilespmem:$0x4000] =	vst v1  }
0x59: {  	[tilespmem:$0x4080] =	vst v0  }
0x5a: {  	v0 =	vld [tilespmem:s31+$0x110];
	_ =	sdelay $0x4  }
0x5b: {  	v1 =	vand.u32 $0x3FFF, v0  }
0x5c: {  	v0 =	vshra.s32 v0, $0xE;
	[tilespmem:$0x4010] =	vst v1  }
0x5d: {  	[tilespmem:$0x4090] =	vst v0  }
0x5e: {  	v0 =	vld [tilespmem:s31+$0x120];
	_ =	sdelay $0x4  }
0x5f: {  	v1 =	vand.u32 $0x3FFF, v0  }
0x60: {  	v0 =	vshra.s32 v0, $0xE;
	[tilespmem:$0x4020] =	vst v1  }
0x61: {  	[tilespmem:$0x40A0] =	vst v0  }
0x62: {  	v0 =	vld [tilespmem:s31+$0x130];
	_ =	sdelay $0x4  }
0x63: {  	v1 =	vand.u32 $0x3FFF, v0  }
0x64: {  	v0 =	vshra.s32 v0, $0xE;
	[tilespmem:$0x4030] =	vst v1  }
0x65: {  	[tilespmem:$0x40B0] =	vst v0  }
0x66: {  	v0 =	vld [tilespmem:s31+$0x140];
	_ =	sdelay $0x4  }
0x67: {  	s26 =	simm.s32 $0x400;
	v1 =	vand.u32 $0x3FFF, v0;
	v0 =	vshra.s32 v0, $0xE  }
.LBB2_2:
0x68: {  	p1 =	sne.s32 s26, $0xF400;
	[tilespmem:$0x4040] =	vst v1;
	s28 =	smov.u32 s26;
	s26 =	sadd.s32 $0x400, s26  }
0x69: {  	[tilespmem:$0x40C0] =	vst v0  }
0x6a: {  	_ =	swait.ge [sflag:s23], $0x2800  }
0x6b: {  	[sflag:s23] =	ssyncset.done $0x0  }
0x6c: {  	[sflag:s23] =	ssyncadd.s32 $0xFFFFD800  }
0x6d: {  	[tilespmem:s13], [sflag:$0x1] =	stream.indirect.gather [hbm4b:s4+s11], $0x80, s12, s11, $0xb8;
	[tilespmem:$0x1CAC0] =	vst v63  }
0x6e: {  	_ = 	snop  }
0x6f: {  	[spmem:s2] =	stream.indirect.scatter.add.f32 [tilespmem:s21], [sflag:$0x3], $0x80, s24, s11, $0xb8;
	[tilespmem:$0x1CAC0] =	vst v63  }
0x70: {  	_ =	swait.ge [sflag:s10], $0x2800  }
0x71: {  	[sflag:s10] =	ssyncset.done $0x0  }
0x72: {  	s28 =	sshra.s32 s28, $0x2;
	[sflag:s10] =	ssyncadd.s32 $0xFFFFD800  }
0x73: {  	v0 =	vld [tilespmem:s28+$0x80];
	_ =	sdelay $0x4  }
0x74: {  	v1 =	vand.u32 $0x3FFF, v0;
	v0 =	vshra.s32 v0, $0xE  }
0x75: {  	[tilespmem:$0x4100] =	vst v1  }
0x76: {  	[tilespmem:$0x4180] =	vst v0  }
0x77: {  	v0 =	vld [tilespmem:s28+$0x90];
	_ =	sdelay $0x4  }
0x78: {  	v1 =	vand.u32 $0x3FFF, v0;
	v0 =	vshra.s32 v0, $0xE  }
0x79: {  	[tilespmem:$0x4110] =	vst v1  }
0x7a: {  	[tilespmem:$0x4190] =	vst v0  }
0x7b: {  	v0 =	vld [tilespmem:s28+$0xA0];
	_ =	sdelay $0x4  }
0x7c: {  	v1 =	vand.u32 $0x3FFF, v0;
	v0 =	vshra.s32 v0, $0xE  }
0x7d: {  	[tilespmem:$0x4120] =	vst v1  }
0x7e: {  	[tilespmem:$0x41A0] =	vst v0  }
0x7f: {  	v0 =	vld [tilespmem:s28+$0xB0];
	_ =	sdelay $0x4  }
0x80: {  	v1 =	vand.u32 $0x3FFF, v0;
	v0 =	vshra.s32 v0, $0xE  }
0x81: {  	[tilespmem:$0x4130] =	vst v1  }
0x82: {  	[tilespmem:$0x41B0] =	vst v0  }
0x83: {  	v0 =	vld [tilespmem:s28+$0xC0];
	_ =	sdelay $0x4  }
0x84: {  	v1 =	vand.u32 $0x3FFF, v0;
	v0 =	vshra.s32 v0, $0xE  }
0x85: {  	[tilespmem:$0x4140] =	vst v1  }
0x86: {  	[tilespmem:$0x41C0] =	vst v0  }
0x87: {  	_ =	swait.ge [sflag:s19], $0x2800  }
0x88: {  	[sflag:s19] =	ssyncset.done $0x0  }
0x89: {  	[sflag:s19] =	ssyncadd.s32 $0xFFFFD800  }
0x8a: {  	[tilespmem:s21], [sflag:$0x2] =	stream.indirect.gather [hbm4b:s4+s11], $0x80, s20, s11, $0xb8;
	[tilespmem:$0x1CAC0] =	vst v63  }
0x8b: {  	_ = 	snop  }
0x8c: {  	[spmem:s2] =	stream.indirect.scatter.add.f32 [tilespmem:s13], [sflag:$0x3], $0x80, s22, s11, $0xb8;
	[tilespmem:$0x1CAC0] =	vst v63  }
0x8d: {  	_ =	swait.ge [sflag:s10], $0x2800  }
0x8e: {  	[sflag:s10] =	ssyncset.done $0x0  }
0x8f: {  	[sflag:s10] =	ssyncadd.s32 $0xFFFFD800  }
0x90: {  	v0 =	vld [tilespmem:s28+$0x100];
	_ =	sdelay $0x4  }
0x91: {  	v1 =	vand.u32 $0x3FFF, v0;
	v0 =	vshra.s32 v0, $0xE  }
0x92: {  	[tilespmem:$0x4000] =	vst v1  }
0x93: {  	[tilespmem:$0x4080] =	vst v0  }
0x94: {  	v0 =	vld [tilespmem:s28+$0x110];
	_ =	sdelay $0x4  }
0x95: {  	v1 =	vand.u32 $0x3FFF, v0;
	v0 =	vshra.s32 v0, $0xE  }
0x96: {  	[tilespmem:$0x4010] =	vst v1  }
0x97: {  	[tilespmem:$0x4090] =	vst v0  }
0x98: {  	v0 =	vld [tilespmem:s28+$0x120];
	_ =	sdelay $0x4  }
0x99: {  	v1 =	vand.u32 $0x3FFF, v0;
	v0 =	vshra.s32 v0, $0xE  }
0x9a: {  	[tilespmem:$0x4020] =	vst v1  }
0x9b: {  	[tilespmem:$0x40A0] =	vst v0  }
0x9c: {  	v0 =	vld [tilespmem:s28+$0x130];
	_ =	sdelay $0x4  }
0x9d: {  	v1 =	vand.u32 $0x3FFF, v0;
	v0 =	vshra.s32 v0, $0xE  }
0x9e: {  	[tilespmem:$0x4030] =	vst v1  }
0x9f: {  	[tilespmem:$0x40B0] =	vst v0  }
0xa0: {  	v0 =	vld [tilespmem:s28+$0x140]  }
.Ltmp0:
0xa1: {  	(pc) =	sbr.rel @p1 .LBB2_2-.Ltmp0, $2  }
0xa2: {  	_ =	sdelay $0x2  }
0xa3: {  	v1 =	vand.u32 $0x3FFF, v0;
	v0 =	vshra.s32 v0, $0xE  }
0xa4: {  	[tilespmem:$0x4040] =	vst v1  }
0xa5: {  	[tilespmem:$0x40C0] =	vst v0  }
0xa6: {  	_ =	swait.ge [sflag:s23], $0x2800  }
0xa7: {  	[sflag:s23] =	ssyncset.done $0x0  }
0xa8: {  	[sflag:s23] =	ssyncadd.s32 $0xFFFFD800  }
0xa9: {  	[tilespmem:s13], [sflag:$0x1] =	stream.indirect.gather [hbm4b:s4+s11], $0x80, s12, s11, $0xb8;
	[tilespmem:$0x1CAC0] =	vst v63  }
0xaa: {  	_ = 	snop  }
0xab: {  	[spmem:s2] =	stream.indirect.scatter.add.f32 [tilespmem:s21], [sflag:$0x3], $0x80, s24, s11, $0xb8;
	[tilespmem:$0x1CAC0] =	vst v63  }
0xac: {  	_ =	swait.ge [sflag:s10], $0x2800  }
0xad: {  	[sflag:s10] =	ssyncset.done $0x0  }
0xae: {  	[sflag:s10] =	ssyncadd.s32 $0xFFFFD800  }
0xaf: {  	_ =	swait.ge [sflag:s19], $0x2800  }
0xb0: {  	[sflag:s19] =	ssyncset.done $0x0  }
0xb1: {  	[sflag:s19] =	ssyncadd.s32 $0xFFFFD800  }
0xb2: {  	[spmem:s2] =	stream.indirect.scatter.add.f32 [tilespmem:s13], [sflag:$0x3], $0x80, s22, s11, $0xb8;
	[tilespmem:$0x1CAC0] =	vst v63  }
0xb3: {  	_ =	swait.ge [sflag:s10], $0x2800  }
0xb4: {  	[sflag:s10] =	ssyncset.done $0x0  }
0xb5: {  	[sflag:s10] =	ssyncadd.s32 $0xFFFFD800  }
0xb6: {  	[bflag:$0x0] =	sbarrier.arrive $0xFFFF  }
0xb7: {  	[hbm:s7], [sflag:s14] =	dma.local [spmem:s15], $0x2700  }
0xb8: {  	s25 =	sadd.s32 $0x1, s25;
	_ =	swait.ge [sflag:s10], $0x2700  }
0xb9: {  	p1 =	sne.s32 s25, s9;
	[sflag:s10] =	ssyncset.done $0x0  }
.Ltmp1:
0xba: {  	s26 =	simm.s32 @!p0 $0x3;
	[sflag:s10] =	ssyncadd.s32 $0xFFFFD900;
	(pc) =	sbr.rel @p1 .LBB2_1-.Ltmp1, $4  }
0xbb: {  	[hbm:s8], [sflag:s14] =	dma.local @!p0 [spmem:s18], $0x100  }
0xbc: {  	_ =	swait.ge @!p0 [sflag:s26], $0x100  }
0xbd: {  	[sflag:s26] =	ssyncset.done @!p0 $0x0  }
0xbe: {  	[sflag:s26] =	ssyncadd.s32 @!p0 $0xFFFFFF00  }
0xbf: {  	_ =	sfence.sel $0x180000  }
0xc0: {  	[bflag:$0x0] =	sbarrier.arrive $0xFFFF  }
0xc1: {  	p0 =	sne.s32 s1, $0x0;
	_ =	strace $0x9000004A  }
0xc2: {  	s0 =	sadd.s32 @!p0 $0x100000, s0;
	[bflag:$0x2] =	sbarrier.arrive $0xFFFF  }
0xc3: {  	[sflag:s0] =	ssyncadd.tile.s32 @!p0 $0x1;
	_ =	shalt  }
.Lfunc_end2:
_tile_overlayer_lowered:
.L_overlay_start_2:
0xc4: {  	(tag) =	ssettag $0x2  }
0xc5: {  	s0 =	rddreg [dreg:$0x0];
	s2 =	stileid.u32  }
0xc6: {  	s1 =	rddreg [dreg:$0x1];
	p0 =	sne.s32 s2, $0x0  }
0xc7: {  	s3 =	rddreg [dreg:$0x2];
	[bflag:$0x3] =	sbarrier.arrive $0xFFFF;
	s2 =	simm.s32 @!p0 $0x1C03  }
0xc8: {  	[timem:s3], [sflag:s2] =	dma.local @!p0 [hbm:s0], s1  }
0xc9: {  	s0 =	simm.s32 @!p0 $0x3  }
0xca: {  	_ =	swait.ge @!p0 [sflag:s0], s1  }
0xcb: {  	s1 =	ssub.s32 @!p0 $0x0, s1;
	[sflag:s0] =	ssyncset.done @!p0 $0x0  }
0xcc: {  	[sflag:s0] =	ssyncadd.s32 @!p0 s1  }
0xcd: {  	[bflag:$0x3] =	sbarrier.arrive $0xFFFF  }
0xce: {  	_ =	shalt  }

// kernel: kernel.16.cloned.1.call-start
scs
__scs_entry_jumppad:
0x0: {  	(pc) =	sbr.rel $0x88, $3  }
0x1: {  	(tag) =	ssettag $0x0;
	lr =	simm.s32 $0x1  }
0x2: {  	[smem:$0x3F95] =	sst lr;
	_ =	strace $0xD0000000  }
0x3: {  	_ = 	snop  }
0x4: {  	_ = 	snop  }
0x5: {  	_ = 	snop  }
0x6: {  	_ = 	snop  }
0x7: {  	_ = 	snop  }
__scs_overlays_trampoline_lowered:
0x8: {  	[smem:$0x3FA4] =	sst s0  }
0x9: {  	[smem:$0x3FA5] =	sst s1  }
0xa: {  	[smem:$0x3FA6] =	sst s2  }
0xb: {  	[smem:$0x3FA7] =	sst s3  }
0xc: {  	[smem:$0x3FA8] =	sst s4  }
0xd: {  	[smem:$0x3FA9] =	sst s5  }
0xe: {  	[smem:$0x3FAA] =	sst s6  }
0xf: {  	[smem:$0x3FAB] =	sst s7  }
0x10: {  	[smem:$0x3FAC] =	sst s8  }
0x11: {  	[smem:$0x3FAD] =	sst s9;
	s0 =	simm.s32 @!p0 $0x0  }
0x12: {  	s1 =	sld [smem:$0x3F93];
	s0 =	simm.s32 @p0 $0x1  }
0x13: {  	[smem:$0x3FAE] =	sst s0;
	s0 =	simm.s32 @!p1 $0x0  }
0x14: {  	s2 =	sld [smem:$0x3F92];
	s0 =	simm.s32 @p1 $0x1  }
0x15: {  	[smem:$0x3FAF] =	sst s0;
	s0 =	simm.s32 @!p2 $0x0  }
0x16: {  	s3 =	sld [smem:$0x3FDB];
	s0 =	simm.s32 @p2 $0x1  }
0x17: {  	s4 =	simm.s32 $0x1BF5;
	[smem:$0x3FB1] =	sst s0  }
0x18: {  	s0 =	sld [smem:$0x3F94];
	_ =	swait.ge [sflag:s4], $0x0  }
0x19: {  	s7 =	sld [smem:$0x3F95]  }
0x1a: {  	s8 =	sadd.s32 $0xFFFFE003, lr  }
0x1b: {  	s9 =	sadd.s32 $0xFFFFFEF7, lr;
	s5 =	simm.s32 $0xFFFFFFFF;
	p2 =	slt.u32 s8, $0xFFFFF086  }
0x1c: {  	p1 =	slt.u32 s9, $0xF7A;
	s5 =	simm.s32 @!p2 $0x0  }
0x1d: {  	s5 =	simm.s32 @p1 $0x1;
	p0 =	seq.s32 s7, s2  }
0x1e: {  	s7 =	smul.u32 @!p0 $0xF7A, s2;
	p2 =	seq.s32 @!p0 s5, $0x0  }
0x1f: {  	s9 =	smul.u32 $0xF7A, s1;
	s8 =	simm.s32 @!p0 $0x1BF5;
	p2 =	por !p2, p0  }
0x20: {  	[sflag:s8] =	ssyncset.s32 @!p0 $0xFFFFF086;
	s6 =	sadd.s32 @!p0 s3, s7;
	s7 =	simm.s32 @!p0 $0x108  }
0x21: {  	s3 =	sadd.s32 s3, s9;
	s6 =	sadd.s32 @!p0 $0x88, s6;
	s7 =	simm.s32 @p2 $0x1082  }
0x22: {  	[simem:s7], [sflag:s8] =	dma.local @!p0 [hbm:s6], $0xF7A  }
0x23: {  	s9 =	sor.u32 $0xD0000000, s2;
	s6 =	simm.s32 $0x108;
	_ =	swait.ge @!p0 [sflag:s8], $0x0  }
0x24: {  	s3 =	sadd.s32 $0x88, s3;
	s6 =	simm.s32 @!p1 $0x1082;
	[sflag:s4] =	ssyncset.s32 $0xFFFFF086  }
0x25: {  	[simem:s6], [sflag:s4] =	dma.local [hbm:s3], $0xF7A  }
0x26: {  	[smem:$0x3F95] =	sst s1;
	(tag) =	ssettag s2;
	_ =	strace s9  }
0x27: {  	s1 =	sld [smem:$0x3FA5]  }
0x28: {  	s2 =	sld [smem:$0x3FA6]  }
0x29: {  	s4 =	sld [smem:$0x3FA8]  }
0x2a: {  	p0 =	seq.s32 s5, $0x0;
	s5 =	sld [smem:$0x3FA9]  }
0x2b: {  	s6 =	sld [smem:$0x3FAA]  }
0x2c: {  	s7 =	sld [smem:$0x3FAB]  }
0x2d: {  	s3 =	simm.s32 $0x108;
	s8 =	sld [smem:$0x3FAC]  }
0x2e: {  	s3 =	simm.s32 @!p0 $0x1082;
	s9 =	sld [smem:$0x3FAD]  }
0x2f: {  	lr =	sadd.s32 s0, s3;
	s0 =	sld [smem:$0x3FA4]  }
0x30: {  	s3 =	sld [smem:$0x3FA7]  }
0x31: {  	[smem:$0x3FB0] =	sst s10  }
0x32: {  	s10 =	sld [smem:$0x3FAE];
	_ =	sdelay $0x3  }
0x33: {  	p0 =	seq.s32 s10, $0x1;
	s10 =	sld [smem:$0x3FB0];
	_ =	sdelay $0x3  }
0x34: {  	[smem:$0x3FB0] =	sst s10  }
0x35: {  	s10 =	sld [smem:$0x3FAF];
	_ =	sdelay $0x3  }
0x36: {  	p1 =	seq.s32 s10, $0x1;
	s10 =	sld [smem:$0x3FB0];
	_ =	sdelay $0x3  }
0x37: {  	[smem:$0x3FB0] =	sst s10  }
0x38: {  	s10 =	sld [smem:$0x3FB1]  }
0x39: {  	_ = 	snop;
	(pc) =	sbr.ind lr, $3  }
0x3a: {  	_ = 	snop  }
0x3b: {  	_ = 	snop  }
0x3c: {  	p2 =	seq.s32 s10, $0x1;
	s10 =	sld [smem:$0x3FB0]  }
0x3d: {  	_ =	shalt  }
0x3e: {  	_ =	shalt  }
0x3f: {  	_ =	shalt  }
0x40: {  	_ =	shalt  }
0x41: {  	_ =	shalt  }
0x42: {  	_ =	shalt  }
0x43: {  	_ =	shalt  }
0x44: {  	_ =	shalt  }
0x45: {  	_ =	shalt  }
0x46: {  	_ =	shalt  }
0x47: {  	_ =	shalt  }
0x48: {  	_ =	shalt  }
0x49: {  	_ =	shalt  }
0x4a: {  	_ =	shalt  }
0x4b: {  	_ =	shalt  }
0x4c: {  	_ =	shalt  }
0x4d: {  	_ =	shalt  }
0x4e: {  	_ =	shalt  }
0x4f: {  	_ =	shalt  }
0x50: {  	_ =	shalt  }
0x51: {  	_ =	shalt  }
0x52: {  	_ =	shalt  }
0x53: {  	_ =	shalt  }
0x54: {  	_ =	shalt  }
0x55: {  	_ =	shalt  }
0x56: {  	_ =	shalt  }
0x57: {  	_ =	shalt  }
0x58: {  	_ =	shalt  }
0x59: {  	_ =	shalt  }
0x5a: {  	_ =	shalt  }
0x5b: {  	_ =	shalt  }
0x5c: {  	_ =	shalt  }
0x5d: {  	_ =	shalt  }
0x5e: {  	_ =	shalt  }
0x5f: {  	_ =	shalt  }
0x60: {  	_ =	shalt  }
0x61: {  	_ =	shalt  }
0x62: {  	_ =	shalt  }
0x63: {  	_ =	shalt  }
0x64: {  	_ =	shalt  }
0x65: {  	_ =	shalt  }
0x66: {  	_ =	shalt  }
0x67: {  	_ =	shalt  }
0x68: {  	_ =	shalt  }
0x69: {  	_ =	shalt  }
0x6a: {  	_ =	shalt  }
0x6b: {  	_ =	shalt  }
0x6c: {  	_ =	shalt  }
0x6d: {  	_ =	shalt  }
0x6e: {  	_ =	shalt  }
0x6f: {  	_ =	shalt  }
0x70: {  	_ =	shalt  }
0x71: {  	_ =	shalt  }
0x72: {  	_ =	shalt  }
0x73: {  	_ =	shalt  }
0x74: {  	_ =	shalt  }
0x75: {  	_ =	shalt  }
0x76: {  	_ =	shalt  }
0x77: {  	_ =	shalt  }
0x78: {  	_ =	shalt  }
0x79: {  	_ =	shalt  }
0x7a: {  	_ =	shalt  }
0x7b: {  	_ =	shalt  }
0x7c: {  	_ =	shalt  }
0x7d: {  	_ =	shalt  }
0x7e: {  	_ =	shalt  }
0x7f: {  	_ =	shalt  }
0x80: {  	_ =	shalt  }
0x81: {  	_ =	shalt  }
0x82: {  	_ =	shalt  }
0x83: {  	_ =	shalt  }
0x84: {  	_ =	shalt  }
0x85: {  	_ =	shalt  }
0x86: {  	_ =	shalt  }
0x87: {  	_ =	shalt  }
.Lfunc_end0:
.L_simem_size_0:
called_computation.2_lowered:
.L_overlay_start_0:
0x88: {  	s2 =	sld [smem:$0x3FD9]  }
0x89: {  	s3 =	sld [smem:$0x3FFE];
	_ =	sdelay $0x1  }
0x8a: {  	s1 =	srdreg.scid  }
0x8b: {  	s0 =	sand.u32 $0x1, s1  }
0x8c: {  	s16 =	sshll.u32 s0, $0xA;
	s2 =	sadd.s32 s3, s2  }
0x8d: {  	s2 =	sadd.s32 s2, s16  }
0x8e: {  	[smem:$0x3FBC] =	sst s2  }
0x8f: {  	_ = 	snop  }
0x90: {  	(tm) =	ssettm $0x1  }
0x91: {  	s17 =	sld [smem:$0x3FFB];
	_ =	sdelay $0x3  }
0x92: {  	_ =	strace s17  }
0x93: {  	s2 =	sld [smem:$0x3FFC];
	_ =	sdelay $0x3  }
0x94: {  	_ =	strace s2  }
0x95: {  	s2 =	sld [smem:$0x3FFD];
	_ =	sdelay $0x3  }
0x96: {  	_ =	strace s2  }
0x97: {  	_ =	strace $0x8FFFFFFF  }
0x98: {  	s18 =	sld [smem:$0x3FDB];
	_ =	sdelay $0x1  }
0x99: {  	s19 =	simm.s32 $_scs_section_size  }
0x9a: {  	s4 =	simm.s32 $_size__tile_overlayer_lowered;
	s5 =	simm.s32 $_tile_overlayer_lowered  }
0x9b: {  	s22 =	simm.s32 $0x1BFF;
	s21 =	sshll.u32 s5, $0x1;
	s2 =	sadd.s32 s19, s18  }
0x9c: {  	s6 =	simm.s32 $0x0;
	s20 =	sshll.u32 s4, $0x1;
	s4 =	sadd.s32 s21, s2  }
0x9d: {  	[timem:s6], [sflag:s22] =	dma.local [hbm:s4], s20  }
0x9e: {  	_ =	swait.ge [sflag:s22], s20  }
0x9f: {  	s3 =	ssub.s32 $0x0, s20;
	[sflag:s22] =	ssyncset.done $0x0  }
0xa0: {  	[sflag:s22] =	ssyncadd.s32 s3;
	_ =	sdelay $0x1  }
0xa1: {  	s23 =	simm.s32 $0x1B8B  }
0xa2: {  	_ =	swait.ge [sflag:s23], $0x1  }
0xa3: {  	[sflag:s23] =	ssyncset.done $0x0  }
0xa4: {  	s25 =	simm.s32 $0x1B8E;
	s24 =	sld [smem:$0x3FFE];
	[sflag:s23] =	ssyncadd.s32 $0xFFFFFFFF  }
0xa5: {  	s26 =	simm.s32 $execute0_lowered;
	[smem:$0x3FD2] =	sst s25  }
0xa6: {  	s4 =	sshll.u32 s26, $0x1;
	_ =	strace $0x8000004C;
	[dreg:$0x1] =	wrdreg $0xFFFFFFFF  }
0xa7: {  	s28 =	simm.s32 $_size_execute0_lowered;
	s2 =	sadd.s32 s2, s4;
	[dreg:$0x0] =	wrdreg $0x0  }
0xa8: {  	s4 =	sshll.u32 s28, $0x1;
	[dreg:$0x2] =	wrdreg s2  }
0xa9: {  	[dreg:$0x3] =	wrdreg s4  }
0xaa: {  	[dreg:$0x4] =	wrdreg $0xC0  }
0xab: {  	_ =	task [dreg:s6], $0x5FFFF  }
0xac: {  	[dreg:$0x1] =	wrdreg $0xFFFFFFFF  }
0xad: {  	[dreg:$0x0] =	wrdreg $0x60  }
0xae: {  	[dreg:$0x2] =	wrdreg s24  }
0xaf: {  	[dreg:$0x3] =	wrdreg $0x92000  }
0xb0: {  	[dreg:$0x4] =	wrdreg $0x9  }
0xb1: {  	_ =	task.clear_ibuf [dreg:s6], $0x5FFFF;
	_ =	strace $0x9000004C  }
0xb2: {  	s29 =	simm.s32 $0x9;
	_ =	strace $0x8000004E  }
0xb3: {  	_ =	swait.ge [sflag:s29], $0x1  }
0xb4: {  	[sflag:s29] =	ssyncadd.s32 $0xFFFFFFFF  }
0xb5: {  	_ =	strace $0x9000004E  }
0xb6: {  	_ =	sfence  }
0xb7: {  	s30 =	sld [smem:$0x0];
	_ =	sdelay $0x2  }
0xb8: {  	s31 =	sshll.u32 s1, $0xD;
	s1 =	sshrl.u32 s1, $0x2  }
0xb9: {  	s3 =	sand.u32 $0x4000, s31;
	s1 =	sadd.s32 s1, s30  }
0xba: {  	s0 =	sor.u32 s3, s0;
	s1 =	sshll.u32 s1, $0x11  }
0xbb: {  	s0 =	sor.u32 s1, s0  }
0xbc: {  	s0 =	sadd.s32 $0x8F2B, s0  }
0xbd: {  	[sflag:s0] =	ssyncadd.remote.s32 $0x1  }
0xbe: {  	_ =	sfence.sel $0xFFFF  }
0xbf: {  	[dreg:$0x0] =	wrdreg $0xFFFFFFFF;
	(pc) =	sbr.abs _section_cstart, $3  }
0xc0: {  	[dreg:$0x1] =	wrdreg $0xFFFFFFFF  }
0xc1: {  	_ =	task.clear_ibuf [dreg:s6], $0x2FFFF;
	_ =	strace $0x9FFFFFFF  }
0xc2: {  	(tm) =	ssettm $0x7FFFFFFF  }
0xc3: {  	_ =	shalt  }
tec
execute0_lowered:
.L_overlay_start_1:
0x0: {  	(tag) =	ssettag $0x1  }
0x1: {  	s6 =	rddreg [dreg:$0x0]  }
0x2: {  	s2 =	rddreg [dreg:$0x1]  }
0x3: {  	s0 =	rddreg [dreg:$0x2];
	s3 =	simm.s32 $0x0;
	s1 =	stileid.u32  }
0x4: {  	s8 =	srdreg.scid;
	s13 =	simm.s32 $0x4200;
	s19 =	simm.s32 $0x1  }
0x5: {  	s20 =	simm.s32 $0x4100;
	s21 =	simm.s32 $0x6A00;
	s22 =	simm.s32 $0x4080  }
0x6: {  	s23 =	simm.s32 $0x2;
	[smem:$0x7FF] =	sst s3;
	s5 =	sshll.u32 s1, $0xB  }
0x7: {  	s4 =	sadd.s32 $0x14C00, s6;
	s9 =	sadd.s32 $0x3BE00, s6;
	s26 =	smul.u32 $0x13800, s1  }
0x8: {  	s24 =	sand.u32 $0x1, s8;
	s28 =	smul.u32 $0x4E000, s1;
	s18 =	sadd.s32 $0x138000, s2  }
0x9: {  	p0 =	sne.s32 s1, $0xF;
	s14 =	sshll.u32 s1, $0x6;
	_ =	strace $0x8000004D  }
0xa: {  	s7 =	sadd.s32 s5, s6;
	s5 =	sadd.s32 $0x13E00, s6;
	s8 =	ssub.s32 $0x2, s24  }
0xb: {  	s10 =	sshll.u32 s24, $0xF;
	s11 =	smul.u32 $0x138800, s24;
	s14 =	sor.u32 $0x1C03, s14  }
0xc: {  	s18 =	sshrl.u32 @!p0 s18, $0x3;
	s24 =	simm.s32 $0x4180;
	s25 =	sshrl.u32 s8, $0x1  }
0xd: {  	s7 =	sadd.s32 s10, s7;
	s31 =	sshrl.u32 s28, $0x2;
	s12 =	ssub.s32 s8, s25  }
0xe: {  	s6 =	sadd.s32 $0x3E00, s7;
	s29 =	sadd.s32 s26, s11;
	s30 =	sshrl.u32 s11, $0x3  }
0xf: {  	s15 =	sadd.s32 s31, s2;
	s11 =	simm.s32 $0x50;
	s25 =	simm.s32 $0x0  }
0x10: {  	s8 =	sshrl.u32 s29, $0x3;
	s10 =	sadd.s32 s9, s30;
	s16 =	sadd.s32 $0x6800, s15  }
0x11: {  	s17 =	sadd.s32 $0xD000, s15;
	s15 =	sshrl.u32 s15, $0x3;
	s7 =	sadd.s32 s9, s8  }
0x12: {  	s8 =	sadd.s32 $0x27000, s10;
	s9 =	smax.u32 s12, $0x1;
	s10 =	simm.s32 $0x3  }
0x13: {  	s12 =	simm.s32 $0x4000;
	s16 =	sshrl.u32 s16, $0x3;
	s17 =	sshrl.u32 s17, $0x3  }
.LBB2_1:
0x14: {  	[tilespmem:s3], [sflag:$0x3] =	stream.linear.gather [hbm4b:s6+s3], $0x3E80, $0x38;
	[tilespmem:$0x1CAC0] =	vst v63  }
0x15: {  	_ =	swait.ge [sflag:s10], $0x3E80  }
0x16: {  	[sflag:s10] =	ssyncset.done $0x0  }
0x17: {  	[sflag:s10] =	ssyncadd.s32 $0xFFFFC180  }
0x18: {  	v0 =	vld [tilespmem:$0x0];
	_ =	sdelay $0x1  }
0x19: {  	v1 =	vld [tilespmem:$0x10];
	_ =	sdelay $0x1  }
0x1a: {  	v2 =	vld [tilespmem:$0x20]  }
0x1b: {  	v3 =	vand.u32 $0x3FFF, v0  }
0x1c: {  	v0 =	vshra.s32 v0, $0xE;
	[tilespmem:$0x4000] =	vst v3;
	v3 =	vld [tilespmem:$0x30]  }
0x1d: {  	[tilespmem:$0x4080] =	vst v0;
	v0 =	vand.u32 $0x3FFF, v1  }
0x1e: {  	[tilespmem:$0x4010] =	vst v0;
	v0 =	vshra.s32 v1, $0xE;
	v1 =	vld [tilespmem:$0x40]  }
0x1f: {  	[tilespmem:$0x4090] =	vst v0;
	v0 =	vand.u32 $0x3FFF, v2  }
0x20: {  	[tilespmem:$0x4020] =	vst v0;
	v0 =	vshra.s32 v2, $0xE  }
0x21: {  	[tilespmem:$0x40A0] =	vst v0;
	v0 =	vand.u32 $0x3FFF, v3  }
0x22: {  	[tilespmem:$0x4030] =	vst v0;
	v0 =	vshra.s32 v3, $0xE  }
0x23: {  	[tilespmem:$0x40B0] =	vst v0;
	v0 =	vand.u32 $0x3FFF, v1  }
0x24: {  	[tilespmem:$0x4040] =	vst v0;
	v0 =	vshra.s32 v1, $0xE  }
0x25: {  	[tilespmem:$0x40C0] =	vst v0  }
0x26: {  	[tilespmem:s13], [sflag:$0x1] =	stream.indirect.gather [hbm4b:s4+s11], $0x80, s12, s11, $0xb8;
	[tilespmem:$0x1CAC0] =	vst v63  }
0x27: {  	[spmem:s15], [sflag:s14] =	dma.local [hbm:s5], $0xD00  }
0x28: {  	_ =	swait.ge [sflag:s10], $0xD00  }
0x29: {  	[sflag:s10] =	ssyncset.done $0x0  }
0x2a: {  	[sflag:s10] =	ssyncadd.s32 $0xFFFFF300  }
0x2b: {  	[spmem:s16], [sflag:s14] =	dma.local [hbm:s5], $0xD00  }
0x2c: {  	_ =	swait.ge [sflag:s10], $0xD00  }
0x2d: {  	[sflag:s10] =	ssyncset.done $0x0  }
0x2e: {  	[sflag:s10] =	ssyncadd.s32 $0xFFFFF300  }
0x2f: {  	[spmem:s17], [sflag:s14] =	dma.local [hbm:s5], $0xD00  }
0x30: {  	_ =	swait.ge [sflag:s10], $0xD00  }
0x31: {  	[sflag:s10] =	ssyncset.done $0x0  }
0x32: {  	s26 =	simm.s32 @!p0 $0x1FC3;
	[sflag:s10] =	ssyncadd.s32 $0xFFFFF300  }
0x33: {  	[spmem:s18], [sflag:s26] =	dma.local @!p0 [hbm:s5], $0x100  }
0x34: {  	s26 =	simm.s32 @!p0 $0x3  }
0x35: {  	_ =	swait.ge @!p0 [sflag:s26], $0x100  }
0x36: {  	[sflag:s26] =	ssyncset.done @!p0 $0x0  }
0x37: {  	[sflag:s26] =	ssyncadd.s32 @!p0 $0xFFFFFF00  }
0x38: {  	s31 =	simm.s32 $0x0;
	[bflag:$0x0] =	sbarrier.arrive $0xFFFF  }
0x39: {  	v0 =	vld [tilespmem:s31+$0x80];
	_ =	sdelay $0x4  }
0x3a: {  	v1 =	vand.u32 $0x3FFF, v0  }
0x3b: {  	v0 =	vshra.s32 v0, $0xE;
	[tilespmem:$0x4100] =	vst v1  }
0x3c: {  	[tilespmem:$0x4180] =	vst v0  }
0x3d: {  	v0 =	vld [tilespmem:s31+$0x90];
	_ =	sdelay $0x4  }
0x3e: {  	v1 =	vand.u32 $0x3FFF, v0  }
0x3f: {  	v0 =	vshra.s32 v0, $0xE;
	[tilespmem:$0x4110] =	vst v1  }
0x40: {  	[tilespmem:$0x4190] =	vst v0  }
0x41: {  	v0 =	vld [tilespmem:s31+$0xA0];
	_ =	sdelay $0x4  }
0x42: {  	v1 =	vand.u32 $0x3FFF, v0  }
0x43: {  	v0 =	vshra.s32 v0, $0xE;
	[tilespmem:$0x4120] =	vst v1  }
0x44: {  	[tilespmem:$0x41A0] =	vst v0  }
0x45: {  	v0 =	vld [tilespmem:s31+$0xB0];
	_ =	sdelay $0x4  }
0x46: {  	v1 =	vand.u32 $0x3FFF, v0  }
0x47: {  	v0 =	vshra.s32 v0, $0xE;
	[tilespmem:$0x4130] =	vst v1  }
0x48: {  	[tilespmem:$0x41B0] =	vst v0  }
0x49: {  	v0 =	vld [tilespmem:s31+$0xC0];
	_ =	sdelay $0x4  }
0x4a: {  	v1 =	vand.u32 $0x3FFF, v0  }
0x4b: {  	v0 =	vshra.s32 v0, $0xE;
	[tilespmem:$0x4140] =	vst v1  }
0x4c: {  	[tilespmem:$0x41C0] =	vst v0  }
0x4d: {  	_ =	swait.ge [sflag:s19], $0x2800  }
0x4e: {  	[sflag:s19] =	ssyncset.done $0x0  }
0x4f: {  	[sflag:s19] =	ssyncadd.s32 $0xFFFFD800  }
0x50: {  	[tilespmem:s21], [sflag:$0x2] =	stream.indirect.gather [hbm4b:s4+s11], $0x80, s20, s11, $0xb8;
	[tilespmem:$0x1CAC0] =	vst v63  }
0x51: {  	_ = 	snop  }
0x52: {  	[spmem:s2] =	stream.indirect.scatter.add.f32 [tilespmem:s13], [sflag:$0x3], $0x80, s22, s11, $0xb8;
	[tilespmem:$0x1CAC0] =	vst v63  }
0x53: {  	_ =	swait.ge [sflag:s10], $0x2800  }
0x54: {  	[sflag:s10] =	ssyncset.done $0x0  }
0x55: {  	[sflag:s10] =	ssyncadd.s32 $0xFFFFD800  }
0x56: {  	v0 =	vld [tilespmem:s31+$0x100];
	_ =	sdelay $0x4  }
0x57: {  	v1 =	vand.u32 $0x3FFF, v0  }
0x58: {  	v0 =	vshra.s32 v0, $0xE;
	[tilespmem:$0x4000] =	vst v1  }
0x59: {  	[tilespmem:$0x4080] =	vst v0  }
0x5a: {  	v0 =	vld [tilespmem:s31+$0x110];
	_ =	sdelay $0x4  }
0x5b: {  	v1 =	vand.u32 $0x3FFF, v0  }
0x5c: {  	v0 =	vshra.s32 v0, $0xE;
	[tilespmem:$0x4010] =	vst v1  }
0x5d: {  	[tilespmem:$0x4090] =	vst v0  }
0x5e: {  	v0 =	vld [tilespmem:s31+$0x120];
	_ =	sdelay $0x4  }
0x5f: {  	v1 =	vand.u32 $0x3FFF, v0  }
0x60: {  	v0 =	vshra.s32 v0, $0xE;
	[tilespmem:$0x4020] =	vst v1  }
0x61: {  	[tilespmem:$0x40A0] =	vst v0  }
0x62: {  	v0 =	vld [tilespmem:s31+$0x130];
	_ =	sdelay $0x4  }
0x63: {  	v1 =	vand.u32 $0x3FFF, v0  }
0x64: {  	v0 =	vshra.s32 v0, $0xE;
	[tilespmem:$0x4030] =	vst v1  }
0x65: {  	[tilespmem:$0x40B0] =	vst v0  }
0x66: {  	v0 =	vld [tilespmem:s31+$0x140];
	_ =	sdelay $0x4  }
0x67: {  	s26 =	simm.s32 $0x400;
	v1 =	vand.u32 $0x3FFF, v0;
	v0 =	vshra.s32 v0, $0xE  }
.LBB2_2:
0x68: {  	p1 =	sne.s32 s26, $0xF400;
	[tilespmem:$0x4040] =	vst v1;
	s28 =	smov.u32 s26;
	s26 =	sadd.s32 $0x400, s26  }
0x69: {  	[tilespmem:$0x40C0] =	vst v0  }
0x6a: {  	_ =	swait.ge [sflag:s23], $0x2800  }
0x6b: {  	[sflag:s23] =	ssyncset.done $0x0  }
0x6c: {  	[sflag:s23] =	ssyncadd.s32 $0xFFFFD800  }
0x6d: {  	[tilespmem:s13], [sflag:$0x1] =	stream.indirect.gather [hbm4b:s4+s11], $0x80, s12, s11, $0xb8;
	[tilespmem:$0x1CAC0] =	vst v63  }
0x6e: {  	_ = 	snop  }
0x6f: {  	[spmem:s2] =	stream.indirect.scatter.add.f32 [tilespmem:s21], [sflag:$0x3], $0x80, s24, s11, $0xb8;
	[tilespmem:$0x1CAC0] =	vst v63  }
0x70: {  	_ =	swait.ge [sflag:s10], $0x2800  }
0x71: {  	[sflag:s10] =	ssyncset.done $0x0  }
0x72: {  	s28 =	sshra.s32 s28, $0x2;
	[sflag:s10] =	ssyncadd.s32 $0xFFFFD800  }
0x73: {  	v0 =	vld [tilespmem:s28+$0x80];
	_ =	sdelay $0x4  }
0x74: {  	v1 =	vand.u32 $0x3FFF, v0;
	v0 =	vshra.s32 v0, $0xE  }
0x75: {  	[tilespmem:$0x4100] =	vst v1  }
0x76: {  	[tilespmem:$0x4180] =	vst v0  }
0x77: {  	v0 =	vld [tilespmem:s28+$0x90];
	_ =	sdelay $0x4  }
0x78: {  	v1 =	vand.u32 $0x3FFF, v0;
	v0 =	vshra.s32 v0, $0xE  }
0x79: {  	[tilespmem:$0x4110] =	vst v1  }
0x7a: {  	[tilespmem:$0x4190] =	vst v0  }
0x7b: {  	v0 =	vld [tilespmem:s28+$0xA0];
	_ =	sdelay $0x4  }
0x7c: {  	v1 =	vand.u32 $0x3FFF, v0;
	v0 =	vshra.s32 v0, $0xE  }
0x7d: {  	[tilespmem:$0x4120] =	vst v1  }
0x7e: {  	[tilespmem:$0x41A0] =	vst v0  }
0x7f: {  	v0 =	vld [tilespmem:s28+$0xB0];
	_ =	sdelay $0x4  }
0x80: {  	v1 =	vand.u32 $0x3FFF, v0;
	v0 =	vshra.s32 v0, $0xE  }
0x81: {  	[tilespmem:$0x4130] =	vst v1  }
0x82: {  	[tilespmem:$0x41B0] =	vst v0  }
0x83: {  	v0 =	vld [tilespmem:s28+$0xC0];
	_ =	sdelay $0x4  }
0x84: {  	v1 =	vand.u32 $0x3FFF, v0;
	v0 =	vshra.s32 v0, $0xE  }
0x85: {  	[tilespmem:$0x4140] =	vst v1  }
0x86: {  	[tilespmem:$0x41C0] =	vst v0  }
0x87: {  	_ =	swait.ge [sflag:s19], $0x2800  }
0x88: {  	[sflag:s19] =	ssyncset.done $0x0  }
0x89: {  	[sflag:s19] =	ssyncadd.s32 $0xFFFFD800  }
0x8a: {  	[tilespmem:s21], [sflag:$0x2] =	stream.indirect.gather [hbm4b:s4+s11], $0x80, s20, s11, $0xb8;
	[tilespmem:$0x1CAC0] =	vst v63  }
0x8b: {  	_ = 	snop  }
0x8c: {  	[spmem:s2] =	stream.indirect.scatter.add.f32 [tilespmem:s13], [sflag:$0x3], $0x80, s22, s11, $0xb8;
	[tilespmem:$0x1CAC0] =	vst v63  }
0x8d: {  	_ =	swait.ge [sflag:s10], $0x2800  }
0x8e: {  	[sflag:s10] =	ssyncset.done $0x0  }
0x8f: {  	[sflag:s10] =	ssyncadd.s32 $0xFFFFD800  }
0x90: {  	v0 =	vld [tilespmem:s28+$0x100];
	_ =	sdelay $0x4  }
0x91: {  	v1 =	vand.u32 $0x3FFF, v0;
	v0 =	vshra.s32 v0, $0xE  }
0x92: {  	[tilespmem:$0x4000] =	vst v1  }
0x93: {  	[tilespmem:$0x4080] =	vst v0  }
0x94: {  	v0 =	vld [tilespmem:s28+$0x110];
	_ =	sdelay $0x4  }
0x95: {  	v1 =	vand.u32 $0x3FFF, v0;
	v0 =	vshra.s32 v0, $0xE  }
0x96: {  	[tilespmem:$0x4010] =	vst v1  }
0x97: {  	[tilespmem:$0x4090] =	vst v0  }
0x98: {  	v0 =	vld [tilespmem:s28+$0x120];
	_ =	sdelay $0x4  }
0x99: {  	v1 =	vand.u32 $0x3FFF, v0;
	v0 =	vshra.s32 v0, $0xE  }
0x9a: {  	[tilespmem:$0x4020] =	vst v1  }
0x9b: {  	[tilespmem:$0x40A0] =	vst v0  }
0x9c: {  	v0 =	vld [tilespmem:s28+$0x130];
	_ =	sdelay $0x4  }
0x9d: {  	v1 =	vand.u32 $0x3FFF, v0;
	v0 =	vshra.s32 v0, $0xE  }
0x9e: {  	[tilespmem:$0x4030] =	vst v1  }
0x9f: {  	[tilespmem:$0x40B0] =	vst v0  }
0xa0: {  	v0 =	vld [tilespmem:s28+$0x140]  }
.Ltmp0:
0xa1: {  	(pc) =	sbr.rel @p1 .LBB2_2-.Ltmp0, $2  }
0xa2: {  	_ =	sdelay $0x2  }
0xa3: {  	v1 =	vand.u32 $0x3FFF, v0;
	v0 =	vshra.s32 v0, $0xE  }
0xa4: {  	[tilespmem:$0x4040] =	vst v1  }
0xa5: {  	[tilespmem:$0x40C0] =	vst v0  }
0xa6: {  	_ =	swait.ge [sflag:s23], $0x2800  }
0xa7: {  	[sflag:s23] =	ssyncset.done $0x0  }
0xa8: {  	[sflag:s23] =	ssyncadd.s32 $0xFFFFD800  }
0xa9: {  	[tilespmem:s13], [sflag:$0x1] =	stream.indirect.gather [hbm4b:s4+s11], $0x80, s12, s11, $0xb8;
	[tilespmem:$0x1CAC0] =	vst v63  }
0xaa: {  	_ = 	snop  }
0xab: {  	[spmem:s2] =	stream.indirect.scatter.add.f32 [tilespmem:s21], [sflag:$0x3], $0x80, s24, s11, $0xb8;
	[tilespmem:$0x1CAC0] =	vst v63  }
0xac: {  	_ =	swait.ge [sflag:s10], $0x2800  }
0xad: {  	[sflag:s10] =	ssyncset.done $0x0  }
0xae: {  	[sflag:s10] =	ssyncadd.s32 $0xFFFFD800  }
0xaf: {  	_ =	swait.ge [sflag:s19], $0x2800  }
0xb0: {  	[sflag:s19] =	ssyncset.done $0x0  }
0xb1: {  	[sflag:s19] =	ssyncadd.s32 $0xFFFFD800  }
0xb2: {  	[spmem:s2] =	stream.indirect.scatter.add.f32 [tilespmem:s13], [sflag:$0x3], $0x80, s22, s11, $0xb8;
	[tilespmem:$0x1CAC0] =	vst v63  }
0xb3: {  	_ =	swait.ge [sflag:s10], $0x2800  }
0xb4: {  	[sflag:s10] =	ssyncset.done $0x0  }
0xb5: {  	[sflag:s10] =	ssyncadd.s32 $0xFFFFD800  }
0xb6: {  	[bflag:$0x0] =	sbarrier.arrive $0xFFFF  }
0xb7: {  	[hbm:s7], [sflag:s14] =	dma.local [spmem:s15], $0x2700  }
0xb8: {  	s25 =	sadd.s32 $0x1, s25;
	_ =	swait.ge [sflag:s10], $0x2700  }
0xb9: {  	p1 =	sne.s32 s25, s9;
	[sflag:s10] =	ssyncset.done $0x0  }
.Ltmp1:
0xba: {  	s26 =	simm.s32 @!p0 $0x3;
	[sflag:s10] =	ssyncadd.s32 $0xFFFFD900;
	(pc) =	sbr.rel @p1 .LBB2_1-.Ltmp1, $4  }
0xbb: {  	[hbm:s8], [sflag:s14] =	dma.local @!p0 [spmem:s18], $0x100  }
0xbc: {  	_ =	swait.ge @!p0 [sflag:s26], $0x100  }
0xbd: {  	[sflag:s26] =	ssyncset.done @!p0 $0x0  }
0xbe: {  	[sflag:s26] =	ssyncadd.s32 @!p0 $0xFFFFFF00  }
0xbf: {  	_ =	sfence.sel $0x180000  }
0xc0: {  	[bflag:$0x0] =	sbarrier.arrive $0xFFFF  }
0xc1: {  	p0 =	sne.s32 s1, $0x0;
	_ =	strace $0x9000004D  }
0xc2: {  	s0 =	sadd.s32 @!p0 $0x100000, s0;
	[bflag:$0x2] =	sbarrier.arrive $0xFFFF  }
0xc3: {  	[sflag:s0] =	ssyncadd.tile.s32 @!p0 $0x1;
	_ =	shalt  }
.Lfunc_end2:
_tile_overlayer_lowered:
.L_overlay_start_2:
0xc4: {  	(tag) =	ssettag $0x2  }
0xc5: {  	s0 =	rddreg [dreg:$0x0];
	s2 =	stileid.u32  }
0xc6: {  	s1 =	rddreg [dreg:$0x1];
	p0 =	sne.s32 s2, $0x0  }
0xc7: {  	s3 =	rddreg [dreg:$0x2];
	[bflag:$0x3] =	sbarrier.arrive $0xFFFF;
	s2 =	simm.s32 @!p0 $0x1C03  }
0xc8: {  	[timem:s3], [sflag:s2] =	dma.local @!p0 [hbm:s0], s1  }
0xc9: {  	s0 =	simm.s32 @!p0 $0x3  }
0xca: {  	_ =	swait.ge @!p0 [sflag:s0], s1  }
0xcb: {  	s1 =	ssub.s32 @!p0 $0x0, s1;
	[sflag:s0] =	ssyncset.done @!p0 $0x0  }
0xcc: {  	[sflag:s0] =	ssyncadd.s32 @!p0 s1  }
0xcd: {  	[bflag:$0x3] =	sbarrier.arrive $0xFFFF  }
0xce: {  	_ =	shalt  }

// kernel: kernel.19.cloned.1.call-start
scs
__scs_entry_jumppad:
0x0: {  	(pc) =	sbr.rel $0x88, $3  }
0x1: {  	(tag) =	ssettag $0x0;
	lr =	simm.s32 $0x1  }
0x2: {  	[smem:$0x3F95] =	sst lr;
	_ =	strace $0xD0000000  }
0x3: {  	_ = 	snop  }
0x4: {  	_ = 	snop  }
0x5: {  	_ = 	snop  }
0x6: {  	_ = 	snop  }
0x7: {  	_ = 	snop  }
__scs_overlays_trampoline_lowered:
0x8: {  	[smem:$0x3FA4] =	sst s0  }
0x9: {  	[smem:$0x3FA5] =	sst s1  }
0xa: {  	[smem:$0x3FA6] =	sst s2  }
0xb: {  	[smem:$0x3FA7] =	sst s3  }
0xc: {  	[smem:$0x3FA8] =	sst s4  }
0xd: {  	[smem:$0x3FA9] =	sst s5  }
0xe: {  	[smem:$0x3FAA] =	sst s6  }
0xf: {  	[smem:$0x3FAB] =	sst s7  }
0x10: {  	[smem:$0x3FAC] =	sst s8  }
0x11: {  	[smem:$0x3FAD] =	sst s9;
	s0 =	simm.s32 @!p0 $0x0  }
0x12: {  	s1 =	sld [smem:$0x3F93];
	s0 =	simm.s32 @p0 $0x1  }
0x13: {  	[smem:$0x3FAE] =	sst s0;
	s0 =	simm.s32 @!p1 $0x0  }
0x14: {  	s2 =	sld [smem:$0x3F92];
	s0 =	simm.s32 @p1 $0x1  }
0x15: {  	[smem:$0x3FAF] =	sst s0;
	s0 =	simm.s32 @!p2 $0x0  }
0x16: {  	s3 =	sld [smem:$0x3FDB];
	s0 =	simm.s32 @p2 $0x1  }
0x17: {  	s4 =	simm.s32 $0x1BF5;
	[smem:$0x3FB1] =	sst s0  }
0x18: {  	s0 =	sld [smem:$0x3F94];
	_ =	swait.ge [sflag:s4], $0x0  }
0x19: {  	s7 =	sld [smem:$0x3F95]  }
0x1a: {  	s8 =	sadd.s32 $0xFFFFE003, lr  }
0x1b: {  	s9 =	sadd.s32 $0xFFFFFEF7, lr;
	s5 =	simm.s32 $0xFFFFFFFF;
	p2 =	slt.u32 s8, $0xFFFFF086  }
0x1c: {  	p1 =	slt.u32 s9, $0xF7A;
	s5 =	simm.s32 @!p2 $0x0  }
0x1d: {  	s5 =	simm.s32 @p1 $0x1;
	p0 =	seq.s32 s7, s2  }
0x1e: {  	s7 =	smul.u32 @!p0 $0xF7A, s2;
	p2 =	seq.s32 @!p0 s5, $0x0  }
0x1f: {  	s9 =	smul.u32 $0xF7A, s1;
	s8 =	simm.s32 @!p0 $0x1BF5;
	p2 =	por !p2, p0  }
0x20: {  	[sflag:s8] =	ssyncset.s32 @!p0 $0xFFFFF086;
	s6 =	sadd.s32 @!p0 s3, s7;
	s7 =	simm.s32 @!p0 $0x108  }
0x21: {  	s3 =	sadd.s32 s3, s9;
	s6 =	sadd.s32 @!p0 $0x88, s6;
	s7 =	simm.s32 @p2 $0x1082  }
0x22: {  	[simem:s7], [sflag:s8] =	dma.local @!p0 [hbm:s6], $0xF7A  }
0x23: {  	s9 =	sor.u32 $0xD0000000, s2;
	s6 =	simm.s32 $0x108;
	_ =	swait.ge @!p0 [sflag:s8], $0x0  }
0x24: {  	s3 =	sadd.s32 $0x88, s3;
	s6 =	simm.s32 @!p1 $0x1082;
	[sflag:s4] =	ssyncset.s32 $0xFFFFF086  }
0x25: {  	[simem:s6], [sflag:s4] =	dma.local [hbm:s3], $0xF7A  }
0x26: {  	[smem:$0x3F95] =	sst s1;
	(tag) =	ssettag s2;
	_ =	strace s9  }
0x27: {  	s1 =	sld [smem:$0x3FA5]  }
0x28: {  	s2 =	sld [smem:$0x3FA6]  }
0x29: {  	s4 =	sld [smem:$0x3FA8]  }
0x2a: {  	p0 =	seq.s32 s5, $0x0;
	s5 =	sld [smem:$0x3FA9]  }
0x2b: {  	s6 =	sld [smem:$0x3FAA]  }
0x2c: {  	s7 =	sld [smem:$0x3FAB]  }
0x2d: {  	s3 =	simm.s32 $0x108;
	s8 =	sld [smem:$0x3FAC]  }
0x2e: {  	s3 =	simm.s32 @!p0 $0x1082;
	s9 =	sld [smem:$0x3FAD]  }
0x2f: {  	lr =	sadd.s32 s0, s3;
	s0 =	sld [smem:$0x3FA4]  }
0x30: {  	s3 =	sld [smem:$0x3FA7]  }
0x31: {  	[smem:$0x3FB0] =	sst s10  }
0x32: {  	s10 =	sld [smem:$0x3FAE];
	_ =	sdelay $0x3  }
0x33: {  	p0 =	seq.s32 s10, $0x1;
	s10 =	sld [smem:$0x3FB0];
	_ =	sdelay $0x3  }
0x34: {  	[smem:$0x3FB0] =	sst s10  }
0x35: {  	s10 =	sld [smem:$0x3FAF];
	_ =	sdelay $0x3  }
0x36: {  	p1 =	seq.s32 s10, $0x1;
	s10 =	sld [smem:$0x3FB0];
	_ =	sdelay $0x3  }
0x37: {  	[smem:$0x3FB0] =	sst s10  }
0x38: {  	s10 =	sld [smem:$0x3FB1]  }
0x39: {  	_ = 	snop;
	(pc) =	sbr.ind lr, $3  }
0x3a: {  	_ = 	snop  }
0x3b: {  	_ = 	snop  }
0x3c: {  	p2 =	seq.s32 s10, $0x1;
	s10 =	sld [smem:$0x3FB0]  }
0x3d: {  	_ =	shalt  }
0x3e: {  	_ =	shalt  }
0x3f: {  	_ =	shalt  }
0x40: {  	_ =	shalt  }
0x41: {  	_ =	shalt  }
0x42: {  	_ =	shalt  }
0x43: {  	_ =	shalt  }
0x44: {  	_ =	shalt  }
0x45: {  	_ =	shalt  }
0x46: {  	_ =	shalt  }
0x47: {  	_ =	shalt  }
0x48: {  	_ =	shalt  }
0x49: {  	_ =	shalt  }
0x4a: {  	_ =	shalt  }
0x4b: {  	_ =	shalt  }
0x4c: {  	_ =	shalt  }
0x4d: {  	_ =	shalt  }
0x4e: {  	_ =	shalt  }
0x4f: {  	_ =	shalt  }
0x50: {  	_ =	shalt  }
0x51: {  	_ =	shalt  }
0x52: {  	_ =	shalt  }
0x53: {  	_ =	shalt  }
0x54: {  	_ =	shalt  }
0x55: {  	_ =	shalt  }
0x56: {  	_ =	shalt  }
0x57: {  	_ =	shalt  }
0x58: {  	_ =	shalt  }
0x59: {  	_ =	shalt  }
0x5a: {  	_ =	shalt  }
0x5b: {  	_ =	shalt  }
0x5c: {  	_ =	shalt  }
0x5d: {  	_ =	shalt  }
0x5e: {  	_ =	shalt  }
0x5f: {  	_ =	shalt  }
0x60: {  	_ =	shalt  }
0x61: {  	_ =	shalt  }
0x62: {  	_ =	shalt  }
0x63: {  	_ =	shalt  }
0x64: {  	_ =	shalt  }
0x65: {  	_ =	shalt  }
0x66: {  	_ =	shalt  }
0x67: {  	_ =	shalt  }
0x68: {  	_ =	shalt  }
0x69: {  	_ =	shalt  }
0x6a: {  	_ =	shalt  }
0x6b: {  	_ =	shalt  }
0x6c: {  	_ =	shalt  }
0x6d: {  	_ =	shalt  }
0x6e: {  	_ =	shalt  }
0x6f: {  	_ =	shalt  }
0x70: {  	_ =	shalt  }
0x71: {  	_ =	shalt  }
0x72: {  	_ =	shalt  }
0x73: {  	_ =	shalt  }
0x74: {  	_ =	shalt  }
0x75: {  	_ =	shalt  }
0x76: {  	_ =	shalt  }
0x77: {  	_ =	shalt  }
0x78: {  	_ =	shalt  }
0x79: {  	_ =	shalt  }
0x7a: {  	_ =	shalt  }
0x7b: {  	_ =	shalt  }
0x7c: {  	_ =	shalt  }
0x7d: {  	_ =	shalt  }
0x7e: {  	_ =	shalt  }
0x7f: {  	_ =	shalt  }
0x80: {  	_ =	shalt  }
0x81: {  	_ =	shalt  }
0x82: {  	_ =	shalt  }
0x83: {  	_ =	shalt  }
0x84: {  	_ =	shalt  }
0x85: {  	_ =	shalt  }
0x86: {  	_ =	shalt  }
0x87: {  	_ =	shalt  }
.Lfunc_end0:
.L_simem_size_0:
called_computation.3_lowered:
.L_overlay_start_0:
0x88: {  	s2 =	sld [smem:$0x3FD9]  }
0x89: {  	s3 =	sld [smem:$0x3FFE];
	_ =	sdelay $0x1  }
0x8a: {  	s1 =	srdreg.scid  }
0x8b: {  	s0 =	sand.u32 $0x1, s1  }
0x8c: {  	s16 =	sshll.u32 s0, $0xA;
	s2 =	sadd.s32 s3, s2  }
0x8d: {  	s2 =	sadd.s32 s2, s16  }
0x8e: {  	[smem:$0x3FBC] =	sst s2  }
0x8f: {  	_ = 	snop  }
0x90: {  	(tm) =	ssettm $0x1  }
0x91: {  	s17 =	sld [smem:$0x3FFB];
	_ =	sdelay $0x3  }
0x92: {  	_ =	strace s17  }
0x93: {  	s2 =	sld [smem:$0x3FFC];
	_ =	sdelay $0x3  }
0x94: {  	_ =	strace s2  }
0x95: {  	s2 =	sld [smem:$0x3FFD];
	_ =	sdelay $0x3  }
0x96: {  	_ =	strace s2  }
0x97: {  	_ =	strace $0x8FFFFFFF  }
0x98: {  	s18 =	sld [smem:$0x3FDB];
	_ =	sdelay $0x1  }
0x99: {  	s19 =	simm.s32 $_scs_section_size  }
0x9a: {  	s4 =	simm.s32 $_size__tile_overlayer_lowered;
	s5 =	simm.s32 $_tile_overlayer_lowered  }
0x9b: {  	s22 =	simm.s32 $0x1BFF;
	s21 =	sshll.u32 s5, $0x1;
	s2 =	sadd.s32 s19, s18  }
0x9c: {  	s6 =	simm.s32 $0x0;
	s20 =	sshll.u32 s4, $0x1;
	s4 =	sadd.s32 s21, s2  }
0x9d: {  	[timem:s6], [sflag:s22] =	dma.local [hbm:s4], s20  }
0x9e: {  	_ =	swait.ge [sflag:s22], s20  }
0x9f: {  	s3 =	ssub.s32 $0x0, s20;
	[sflag:s22] =	ssyncset.done $0x0  }
0xa0: {  	[sflag:s22] =	ssyncadd.s32 s3;
	_ =	sdelay $0x1  }
0xa1: {  	s23 =	simm.s32 $0x1B8B  }
0xa2: {  	_ =	swait.ge [sflag:s23], $0x1  }
0xa3: {  	[sflag:s23] =	ssyncset.done $0x0  }
0xa4: {  	s25 =	simm.s32 $0x1B8E;
	s24 =	sld [smem:$0x3FFE];
	[sflag:s23] =	ssyncadd.s32 $0xFFFFFFFF  }
0xa5: {  	s26 =	simm.s32 $execute0_lowered;
	[smem:$0x3FD2] =	sst s25  }
0xa6: {  	s4 =	sshll.u32 s26, $0x1;
	_ =	strace $0x8000004F;
	[dreg:$0x1] =	wrdreg $0xFFFFFFFF  }
0xa7: {  	s28 =	simm.s32 $_size_execute0_lowered;
	s2 =	sadd.s32 s2, s4;
	[dreg:$0x0] =	wrdreg $0x0  }
0xa8: {  	s4 =	sshll.u32 s28, $0x1;
	[dreg:$0x2] =	wrdreg s2  }
0xa9: {  	[dreg:$0x3] =	wrdreg s4  }
0xaa: {  	[dreg:$0x4] =	wrdreg $0xC0  }
0xab: {  	_ =	task [dreg:s6], $0x5FFFF  }
0xac: {  	[dreg:$0x1] =	wrdreg $0xFFFFFFFF  }
0xad: {  	[dreg:$0x0] =	wrdreg $0x60  }
0xae: {  	[dreg:$0x2] =	wrdreg s24  }
0xaf: {  	[dreg:$0x3] =	wrdreg $0x92000  }
0xb0: {  	[dreg:$0x4] =	wrdreg $0x9  }
0xb1: {  	_ =	task.clear_ibuf [dreg:s6], $0x5FFFF;
	_ =	strace $0x9000004F  }
0xb2: {  	s29 =	simm.s32 $0x9;
	_ =	strace $0x80000051  }
0xb3: {  	_ =	swait.ge [sflag:s29], $0x1  }
0xb4: {  	[sflag:s29] =	ssyncadd.s32 $0xFFFFFFFF  }
0xb5: {  	_ =	strace $0x90000051  }
0xb6: {  	_ =	sfence  }
0xb7: {  	s30 =	sld [smem:$0x0];
	_ =	sdelay $0x2  }
0xb8: {  	s31 =	sshll.u32 s1, $0xD;
	s1 =	sshrl.u32 s1, $0x2  }
0xb9: {  	s3 =	sand.u32 $0x4000, s31;
	s1 =	sadd.s32 s1, s30  }
0xba: {  	s0 =	sor.u32 s3, s0;
	s1 =	sshll.u32 s1, $0x11  }
0xbb: {  	s0 =	sor.u32 s1, s0  }
0xbc: {  	s0 =	sadd.s32 $0x8F2B, s0  }
0xbd: {  	[sflag:s0] =	ssyncadd.remote.s32 $0x1  }
0xbe: {  	_ =	sfence.sel $0xFFFF  }
0xbf: {  	[dreg:$0x0] =	wrdreg $0xFFFFFFFF;
	(pc) =	sbr.abs _section_cstart, $3  }
0xc0: {  	[dreg:$0x1] =	wrdreg $0xFFFFFFFF  }
0xc1: {  	_ =	task.clear_ibuf [dreg:s6], $0x2FFFF;
	_ =	strace $0x9FFFFFFF  }
0xc2: {  	(tm) =	ssettm $0x7FFFFFFF  }
0xc3: {  	_ =	shalt  }
tec
execute0_lowered:
.L_overlay_start_1:
0x0: {  	(tag) =	ssettag $0x1  }
0x1: {  	s6 =	rddreg [dreg:$0x0]  }
0x2: {  	s2 =	rddreg [dreg:$0x1]  }
0x3: {  	s0 =	rddreg [dreg:$0x2];
	s3 =	simm.s32 $0x0;
	s1 =	stileid.u32  }
0x4: {  	s8 =	srdreg.scid;
	s13 =	simm.s32 $0x4200;
	s19 =	simm.s32 $0x1  }
0x5: {  	s20 =	simm.s32 $0x4100;
	s21 =	simm.s32 $0x6A00;
	s22 =	simm.s32 $0x4080  }
0x6: {  	s23 =	simm.s32 $0x2;
	[smem:$0x7FF] =	sst s3;
	s5 =	sshll.u32 s1, $0xB  }
0x7: {  	s4 =	sadd.s32 $0x14C00, s6;
	s9 =	sadd.s32 $0x3BE00, s6;
	s26 =	smul.u32 $0x13800, s1  }
0x8: {  	s24 =	sand.u32 $0x1, s8;
	s28 =	smul.u32 $0x4E000, s1;
	s18 =	sadd.s32 $0x138000, s2  }
0x9: {  	p0 =	sne.s32 s1, $0xF;
	s14 =	sshll.u32 s1, $0x6;
	_ =	strace $0x80000050  }
0xa: {  	s7 =	sadd.s32 s5, s6;
	s5 =	sadd.s32 $0x13E00, s6;
	s8 =	ssub.s32 $0x2, s24  }
0xb: {  	s10 =	sshll.u32 s24, $0xF;
	s11 =	smul.u32 $0x138800, s24;
	s14 =	sor.u32 $0x1C03, s14  }
0xc: {  	s18 =	sshrl.u32 @!p0 s18, $0x3;
	s24 =	simm.s32 $0x4180;
	s25 =	sshrl.u32 s8, $0x1  }
0xd: {  	s7 =	sadd.s32 s10, s7;
	s31 =	sshrl.u32 s28, $0x2;
	s12 =	ssub.s32 s8, s25  }
0xe: {  	s6 =	sadd.s32 $0x3E00, s7;
	s29 =	sadd.s32 s26, s11;
	s30 =	sshrl.u32 s11, $0x3  }
0xf: {  	s15 =	sadd.s32 s31, s2;
	s11 =	simm.s32 $0x50;
	s25 =	simm.s32 $0x0  }
0x10: {  	s8 =	sshrl.u32 s29, $0x3;
	s10 =	sadd.s32 s9, s30;
	s16 =	sadd.s32 $0x6800, s15  }
0x11: {  	s17 =	sadd.s32 $0xD000, s15;
	s15 =	sshrl.u32 s15, $0x3;
	s7 =	sadd.s32 s9, s8  }
0x12: {  	s8 =	sadd.s32 $0x27000, s10;
	s9 =	smax.u32 s12, $0x1;
	s10 =	simm.s32 $0x3  }
0x13: {  	s12 =	simm.s32 $0x4000;
	s16 =	sshrl.u32 s16, $0x3;
	s17 =	sshrl.u32 s17, $0x3  }
.LBB2_1:
0x14: {  	[tilespmem:s3], [sflag:$0x3] =	stream.linear.gather [hbm4b:s6+s3], $0x3E80, $0x38;
	[tilespmem:$0x1CAC0] =	vst v63  }
0x15: {  	_ =	swait.ge [sflag:s10], $0x3E80  }
0x16: {  	[sflag:s10] =	ssyncset.done $0x0  }
0x17: {  	[sflag:s10] =	ssyncadd.s32 $0xFFFFC180  }
0x18: {  	v0 =	vld [tilespmem:$0x0];
	_ =	sdelay $0x1  }
0x19: {  	v1 =	vld [tilespmem:$0x10];
	_ =	sdelay $0x1  }
0x1a: {  	v2 =	vld [tilespmem:$0x20]  }
0x1b: {  	v3 =	vand.u32 $0x3FFF, v0  }
0x1c: {  	v0 =	vshra.s32 v0, $0xE;
	[tilespmem:$0x4000] =	vst v3;
	v3 =	vld [tilespmem:$0x30]  }
0x1d: {  	[tilespmem:$0x4080] =	vst v0;
	v0 =	vand.u32 $0x3FFF, v1  }
0x1e: {  	[tilespmem:$0x4010] =	vst v0;
	v0 =	vshra.s32 v1, $0xE;
	v1 =	vld [tilespmem:$0x40]  }
0x1f: {  	[tilespmem:$0x4090] =	vst v0;
	v0 =	vand.u32 $0x3FFF, v2  }
0x20: {  	[tilespmem:$0x4020] =	vst v0;
	v0 =	vshra.s32 v2, $0xE  }
0x21: {  	[tilespmem:$0x40A0] =	vst v0;
	v0 =	vand.u32 $0x3FFF, v3  }
0x22: {  	[tilespmem:$0x4030] =	vst v0;
	v0 =	vshra.s32 v3, $0xE  }
0x23: {  	[tilespmem:$0x40B0] =	vst v0;
	v0 =	vand.u32 $0x3FFF, v1  }
0x24: {  	[tilespmem:$0x4040] =	vst v0;
	v0 =	vshra.s32 v1, $0xE  }
0x25: {  	[tilespmem:$0x40C0] =	vst v0  }
0x26: {  	[tilespmem:s13], [sflag:$0x1] =	stream.indirect.gather [hbm4b:s4+s11], $0x80, s12, s11, $0xb8;
	[tilespmem:$0x1CAC0] =	vst v63  }
0x27: {  	[spmem:s15], [sflag:s14] =	dma.local [hbm:s5], $0xD00  }
0x28: {  	_ =	swait.ge [sflag:s10], $0xD00  }
0x29: {  	[sflag:s10] =	ssyncset.done $0x0  }
0x2a: {  	[sflag:s10] =	ssyncadd.s32 $0xFFFFF300  }
0x2b: {  	[spmem:s16], [sflag:s14] =	dma.local [hbm:s5], $0xD00  }
0x2c: {  	_ =	swait.ge [sflag:s10], $0xD00  }
0x2d: {  	[sflag:s10] =	ssyncset.done $0x0  }
0x2e: {  	[sflag:s10] =	ssyncadd.s32 $0xFFFFF300  }
0x2f: {  	[spmem:s17], [sflag:s14] =	dma.local [hbm:s5], $0xD00  }
0x30: {  	_ =	swait.ge [sflag:s10], $0xD00  }
0x31: {  	[sflag:s10] =	ssyncset.done $0x0  }
0x32: {  	s26 =	simm.s32 @!p0 $0x1FC3;
	[sflag:s10] =	ssyncadd.s32 $0xFFFFF300  }
0x33: {  	[spmem:s18], [sflag:s26] =	dma.local @!p0 [hbm:s5], $0x100  }
0x34: {  	s26 =	simm.s32 @!p0 $0x3  }
0x35: {  	_ =	swait.ge @!p0 [sflag:s26], $0x100  }
0x36: {  	[sflag:s26] =	ssyncset.done @!p0 $0x0  }
0x37: {  	[sflag:s26] =	ssyncadd.s32 @!p0 $0xFFFFFF00  }
0x38: {  	s31 =	simm.s32 $0x0;
	[bflag:$0x0] =	sbarrier.arrive $0xFFFF  }
0x39: {  	v0 =	vld [tilespmem:s31+$0x80];
	_ =	sdelay $0x4  }
0x3a: {  	v1 =	vand.u32 $0x3FFF, v0  }
0x3b: {  	v0 =	vshra.s32 v0, $0xE;
	[tilespmem:$0x4100] =	vst v1  }
0x3c: {  	[tilespmem:$0x4180] =	vst v0  }
0x3d: {  	v0 =	vld [tilespmem:s31+$0x90];
	_ =	sdelay $0x4  }
0x3e: {  	v1 =	vand.u32 $0x3FFF, v0  }
0x3f: {  	v0 =	vshra.s32 v0, $0xE;
	[tilespmem:$0x4110] =	vst v1  }
0x40: {  	[tilespmem:$0x4190] =	vst v0  }
0x41: {  	v0 =	vld [tilespmem:s31+$0xA0];
	_ =	sdelay $0x4  }
0x42: {  	v1 =	vand.u32 $0x3FFF, v0  }
0x43: {  	v0 =	vshra.s32 v0, $0xE;
	[tilespmem:$0x4120] =	vst v1  }
0x44: {  	[tilespmem:$0x41A0] =	vst v0  }
0x45: {  	v0 =	vld [tilespmem:s31+$0xB0];
	_ =	sdelay $0x4  }
0x46: {  	v1 =	vand.u32 $0x3FFF, v0  }
0x47: {  	v0 =	vshra.s32 v0, $0xE;
	[tilespmem:$0x4130] =	vst v1  }
0x48: {  	[tilespmem:$0x41B0] =	vst v0  }
0x49: {  	v0 =	vld [tilespmem:s31+$0xC0];
	_ =	sdelay $0x4  }
0x4a: {  	v1 =	vand.u32 $0x3FFF, v0  }
0x4b: {  	v0 =	vshra.s32 v0, $0xE;
	[tilespmem:$0x4140] =	vst v1  }
0x4c: {  	[tilespmem:$0x41C0] =	vst v0  }
0x4d: {  	_ =	swait.ge [sflag:s19], $0x2800  }
0x4e: {  	[sflag:s19] =	ssyncset.done $0x0  }
0x4f: {  	[sflag:s19] =	ssyncadd.s32 $0xFFFFD800  }
0x50: {  	[tilespmem:s21], [sflag:$0x2] =	stream.indirect.gather [hbm4b:s4+s11], $0x80, s20, s11, $0xb8;
	[tilespmem:$0x1CAC0] =	vst v63  }
0x51: {  	_ = 	snop  }
0x52: {  	[spmem:s2] =	stream.indirect.scatter.add.f32 [tilespmem:s13], [sflag:$0x3], $0x80, s22, s11, $0xb8;
	[tilespmem:$0x1CAC0] =	vst v63  }
0x53: {  	_ =	swait.ge [sflag:s10], $0x2800  }
0x54: {  	[sflag:s10] =	ssyncset.done $0x0  }
0x55: {  	[sflag:s10] =	ssyncadd.s32 $0xFFFFD800  }
0x56: {  	v0 =	vld [tilespmem:s31+$0x100];
	_ =	sdelay $0x4  }
0x57: {  	v1 =	vand.u32 $0x3FFF, v0  }
0x58: {  	v0 =	vshra.s32 v0, $0xE;
	[tilespmem:$0x4000] =	vst v1  }
0x59: {  	[tilespmem:$0x4080] =	vst v0  }
0x5a: {  	v0 =	vld [tilespmem:s31+$0x110];
	_ =	sdelay $0x4  }
0x5b: {  	v1 =	vand.u32 $0x3FFF, v0  }
0x5c: {  	v0 =	vshra.s32 v0, $0xE;
	[tilespmem:$0x4010] =	vst v1  }
0x5d: {  	[tilespmem:$0x4090] =	vst v0  }
0x5e: {  	v0 =	vld [tilespmem:s31+$0x120];
	_ =	sdelay $0x4  }
0x5f: {  	v1 =	vand.u32 $0x3FFF, v0  }
0x60: {  	v0 =	vshra.s32 v0, $0xE;
	[tilespmem:$0x4020] =	vst v1  }
0x61: {  	[tilespmem:$0x40A0] =	vst v0  }
0x62: {  	v0 =	vld [tilespmem:s31+$0x130];
	_ =	sdelay $0x4  }
0x63: {  	v1 =	vand.u32 $0x3FFF, v0  }
0x64: {  	v0 =	vshra.s32 v0, $0xE;
	[tilespmem:$0x4030] =	vst v1  }
0x65: {  	[tilespmem:$0x40B0] =	vst v0  }
0x66: {  	v0 =	vld [tilespmem:s31+$0x140];
	_ =	sdelay $0x4  }
0x67: {  	s26 =	simm.s32 $0x400;
	v1 =	vand.u32 $0x3FFF, v0;
	v0 =	vshra.s32 v0, $0xE  }
.LBB2_2:
0x68: {  	p1 =	sne.s32 s26, $0xF400;
	[tilespmem:$0x4040] =	vst v1;
	s28 =	smov.u32 s26;
	s26 =	sadd.s32 $0x400, s26  }
0x69: {  	[tilespmem:$0x40C0] =	vst v0  }
0x6a: {  	_ =	swait.ge [sflag:s23], $0x2800  }
0x6b: {  	[sflag:s23] =	ssyncset.done $0x0  }
0x6c: {  	[sflag:s23] =	ssyncadd.s32 $0xFFFFD800  }
0x6d: {  	[tilespmem:s13], [sflag:$0x1] =	stream.indirect.gather [hbm4b:s4+s11], $0x80, s12, s11, $0xb8;
	[tilespmem:$0x1CAC0] =	vst v63  }
0x6e: {  	_ = 	snop  }
0x6f: {  	[spmem:s2] =	stream.indirect.scatter.add.f32 [tilespmem:s21], [sflag:$0x3], $0x80, s24, s11, $0xb8;
	[tilespmem:$0x1CAC0] =	vst v63  }
0x70: {  	_ =	swait.ge [sflag:s10], $0x2800  }
0x71: {  	[sflag:s10] =	ssyncset.done $0x0  }
0x72: {  	s28 =	sshra.s32 s28, $0x2;
	[sflag:s10] =	ssyncadd.s32 $0xFFFFD800  }
0x73: {  	v0 =	vld [tilespmem:s28+$0x80];
	_ =	sdelay $0x4  }
0x74: {  	v1 =	vand.u32 $0x3FFF, v0;
	v0 =	vshra.s32 v0, $0xE  }
0x75: {  	[tilespmem:$0x4100] =	vst v1  }
0x76: {  	[tilespmem:$0x4180] =	vst v0  }
0x77: {  	v0 =	vld [tilespmem:s28+$0x90];
	_ =	sdelay $0x4  }
0x78: {  	v1 =	vand.u32 $0x3FFF, v0;
	v0 =	vshra.s32 v0, $0xE  }
0x79: {  	[tilespmem:$0x4110] =	vst v1  }
0x7a: {  	[tilespmem:$0x4190] =	vst v0  }
0x7b: {  	v0 =	vld [tilespmem:s28+$0xA0];
	_ =	sdelay $0x4  }
0x7c: {  	v1 =	vand.u32 $0x3FFF, v0;
	v0 =	vshra.s32 v0, $0xE  }
0x7d: {  	[tilespmem:$0x4120] =	vst v1  }
0x7e: {  	[tilespmem:$0x41A0] =	vst v0  }
0x7f: {  	v0 =	vld [tilespmem:s28+$0xB0];
	_ =	sdelay $0x4  }
0x80: {  	v1 =	vand.u32 $0x3FFF, v0;
	v0 =	vshra.s32 v0, $0xE  }
0x81: {  	[tilespmem:$0x4130] =	vst v1  }
0x82: {  	[tilespmem:$0x41B0] =	vst v0  }
0x83: {  	v0 =	vld [tilespmem:s28+$0xC0];
	_ =	sdelay $0x4  }
0x84: {  	v1 =	vand.u32 $0x3FFF, v0;
	v0 =	vshra.s32 v0, $0xE  }
0x85: {  	[tilespmem:$0x4140] =	vst v1  }
0x86: {  	[tilespmem:$0x41C0] =	vst v0  }
0x87: {  	_ =	swait.ge [sflag:s19], $0x2800  }
0x88: {  	[sflag:s19] =	ssyncset.done $0x0  }
0x89: {  	[sflag:s19] =	ssyncadd.s32 $0xFFFFD800  }
0x8a: {  	[tilespmem:s21], [sflag:$0x2] =	stream.indirect.gather [hbm4b:s4+s11], $0x80, s20, s11, $0xb8;
	[tilespmem:$0x1CAC0] =	vst v63  }
0x8b: {  	_ = 	snop  }
0x8c: {  	[spmem:s2] =	stream.indirect.scatter.add.f32 [tilespmem:s13], [sflag:$0x3], $0x80, s22, s11, $0xb8;
	[tilespmem:$0x1CAC0] =	vst v63  }
0x8d: {  	_ =	swait.ge [sflag:s10], $0x2800  }
0x8e: {  	[sflag:s10] =	ssyncset.done $0x0  }
0x8f: {  	[sflag:s10] =	ssyncadd.s32 $0xFFFFD800  }
0x90: {  	v0 =	vld [tilespmem:s28+$0x100];
	_ =	sdelay $0x4  }
0x91: {  	v1 =	vand.u32 $0x3FFF, v0;
	v0 =	vshra.s32 v0, $0xE  }
0x92: {  	[tilespmem:$0x4000] =	vst v1  }
0x93: {  	[tilespmem:$0x4080] =	vst v0  }
0x94: {  	v0 =	vld [tilespmem:s28+$0x110];
	_ =	sdelay $0x4  }
0x95: {  	v1 =	vand.u32 $0x3FFF, v0;
	v0 =	vshra.s32 v0, $0xE  }
0x96: {  	[tilespmem:$0x4010] =	vst v1  }
0x97: {  	[tilespmem:$0x4090] =	vst v0  }
0x98: {  	v0 =	vld [tilespmem:s28+$0x120];
	_ =	sdelay $0x4  }
0x99: {  	v1 =	vand.u32 $0x3FFF, v0;
	v0 =	vshra.s32 v0, $0xE  }
0x9a: {  	[tilespmem:$0x4020] =	vst v1  }
0x9b: {  	[tilespmem:$0x40A0] =	vst v0  }
0x9c: {  	v0 =	vld [tilespmem:s28+$0x130];
	_ =	sdelay $0x4  }
0x9d: {  	v1 =	vand.u32 $0x3FFF, v0;
	v0 =	vshra.s32 v0, $0xE  }
0x9e: {  	[tilespmem:$0x4030] =	vst v1  }
0x9f: {  	[tilespmem:$0x40B0] =	vst v0  }
0xa0: {  	v0 =	vld [tilespmem:s28+$0x140]  }
.Ltmp0:
0xa1: {  	(pc) =	sbr.rel @p1 .LBB2_2-.Ltmp0, $2  }
0xa2: {  	_ =	sdelay $0x2  }
0xa3: {  	v1 =	vand.u32 $0x3FFF, v0;
	v0 =	vshra.s32 v0, $0xE  }
0xa4: {  	[tilespmem:$0x4040] =	vst v1  }
0xa5: {  	[tilespmem:$0x40C0] =	vst v0  }
0xa6: {  	_ =	swait.ge [sflag:s23], $0x2800  }
0xa7: {  	[sflag:s23] =	ssyncset.done $0x0  }
0xa8: {  	[sflag:s23] =	ssyncadd.s32 $0xFFFFD800  }
0xa9: {  	[tilespmem:s13], [sflag:$0x1] =	stream.indirect.gather [hbm4b:s4+s11], $0x80, s12, s11, $0xb8;
	[tilespmem:$0x1CAC0] =	vst v63  }
0xaa: {  	_ = 	snop  }
0xab: {  	[spmem:s2] =	stream.indirect.scatter.add.f32 [tilespmem:s21], [sflag:$0x3], $0x80, s24, s11, $0xb8;
	[tilespmem:$0x1CAC0] =	vst v63  }
0xac: {  	_ =	swait.ge [sflag:s10], $0x2800  }
0xad: {  	[sflag:s10] =	ssyncset.done $0x0  }
0xae: {  	[sflag:s10] =	ssyncadd.s32 $0xFFFFD800  }
0xaf: {  	_ =	swait.ge [sflag:s19], $0x2800  }
0xb0: {  	[sflag:s19] =	ssyncset.done $0x0  }
0xb1: {  	[sflag:s19] =	ssyncadd.s32 $0xFFFFD800  }
0xb2: {  	[spmem:s2] =	stream.indirect.scatter.add.f32 [tilespmem:s13], [sflag:$0x3], $0x80, s22, s11, $0xb8;
	[tilespmem:$0x1CAC0] =	vst v63  }
0xb3: {  	_ =	swait.ge [sflag:s10], $0x2800  }
0xb4: {  	[sflag:s10] =	ssyncset.done $0x0  }
0xb5: {  	[sflag:s10] =	ssyncadd.s32 $0xFFFFD800  }
0xb6: {  	[bflag:$0x0] =	sbarrier.arrive $0xFFFF  }
0xb7: {  	[hbm:s7], [sflag:s14] =	dma.local [spmem:s15], $0x2700  }
0xb8: {  	s25 =	sadd.s32 $0x1, s25;
	_ =	swait.ge [sflag:s10], $0x2700  }
0xb9: {  	p1 =	sne.s32 s25, s9;
	[sflag:s10] =	ssyncset.done $0x0  }
.Ltmp1:
0xba: {  	s26 =	simm.s32 @!p0 $0x3;
	[sflag:s10] =	ssyncadd.s32 $0xFFFFD900;
	(pc) =	sbr.rel @p1 .LBB2_1-.Ltmp1, $4  }
0xbb: {  	[hbm:s8], [sflag:s14] =	dma.local @!p0 [spmem:s18], $0x100  }
0xbc: {  	_ =	swait.ge @!p0 [sflag:s26], $0x100  }
0xbd: {  	[sflag:s26] =	ssyncset.done @!p0 $0x0  }
0xbe: {  	[sflag:s26] =	ssyncadd.s32 @!p0 $0xFFFFFF00  }
0xbf: {  	_ =	sfence.sel $0x180000  }
0xc0: {  	[bflag:$0x0] =	sbarrier.arrive $0xFFFF  }
0xc1: {  	p0 =	sne.s32 s1, $0x0;
	_ =	strace $0x90000050  }
0xc2: {  	s0 =	sadd.s32 @!p0 $0x100000, s0;
	[bflag:$0x2] =	sbarrier.arrive $0xFFFF  }
0xc3: {  	[sflag:s0] =	ssyncadd.tile.s32 @!p0 $0x1;
	_ =	shalt  }
.Lfunc_end2:
_tile_overlayer_lowered:
.L_overlay_start_2:
0xc4: {  	(tag) =	ssettag $0x2  }
0xc5: {  	s0 =	rddreg [dreg:$0x0];
	s2 =	stileid.u32  }
0xc6: {  	s1 =	rddreg [dreg:$0x1];
	p0 =	sne.s32 s2, $0x0  }
0xc7: {  	s3 =	rddreg [dreg:$0x2];
	[bflag:$0x3] =	sbarrier.arrive $0xFFFF;
	s2 =	simm.s32 @!p0 $0x1C03  }
0xc8: {  	[timem:s3], [sflag:s2] =	dma.local @!p0 [hbm:s0], s1  }
0xc9: {  	s0 =	simm.s32 @!p0 $0x3  }
0xca: {  	_ =	swait.ge @!p0 [sflag:s0], s1  }
0xcb: {  	s1 =	ssub.s32 @!p0 $0x0, s1;
	[sflag:s0] =	ssyncset.done @!p0 $0x0  }
0xcc: {  	[sflag:s0] =	ssyncadd.s32 @!p0 s1  }
0xcd: {  	[bflag:$0x3] =	sbarrier.arrive $0xFFFF  }
0xce: {  	_ =	shalt  }

</sc_bundles>
